<compile_context>
chip_gen: v7x
topology: tpu7x:2x2x1
jax: 0.10.2.dev20260603
libtpu: 0.0.44.dev20260713+nightly
codegen_flags: <defaults>
</compile_context>

<pallas_src>
import functools

import jax
import jax.numpy as jnp
from jax import lax
from jax.experimental import pallas as pl
from jax.experimental.pallas import tpu as pltpu
from jax.experimental.pallas import tpu_sc as plsc

N_NODES = 10000
N_PAD = 10240
E_EDGES = 320000
D = 128

NC = 2
NS = 16
NW = NC * NS
E_PER_W = 10240
E_PAD = E_PER_W * NW
CHUNK = 128
NCHUNKS = E_PER_W // CHUNK
ROWS_PER_TILE = N_PAD // NS

NCH_PAIR = 2 * NCHUNKS
NCH_C0 = 114
NCH_C1 = NCH_PAIR - NCH_C0

_MESH = plsc.VectorSubcoreMesh(core_axis_name="c", subcore_axis_name="s")


def _fill_f32(ref, rows, width, val):
    groups = width // 16
    v = jnp.full((16,), val, jnp.float32)

    def body(i, _):
        r = i // groups
        g = i % groups
        ref[r, pl.ds(g * 16, 16)] = v
        return 0

    lax.fori_loop(0, rows * groups, body, 0)


@functools.partial(
    pl.kernel,
    out_type=jax.ShapeDtypeStruct((NC * N_PAD, D), jnp.float32),
    mesh=_MESH,
    scratch_types=[
        pltpu.VMEM((2, CHUNK), jnp.int32),
        pltpu.VMEM((CHUNK,), jnp.int32),
        pltpu.VMEM((2, CHUNK, D), jnp.float32),
        pltpu.VMEM_SHARED((N_PAD, D), jnp.float32),
        pltpu.SemaphoreType.DMA,
        pltpu.SemaphoreType.DMA,
    ],
)
def _spmm_kernel(h_hbm, src_hbm, dst_hbm, agg_hbm,
                 sidx_v, didx_v, rows_v, sh_agg, sem0, sem1):
    cid = lax.axis_index("c")
    sid = lax.axis_index("s")
    nch = jnp.where(cid == 0, NCH_C0, NCH_C1)
    base = (sid * NCH_PAIR + jnp.where(cid == 0, 0, NCH_C0)) * CHUNK
    sems = (sem0, sem1)

    _fill_f32(rows_v.at[0], CHUNK, D, 0.0)
    for k in range(ROWS_PER_TILE // CHUNK):
        row0 = sid * ROWS_PER_TILE + k * CHUNK
        pltpu.sync_copy(rows_v.at[0], sh_agg.at[pl.ds(row0, CHUNK)])
    plsc.subcore_barrier()

    pltpu.sync_copy(src_hbm.at[pl.ds(base, CHUNK)], sidx_v.at[0])
    pltpu.async_copy(h_hbm.at[sidx_v.at[0]], rows_v.at[0], sem0)

    def chunk(ci, _):
        b = lax.rem(ci, 2)
        nb = lax.rem(ci + 1, 2)

        @pl.when(ci + 1 < nch)
        def _prefetch():
            off = base + (ci + 1) * CHUNK
            pltpu.sync_copy(src_hbm.at[pl.ds(off, CHUNK)], sidx_v.at[nb])
            for i, s in enumerate(sems):
                @pl.when(nb == i)
                def _go():
                    pltpu.async_copy(h_hbm.at[sidx_v.at[nb]], rows_v.at[nb], s)

        for i, s in enumerate(sems):
            @pl.when(b == i)
            def _wait():
                pltpu.make_async_copy(h_hbm.at[sidx_v.at[b]], rows_v.at[b],
                                      s).wait()
        pltpu.sync_copy(dst_hbm.at[pl.ds(base + ci * CHUNK, CHUNK)], didx_v)
        pltpu.sync_copy(rows_v.at[b], sh_agg.at[didx_v], add=True)
        return 0

    lax.fori_loop(0, nch, chunk, 0)
    plsc.subcore_barrier()

    row0 = sid * ROWS_PER_TILE
    out0 = cid * N_PAD + sid * ROWS_PER_TILE
    pltpu.sync_copy(sh_agg.at[pl.ds(row0, ROWS_PER_TILE)],
                    agg_hbm.at[pl.ds(out0, ROWS_PER_TILE)])


@functools.partial(
    pl.kernel,
    out_type=jax.ShapeDtypeStruct((NC * N_PAD, D), jnp.float32),
    mesh=_MESH,
    scratch_types=[
        pltpu.VMEM((CHUNK,), jnp.int32),
        pltpu.VMEM((CHUNK, D), jnp.float32),
        pltpu.VMEM_SHARED((N_PAD, D), jnp.float32),
    ],
)
def _deg_kernel(idx_hbm, deg_hbm, idx_v, ones_v, sh_deg):
    cid = lax.axis_index("c")
    sid = lax.axis_index("s")
    wid = sid * NC + cid
    base = wid * E_PER_W

    _fill_f32(ones_v, CHUNK, D, 0.0)
    for k in range(ROWS_PER_TILE // CHUNK):
        row0 = sid * ROWS_PER_TILE + k * CHUNK
        pltpu.sync_copy(ones_v, sh_deg.at[pl.ds(row0, CHUNK)])
    _fill_f32(ones_v, CHUNK, D, 1.0)
    plsc.subcore_barrier()

    def chunk(ci, _):
        pltpu.sync_copy(idx_hbm.at[pl.ds(base + ci * CHUNK, CHUNK)], idx_v)
        pltpu.sync_copy(ones_v, sh_deg.at[idx_v], add=True)
        return 0

    lax.fori_loop(0, NCHUNKS, chunk, 0)
    plsc.subcore_barrier()

    row0 = sid * ROWS_PER_TILE
    out0 = cid * N_PAD + sid * ROWS_PER_TILE
    pltpu.sync_copy(sh_deg.at[pl.ds(row0, ROWS_PER_TILE)],
                    deg_hbm.at[pl.ds(out0, ROWS_PER_TILE)])


BLK = 1024
GRID = N_PAD // BLK


def _norm_from_deg(d0, d1):
    deg = (d0 + d1)[:, 0:1]
    return jnp.where(deg > 0, lax.rsqrt(jnp.maximum(deg, 1.0)), 0.0)


def _scale_body(x_ref, dego0_ref, dego1_ref, o_ref):
    norm_out = _norm_from_deg(dego0_ref[...], dego1_ref[...])
    o_ref[...] = x_ref[...] * norm_out


def _scale_call(x_pad, dego_p):
    return pl.pallas_call(
        _scale_body,
        out_shape=jax.ShapeDtypeStruct((N_PAD, D), jnp.float32),
        grid=(GRID,),
        in_specs=[
            pl.BlockSpec((BLK, D), lambda i: (i, 0)),
            pl.BlockSpec((BLK, D), lambda i: (i, 0)),
            pl.BlockSpec((BLK, D), lambda i: (i + GRID, 0)),
        ],
        out_specs=pl.BlockSpec((BLK, D), lambda i: (i, 0)),
    )(x_pad, dego_p, dego_p)


def _mm_body(a0_ref, a1_ref, degi0_ref, degi1_ref, dego0_ref, dego1_ref,
             w_ref, b_ref, o_ref, *, relu_and_scale):
    norm_in = _norm_from_deg(degi0_ref[...], degi1_ref[...])
    agg = (a0_ref[...] + a1_ref[...]) * norm_in
    out = jnp.dot(agg, w_ref[...], preferred_element_type=jnp.float32)
    out = out + b_ref[...]
    if relu_and_scale:
        out = jnp.maximum(out, 0.0)
        out = out * _norm_from_deg(dego0_ref[...], dego1_ref[...])
    o_ref[...] = out


def _mm_call(agg_p, degi_p, dego_p, w, b, relu_and_scale):
    body = functools.partial(_mm_body, relu_and_scale=relu_and_scale)
    return pl.pallas_call(
        body,
        out_shape=jax.ShapeDtypeStruct((N_PAD, D), jnp.float32),
        grid=(GRID,),
        in_specs=[
            pl.BlockSpec((BLK, D), lambda i: (i, 0)),
            pl.BlockSpec((BLK, D), lambda i: (i + GRID, 0)),
            pl.BlockSpec((BLK, D), lambda i: (i, 0)),
            pl.BlockSpec((BLK, D), lambda i: (i + GRID, 0)),
            pl.BlockSpec((BLK, D), lambda i: (i, 0)),
            pl.BlockSpec((BLK, D), lambda i: (i + GRID, 0)),
            pl.BlockSpec((D, D), lambda i: (0, 0)),
            pl.BlockSpec((1, D), lambda i: (0, 0)),
        ],
        out_specs=pl.BlockSpec((BLK, D), lambda i: (i, 0)),
    )(agg_p, agg_p, degi_p, degi_p, dego_p, dego_p, w, b)


def kernel(x, edge_index, W1, b1, W2, b2):
    src = edge_index[0]
    dst = edge_index[1]
    pad_idx = jnp.full((E_PAD - E_EDGES,), N_NODES, jnp.int32)
    src_p = jnp.concatenate([src, pad_idx])
    dst_p = jnp.concatenate([dst, pad_idx])
    x_pad = jnp.pad(x, ((0, N_PAD - N_NODES), (0, 0)))
    b1r = b1.reshape(1, D)
    b2r = b2.reshape(1, D)

    dego_p = _deg_kernel(src_p)
    degi_p = _deg_kernel(dst_p)
    h1 = _scale_call(x_pad, dego_p)
    agg1 = _spmm_kernel(h1, src_p, dst_p)
    h2 = _mm_call(agg1, degi_p, dego_p, W1, b1r, True)
    agg2 = _spmm_kernel(h2, src_p, dst_p)
    out = _mm_call(agg2, degi_p, dego_p, W2, b2r, False)
    return out[:N_NODES]

# --- scband reference (transcript-rebuilt; emitter-appended) ---
"""Pipeline reference for scband-gcn-24764781429371 (READ-ONLY COPY).

The authoritative reference and input builder live on the scoring server;
editing this copy changes nothing except your own understanding.
"""

import jax, jax.numpy as jnp
import numpy as np

N = 10000
E = 320000
D_IN = 128
D_HID = 128
D_OUT = 128


def setup_inputs(seed: int = 0) -> dict:
    key = jax.random.key(seed)
    k1, k2, k3, k4, k5, k6 = jax.random.split(key, 6)
    x = jax.random.normal(k1, (N, D_IN), dtype=jnp.float32)
    edge_index = jax.random.randint(k2, (2, E), 0, N, dtype=jnp.int32)
    W1 = jax.random.normal(k3, (D_IN, D_HID), dtype=jnp.float32) * (1.0 / np.sqrt(D_IN))
    b1 = jnp.zeros((D_HID,), dtype=jnp.float32)
    W2 = jax.random.normal(k4, (D_HID, D_OUT), dtype=jnp.float32) * (1.0 / np.sqrt(D_HID))
    b2 = jnp.zeros((D_OUT,), dtype=jnp.float32)
    return {"x": x, "edge_index": edge_index, "W1": W1, "b1": b1, "W2": W2, "b2": b2}


def _graph_conv(x, src, dst, W, b, activation):
    # DGL GraphConv with norm='both': D_out^{-1/2} applied to source feats,
    # sum aggregation over edges, D_in^{-1/2} applied to aggregated feats,
    # then linear transform + bias (aggregate-first since in_feats <= out_feats).
    deg_out = jnp.bincount(src, length=N).astype(x.dtype)
    deg_in = jnp.bincount(dst, length=N).astype(x.dtype)
    norm_out = jnp.where(deg_out > 0, jax.lax.rsqrt(jnp.maximum(deg_out, 1.0)), 0.0)
    norm_in = jnp.where(deg_in > 0, jax.lax.rsqrt(jnp.maximum(deg_in, 1.0)), 0.0)
    h = x * norm_out[:, None]
    msg = jnp.take(h, src, axis=0)
    agg = jax.ops.segment_sum(msg, dst, num_segments=N)
    agg = agg * norm_in[:, None]
    out = agg @ W + b
    if activation:
        out = jax.nn.relu(out)
    return out


def reference(x, edge_index, W1, b1, W2, b2):
    src = edge_index[0]
    dst = edge_index[1]
    h = _graph_conv(x, src, dst, W1, b1, activation=True)
    # dropout(0.2) is identity in eval mode
    h = _graph_conv(h, src, dst, W2, b2, activation=False)
    return h

if __name__ == "__main__":
    import jax
    _d = setup_inputs()
    print(jax.jit(kernel)(*tuple(_d.values())))

</pallas_src>

<mosaic_0001>
#map = affine_map<(d0, d1) -> (0)>
#map1 = affine_map<(d0, d1) -> (0, 0)>
module attributes {stable_mosaic.version = 14 : i64} {
  func.func @_deg_kernel(%arg0: i32, %arg1: i32, %arg2: memref<327680xi32, #tpu.memory_space<hbm>>, %arg3: memref<20480x128xf32, #tpu.memory_space<hbm>>, %arg4: memref<128xi32, #tpu.memory_space<vmem>>, %arg5: memref<128x128xf32, #tpu.memory_space<vmem>>, %arg6: memref<10240x128xf32, #tpu.memory_space<vmem_shared>>) attributes {dimension_semantics = [#tpu.dimension_semantics<core_parallel>, #tpu.dimension_semantics<subcore_parallel>], iteration_bounds = array<i64: 2, 16>, scalar_prefetch = 0 : i64, scratch_operands = 3 : i64, tpu.core_type = #tpu.core_type<sc_vector_subcore>, window_params = [{transform_indices = #map}, {transform_indices = #map1}]} {
    %mul3A = arith.constant 2 : i32
    %mul3A_0 = arith.muli %arg1, %mul3A : i32
    %add3A = arith.addi %mul3A_0, %arg0 : i32
    %mul3A_1 = arith.constant 10240 : i32
    %mul3A_2 = arith.muli %add3A, %mul3A_1 : i32
    %broadcast_in_dim3A = arith.constant 0.000000e+00 : f32
    %broadcast_in_dim3A_3 = vector.broadcast %broadcast_in_dim3A : f32 to vector<16xf32>
    %scan3A = arith.constant 0 : i32
    %scan3A_4 = arith.constant 0 : i32
    %scan3A_5 = arith.constant 1024 : i32
    %scan3A_6 = arith.addi %scan3A_4, %scan3A_5 : i32
    %scan3A_7 = arith.constant 1 : i32
    %scan3A_8 = scf.for %scan3A_54 = %scan3A_4 to %scan3A_6 step %scan3A_7 iter_args(%scan3A_55 = %scan3A) -> (i32)  : i32 {
      %jit3A = arith.constant 8 : i32
      %div3A = arith.divsi %scan3A_54, %jit3A : i32
      %sign3A = arith.constant 0 : i32
      %sign3A_56 = arith.cmpi sgt, %scan3A_54, %sign3A : i32
      %sign3A_57 = arith.extui %sign3A_56 : i1 to i32
      %sign3A_58 = arith.constant 0 : i32
      %sign3A_59 = arith.cmpi slt, %scan3A_54, %sign3A_58 : i32
      %sign3A_60 = arith.extui %sign3A_59 : i1 to i32
      %sign3A_61 = arith.subi %sign3A_57, %sign3A_60 : i32
      %sign3A_62 = arith.constant 0 : i32
      %sign3A_63 = arith.cmpi sgt, %jit3A, %sign3A_62 : i32
      %sign3A_64 = arith.extui %sign3A_63 : i1 to i32
      %sign3A_65 = arith.constant 0 : i32
      %sign3A_66 = arith.cmpi slt, %jit3A, %sign3A_65 : i32
      %sign3A_67 = arith.extui %sign3A_66 : i1 to i32
      %sign3A_68 = arith.subi %sign3A_64, %sign3A_67 : i32
      %ne3A = arith.cmpi ne, %sign3A_61, %sign3A_68 : i32
      %rem3A = arith.remsi %scan3A_54, %jit3A : i32
      %ne3A_69 = arith.constant 0 : i32
      %ne3A_70 = arith.cmpi ne, %rem3A, %ne3A_69 : i32
      %and3A = arith.andi %ne3A, %ne3A_70 : i1
      %sub3A = arith.constant 1 : i32
      %sub3A_71 = arith.subi %div3A, %sub3A : i32
      %select_n3A = arith.select %and3A, %sub3A_71, %div3A : i32
      %jit3A_72 = arith.constant 8 : i32
      %eq3A = arith.constant 0 : i32
      %eq3A_73 = arith.cmpi eq, %jit3A_72, %eq3A : i32
      %jit3A_74 = arith.constant 1 : i32
      %select_n3A_75 = arith.select %eq3A_73, %jit3A_74, %jit3A_72 : i32
      %rem3A_76 = arith.remsi %scan3A_54, %select_n3A_75 : i32
      %ne3A_77 = arith.constant 0 : i32
      %ne3A_78 = arith.cmpi ne, %rem3A_76, %ne3A_77 : i32
      %lt3A = arith.constant 0 : i32
      %lt3A_79 = arith.cmpi slt, %rem3A_76, %lt3A : i32
      %lt3A_80 = arith.constant 0 : i32
      %lt3A_81 = arith.cmpi slt, %select_n3A_75, %lt3A_80 : i32
      %ne3A_82 = arith.xori %lt3A_79, %lt3A_81 : i1
      %and3A_83 = arith.andi %ne3A_82, %ne3A_78 : i1
      %add3A_84 = arith.addi %rem3A_76, %select_n3A_75 : i32
      %select_n3A_85 = arith.select %and3A_83, %add3A_84, %rem3A_76 : i32
      %mul3A_86 = arith.constant 16 : i32
      %mul3A_87 = arith.muli %select_n3A_85, %mul3A_86 : i32
      %swap3A = arith.index_cast %select_n3A : i32 to index
      %swap3A_88 = arith.index_cast %mul3A_87 : i32 to index
      %swap3A_89 = tpu.vector_load %arg5[%swap3A, %swap3A_88] {strides = array<i32>} : memref<128x128xf32, #tpu.memory_space<vmem>>, vector<1x16xf32>,
      %swap3A_90 = vector.shape_cast %swap3A_89 : vector<1x16xf32> to vector<16xf32>
      %swap3A_91 = vector.shape_cast %broadcast_in_dim3A_3 : vector<16xf32> to vector<1x16xf32>
      tpu.vector_store %arg5[%swap3A, %swap3A_88], %swap3A_91 {strides = array<i32>} : memref<128x128xf32, #tpu.memory_space<vmem>>, vector<1x16xf32>,
      %scan3A_92 = arith.constant 0 : i32
      scf.yield %scan3A_92 : i32
    }
    %scan3A_9 = arith.constant 1024 : i32
    %mul3A_10 = arith.constant 640 : i32
    %mul3A_11 = arith.muli %arg1, %mul3A_10 : i32
    %add3A_12 = arith.constant 0 : i32
    %add3A_13 = arith.addi %mul3A_11, %add3A_12 : i32
    "tpu.region"() ({
      %run_scoped3A = tpu.sem_alloc : memref<!tpu.dma_semaphore, #tpu.memory_space<semaphore_mem>>
      %dma_start3A = arith.constant 0 : i32
      %dma_start3A_54 = tpu.memref_slice %arg6[%add3A_13, %dma_start3A] : memref<10240x128xf32, #tpu.memory_space<vmem_shared>> -> memref<128x128xf32, #tpu.memory_space<vmem_shared>>
      %dma_start3A_55 = arith.constant 0 : i32
      %dma_start3A_56 = tpu.memref_slice %arg6[%add3A_13, %dma_start3A_55] : memref<10240x128xf32, #tpu.memory_space<vmem_shared>> -> memref<128x128xf32, #tpu.memory_space<vmem_shared>>
      tpu.enqueue_dma source(%arg5 : memref<128x128xf32, #tpu.memory_space<vmem>>) target(%dma_start3A_56 : memref<128x128xf32, #tpu.memory_space<vmem_shared>>) target_semaphore(%run_scoped3A : memref<!tpu.dma_semaphore, #tpu.memory_space<semaphore_mem>>)
      %dma_wait3A = arith.constant 0 : i32
      %dma_wait3A_57 = tpu.memref_slice %arg6[%add3A_13, %dma_wait3A] : memref<10240x128xf32, #tpu.memory_space<vmem_shared>> -> memref<128x128xf32, #tpu.memory_space<vmem_shared>>
      %dma_wait3A_58 = arith.constant 0 : i32
      %dma_wait3A_59 = tpu.memref_slice %arg6[%add3A_13, %dma_wait3A_58] : memref<10240x128xf32, #tpu.memory_space<vmem_shared>> -> memref<128x128xf32, #tpu.memory_space<vmem_shared>>
      tpu.wait_dma2 semaphore(%run_scoped3A : memref<!tpu.dma_semaphore, #tpu.memory_space<semaphore_mem>>) src(%arg5 : memref<128x128xf32, #tpu.memory_space<vmem>>) dst(%dma_wait3A_59 : memref<128x128xf32, #tpu.memory_space<vmem_shared>>)
      tpu.yield
    }) : () -> ()
    %mul3A_14 = arith.constant 640 : i32
    %mul3A_15 = arith.muli %arg1, %mul3A_14 : i32
    %add3A_16 = arith.constant 128 : i32
    %add3A_17 = arith.addi %mul3A_15, %add3A_16 : i32
    "tpu.region"() ({
      %run_scoped3A = tpu.sem_alloc : memref<!tpu.dma_semaphore, #tpu.memory_space<semaphore_mem>>
      %dma_start3A = arith.constant 0 : i32
      %dma_start3A_54 = tpu.memref_slice %arg6[%add3A_17, %dma_start3A] : memref<10240x128xf32, #tpu.memory_space<vmem_shared>> -> memref<128x128xf32, #tpu.memory_space<vmem_shared>>
      %dma_start3A_55 = arith.constant 0 : i32
      %dma_start3A_56 = tpu.memref_slice %arg6[%add3A_17, %dma_start3A_55] : memref<10240x128xf32, #tpu.memory_space<vmem_shared>> -> memref<128x128xf32, #tpu.memory_space<vmem_shared>>
      tpu.enqueue_dma source(%arg5 : memref<128x128xf32, #tpu.memory_space<vmem>>) target(%dma_start3A_56 : memref<128x128xf32, #tpu.memory_space<vmem_shared>>) target_semaphore(%run_scoped3A : memref<!tpu.dma_semaphore, #tpu.memory_space<semaphore_mem>>)
      %dma_wait3A = arith.constant 0 : i32
      %dma_wait3A_57 = tpu.memref_slice %arg6[%add3A_17, %dma_wait3A] : memref<10240x128xf32, #tpu.memory_space<vmem_shared>> -> memref<128x128xf32, #tpu.memory_space<vmem_shared>>
      %dma_wait3A_58 = arith.constant 0 : i32
      %dma_wait3A_59 = tpu.memref_slice %arg6[%add3A_17, %dma_wait3A_58] : memref<10240x128xf32, #tpu.memory_space<vmem_shared>> -> memref<128x128xf32, #tpu.memory_space<vmem_shared>>
      tpu.wait_dma2 semaphore(%run_scoped3A : memref<!tpu.dma_semaphore, #tpu.memory_space<semaphore_mem>>) src(%arg5 : memref<128x128xf32, #tpu.memory_space<vmem>>) dst(%dma_wait3A_59 : memref<128x128xf32, #tpu.memory_space<vmem_shared>>)
      tpu.yield
    }) : () -> ()
    %mul3A_18 = arith.constant 640 : i32
    %mul3A_19 = arith.muli %arg1, %mul3A_18 : i32
    %add3A_20 = arith.constant 256 : i32
    %add3A_21 = arith.addi %mul3A_19, %add3A_20 : i32
    "tpu.region"() ({
      %run_scoped3A = tpu.sem_alloc : memref<!tpu.dma_semaphore, #tpu.memory_space<semaphore_mem>>
      %dma_start3A = arith.constant 0 : i32
      %dma_start3A_54 = tpu.memref_slice %arg6[%add3A_21, %dma_start3A] : memref<10240x128xf32, #tpu.memory_space<vmem_shared>> -> memref<128x128xf32, #tpu.memory_space<vmem_shared>>
      %dma_start3A_55 = arith.constant 0 : i32
      %dma_start3A_56 = tpu.memref_slice %arg6[%add3A_21, %dma_start3A_55] : memref<10240x128xf32, #tpu.memory_space<vmem_shared>> -> memref<128x128xf32, #tpu.memory_space<vmem_shared>>
      tpu.enqueue_dma source(%arg5 : memref<128x128xf32, #tpu.memory_space<vmem>>) target(%dma_start3A_56 : memref<128x128xf32, #tpu.memory_space<vmem_shared>>) target_semaphore(%run_scoped3A : memref<!tpu.dma_semaphore, #tpu.memory_space<semaphore_mem>>)
      %dma_wait3A = arith.constant 0 : i32
      %dma_wait3A_57 = tpu.memref_slice %arg6[%add3A_21, %dma_wait3A] : memref<10240x128xf32, #tpu.memory_space<vmem_shared>> -> memref<128x128xf32, #tpu.memory_space<vmem_shared>>
      %dma_wait3A_58 = arith.constant 0 : i32
      %dma_wait3A_59 = tpu.memref_slice %arg6[%add3A_21, %dma_wait3A_58] : memref<10240x128xf32, #tpu.memory_space<vmem_shared>> -> memref<128x128xf32, #tpu.memory_space<vmem_shared>>
      tpu.wait_dma2 semaphore(%run_scoped3A : memref<!tpu.dma_semaphore, #tpu.memory_space<semaphore_mem>>) src(%arg5 : memref<128x128xf32, #tpu.memory_space<vmem>>) dst(%dma_wait3A_59 : memref<128x128xf32, #tpu.memory_space<vmem_shared>>)
      tpu.yield
    }) : () -> ()
    %mul3A_22 = arith.constant 640 : i32
    %mul3A_23 = arith.muli %arg1, %mul3A_22 : i32
    %add3A_24 = arith.constant 384 : i32
    %add3A_25 = arith.addi %mul3A_23, %add3A_24 : i32
    "tpu.region"() ({
      %run_scoped3A = tpu.sem_alloc : memref<!tpu.dma_semaphore, #tpu.memory_space<semaphore_mem>>
      %dma_start3A = arith.constant 0 : i32
      %dma_start3A_54 = tpu.memref_slice %arg6[%add3A_25, %dma_start3A] : memref<10240x128xf32, #tpu.memory_space<vmem_shared>> -> memref<128x128xf32, #tpu.memory_space<vmem_shared>>
      %dma_start3A_55 = arith.constant 0 : i32
      %dma_start3A_56 = tpu.memref_slice %arg6[%add3A_25, %dma_start3A_55] : memref<10240x128xf32, #tpu.memory_space<vmem_shared>> -> memref<128x128xf32, #tpu.memory_space<vmem_shared>>
      tpu.enqueue_dma source(%arg5 : memref<128x128xf32, #tpu.memory_space<vmem>>) target(%dma_start3A_56 : memref<128x128xf32, #tpu.memory_space<vmem_shared>>) target_semaphore(%run_scoped3A : memref<!tpu.dma_semaphore, #tpu.memory_space<semaphore_mem>>)
      %dma_wait3A = arith.constant 0 : i32
      %dma_wait3A_57 = tpu.memref_slice %arg6[%add3A_25, %dma_wait3A] : memref<10240x128xf32, #tpu.memory_space<vmem_shared>> -> memref<128x128xf32, #tpu.memory_space<vmem_shared>>
      %dma_wait3A_58 = arith.constant 0 : i32
      %dma_wait3A_59 = tpu.memref_slice %arg6[%add3A_25, %dma_wait3A_58] : memref<10240x128xf32, #tpu.memory_space<vmem_shared>> -> memref<128x128xf32, #tpu.memory_space<vmem_shared>>
      tpu.wait_dma2 semaphore(%run_scoped3A : memref<!tpu.dma_semaphore, #tpu.memory_space<semaphore_mem>>) src(%arg5 : memref<128x128xf32, #tpu.memory_space<vmem>>) dst(%dma_wait3A_59 : memref<128x128xf32, #tpu.memory_space<vmem_shared>>)
      tpu.yield
    }) : () -> ()
    %mul3A_26 = arith.constant 640 : i32
    %mul3A_27 = arith.muli %arg1, %mul3A_26 : i32
    %add3A_28 = arith.constant 512 : i32
    %add3A_29 = arith.addi %mul3A_27, %add3A_28 : i32
    "tpu.region"() ({
      %run_scoped3A = tpu.sem_alloc : memref<!tpu.dma_semaphore, #tpu.memory_space<semaphore_mem>>
      %dma_start3A = arith.constant 0 : i32
      %dma_start3A_54 = tpu.memref_slice %arg6[%add3A_29, %dma_start3A] : memref<10240x128xf32, #tpu.memory_space<vmem_shared>> -> memref<128x128xf32, #tpu.memory_space<vmem_shared>>
      %dma_start3A_55 = arith.constant 0 : i32
      %dma_start3A_56 = tpu.memref_slice %arg6[%add3A_29, %dma_start3A_55] : memref<10240x128xf32, #tpu.memory_space<vmem_shared>> -> memref<128x128xf32, #tpu.memory_space<vmem_shared>>
      tpu.enqueue_dma source(%arg5 : memref<128x128xf32, #tpu.memory_space<vmem>>) target(%dma_start3A_56 : memref<128x128xf32, #tpu.memory_space<vmem_shared>>) target_semaphore(%run_scoped3A : memref<!tpu.dma_semaphore, #tpu.memory_space<semaphore_mem>>)
      %dma_wait3A = arith.constant 0 : i32
      %dma_wait3A_57 = tpu.memref_slice %arg6[%add3A_29, %dma_wait3A] : memref<10240x128xf32, #tpu.memory_space<vmem_shared>> -> memref<128x128xf32, #tpu.memory_space<vmem_shared>>
      %dma_wait3A_58 = arith.constant 0 : i32
      %dma_wait3A_59 = tpu.memref_slice %arg6[%add3A_29, %dma_wait3A_58] : memref<10240x128xf32, #tpu.memory_space<vmem_shared>> -> memref<128x128xf32, #tpu.memory_space<vmem_shared>>
      tpu.wait_dma2 semaphore(%run_scoped3A : memref<!tpu.dma_semaphore, #tpu.memory_space<semaphore_mem>>) src(%arg5 : memref<128x128xf32, #tpu.memory_space<vmem>>) dst(%dma_wait3A_59 : memref<128x128xf32, #tpu.memory_space<vmem_shared>>)
      tpu.yield
    }) : () -> ()
    %broadcast_in_dim3A_30 = arith.constant 1.000000e+00 : f32
    %broadcast_in_dim3A_31 = vector.broadcast %broadcast_in_dim3A_30 : f32 to vector<16xf32>
    %scan3A_32 = arith.constant 0 : i32
    %scan3A_33 = arith.constant 0 : i32
    %scan3A_34 = arith.constant 1024 : i32
    %scan3A_35 = arith.addi %scan3A_33, %scan3A_34 : i32
    %scan3A_36 = arith.constant 1 : i32
    %scan3A_37 = scf.for %scan3A_54 = %scan3A_33 to %scan3A_35 step %scan3A_36 iter_args(%scan3A_55 = %scan3A_32) -> (i32)  : i32 {
      %jit3A = arith.constant 8 : i32
      %div3A = arith.divsi %scan3A_54, %jit3A : i32
      %sign3A = arith.constant 0 : i32
      %sign3A_56 = arith.cmpi sgt, %scan3A_54, %sign3A : i32
      %sign3A_57 = arith.extui %sign3A_56 : i1 to i32
      %sign3A_58 = arith.constant 0 : i32
      %sign3A_59 = arith.cmpi slt, %scan3A_54, %sign3A_58 : i32
      %sign3A_60 = arith.extui %sign3A_59 : i1 to i32
      %sign3A_61 = arith.subi %sign3A_57, %sign3A_60 : i32
      %sign3A_62 = arith.constant 0 : i32
      %sign3A_63 = arith.cmpi sgt, %jit3A, %sign3A_62 : i32
      %sign3A_64 = arith.extui %sign3A_63 : i1 to i32
      %sign3A_65 = arith.constant 0 : i32
      %sign3A_66 = arith.cmpi slt, %jit3A, %sign3A_65 : i32
      %sign3A_67 = arith.extui %sign3A_66 : i1 to i32
      %sign3A_68 = arith.subi %sign3A_64, %sign3A_67 : i32
      %ne3A = arith.cmpi ne, %sign3A_61, %sign3A_68 : i32
      %rem3A = arith.remsi %scan3A_54, %jit3A : i32
      %ne3A_69 = arith.constant 0 : i32
      %ne3A_70 = arith.cmpi ne, %rem3A, %ne3A_69 : i32
      %and3A = arith.andi %ne3A, %ne3A_70 : i1
      %sub3A = arith.constant 1 : i32
      %sub3A_71 = arith.subi %div3A, %sub3A : i32
      %select_n3A = arith.select %and3A, %sub3A_71, %div3A : i32
      %jit3A_72 = arith.constant 8 : i32
      %eq3A = arith.constant 0 : i32
      %eq3A_73 = arith.cmpi eq, %jit3A_72, %eq3A : i32
      %jit3A_74 = arith.constant 1 : i32
      %select_n3A_75 = arith.select %eq3A_73, %jit3A_74, %jit3A_72 : i32
      %rem3A_76 = arith.remsi %scan3A_54, %select_n3A_75 : i32
      %ne3A_77 = arith.constant 0 : i32
      %ne3A_78 = arith.cmpi ne, %rem3A_76, %ne3A_77 : i32
      %lt3A = arith.constant 0 : i32
      %lt3A_79 = arith.cmpi slt, %rem3A_76, %lt3A : i32
      %lt3A_80 = arith.constant 0 : i32
      %lt3A_81 = arith.cmpi slt, %select_n3A_75, %lt3A_80 : i32
      %ne3A_82 = arith.xori %lt3A_79, %lt3A_81 : i1
      %and3A_83 = arith.andi %ne3A_82, %ne3A_78 : i1
      %add3A_84 = arith.addi %rem3A_76, %select_n3A_75 : i32
      %select_n3A_85 = arith.select %and3A_83, %add3A_84, %rem3A_76 : i32
      %mul3A_86 = arith.constant 16 : i32
      %mul3A_87 = arith.muli %select_n3A_85, %mul3A_86 : i32
      %swap3A = arith.index_cast %select_n3A : i32 to index
      %swap3A_88 = arith.index_cast %mul3A_87 : i32 to index
      %swap3A_89 = tpu.vector_load %arg5[%swap3A, %swap3A_88] {strides = array<i32>} : memref<128x128xf32, #tpu.memory_space<vmem>>, vector<1x16xf32>,
      %swap3A_90 = vector.shape_cast %swap3A_89 : vector<1x16xf32> to vector<16xf32>
      %swap3A_91 = vector.shape_cast %broadcast_in_dim3A_31 : vector<16xf32> to vector<1x16xf32>
      tpu.vector_store %arg5[%swap3A, %swap3A_88], %swap3A_91 {strides = array<i32>} : memref<128x128xf32, #tpu.memory_space<vmem>>, vector<1x16xf32>,
      %scan3A_92 = arith.constant 0 : i32
      scf.yield %scan3A_92 : i32
    }
    %scan3A_38 = arith.constant 1024 : i32
    %barrier3A = arith.constant 0 : index
    tpu.barrier barrier_id(%barrier3A)
    %scan3A_39 = arith.constant 0 : i32
    %scan3A_40 = arith.constant 0 : i32
    %scan3A_41 = arith.constant 80 : i32
    %scan3A_42 = arith.addi %scan3A_40, %scan3A_41 : i32
    %scan3A_43 = arith.constant 1 : i32
    %scan3A_44 = scf.for %scan3A_54 = %scan3A_40 to %scan3A_42 step %scan3A_43 iter_args(%scan3A_55 = %scan3A_39) -> (i32)  : i32 {
      %mul3A_56 = arith.constant 128 : i32
      %mul3A_57 = arith.muli %scan3A_54, %mul3A_56 : i32
      %add3A_58 = arith.addi %mul3A_2, %mul3A_57 : i32
      "tpu.region"() ({
        %run_scoped3A = tpu.sem_alloc : memref<!tpu.dma_semaphore, #tpu.memory_space<semaphore_mem>>
        %dma_start3A = tpu.memref_slice %arg2[%add3A_58] : memref<327680xi32, #tpu.memory_space<hbm>> -> memref<128xi32, #tpu.memory_space<hbm>>
        %dma_start3A_60 = tpu.memref_slice %arg2[%add3A_58] : memref<327680xi32, #tpu.memory_space<hbm>> -> memref<128xi32, #tpu.memory_space<hbm>>
        tpu.enqueue_dma source(%dma_start3A_60 : memref<128xi32, #tpu.memory_space<hbm>>) target(%arg4 : memref<128xi32, #tpu.memory_space<vmem>>) target_semaphore(%run_scoped3A : memref<!tpu.dma_semaphore, #tpu.memory_space<semaphore_mem>>)
        %dma_wait3A = tpu.memref_slice %arg2[%add3A_58] : memref<327680xi32, #tpu.memory_space<hbm>> -> memref<128xi32, #tpu.memory_space<hbm>>
        %dma_wait3A_61 = tpu.memref_slice %arg2[%add3A_58] : memref<327680xi32, #tpu.memory_space<hbm>> -> memref<128xi32, #tpu.memory_space<hbm>>
        tpu.wait_dma2 semaphore(%run_scoped3A : memref<!tpu.dma_semaphore, #tpu.memory_space<semaphore_mem>>) src(%dma_wait3A_61 : memref<128xi32, #tpu.memory_space<hbm>>) dst(%arg4 : memref<128xi32, #tpu.memory_space<vmem>>)
        tpu.yield
      }) : () -> ()
      "tpu.region"() ({
        %run_scoped3A = tpu.sem_alloc : memref<!tpu.dma_semaphore, #tpu.memory_space<semaphore_mem>>
        %dma_start3A = arith.constant 0 : i32
        %dma_start3A_60 = arith.constant 0 : i32
        %dma_start3A_61 = tpu.memref_slice %arg6[%dma_start3A, %dma_start3A_60] : memref<10240x128xf32, #tpu.memory_space<vmem_shared>> -> memref<10240x128xf32, #tpu.memory_space<vmem_shared>>
        tpu.enqueue_indirect_dma source(%arg5 : memref<128x128xf32, #tpu.memory_space<vmem>>) target(%dma_start3A_61 : memref<10240x128xf32, #tpu.memory_space<vmem_shared>>) offsets(%arg4 : memref<128xi32, #tpu.memory_space<vmem>>) semaphore(%run_scoped3A : memref<!tpu.dma_semaphore, #tpu.memory_space<semaphore_mem>>) {add = true}
        %dma_wait3A = arith.constant 0 : i32
        %dma_wait3A_62 = arith.constant 0 : i32
        %dma_wait3A_63 = tpu.memref_slice %arg6[%dma_wait3A, %dma_wait3A_62] : memref<10240x128xf32, #tpu.memory_space<vmem_shared>> -> memref<10240x128xf32, #tpu.memory_space<vmem_shared>>
        tpu.wait_indirect_dma semaphore(%run_scoped3A : memref<!tpu.dma_semaphore, #tpu.memory_space<semaphore_mem>>) src(%arg5 : memref<128x128xf32, #tpu.memory_space<vmem>>) dst(%dma_wait3A_63 : memref<10240x128xf32, #tpu.memory_space<vmem_shared>>)
        tpu.yield
      }) : () -> ()
      %scan3A_59 = arith.constant 0 : i32
      scf.yield %scan3A_59 : i32
    }
    %scan3A_45 = arith.constant 80 : i32
    %barrier3A_46 = arith.constant 0 : index
    tpu.barrier barrier_id(%barrier3A_46)
    %mul3A_47 = arith.constant 640 : i32
    %mul3A_48 = arith.muli %arg1, %mul3A_47 : i32
    %mul3A_49 = arith.constant 10240 : i32
    %mul3A_50 = arith.muli %arg0, %mul3A_49 : i32
    %mul3A_51 = arith.constant 640 : i32
    %mul3A_52 = arith.muli %arg1, %mul3A_51 : i32
    %add3A_53 = arith.addi %mul3A_50, %mul3A_52 : i32
    "tpu.region"() ({
      %run_scoped3A = tpu.sem_alloc : memref<!tpu.dma_semaphore, #tpu.memory_space<semaphore_mem>>
      %dma_start3A = arith.constant 0 : i32
      %dma_start3A_54 = tpu.memref_slice %arg3[%add3A_53, %dma_start3A] : memref<20480x128xf32, #tpu.memory_space<hbm>> -> memref<640x128xf32, #tpu.memory_space<hbm>>
      %dma_start3A_55 = arith.constant 0 : i32
      %dma_start3A_56 = tpu.memref_slice %arg6[%mul3A_48, %dma_start3A_55] : memref<10240x128xf32, #tpu.memory_space<vmem_shared>> -> memref<640x128xf32, #tpu.memory_space<vmem_shared>>
      tpu.enqueue_dma source(%dma_start3A_56 : memref<640x128xf32, #tpu.memory_space<vmem_shared>>) target(%dma_start3A_54 : memref<640x128xf32, #tpu.memory_space<hbm>>) target_semaphore(%run_scoped3A : memref<!tpu.dma_semaphore, #tpu.memory_space<semaphore_mem>>)
      %dma_wait3A = arith.constant 0 : i32
      %dma_wait3A_57 = tpu.memref_slice %arg3[%add3A_53, %dma_wait3A] : memref<20480x128xf32, #tpu.memory_space<hbm>> -> memref<640x128xf32, #tpu.memory_space<hbm>>
      %dma_wait3A_58 = arith.constant 0 : i32
      %dma_wait3A_59 = tpu.memref_slice %arg6[%mul3A_48, %dma_wait3A_58] : memref<10240x128xf32, #tpu.memory_space<vmem_shared>> -> memref<640x128xf32, #tpu.memory_space<vmem_shared>>
      tpu.wait_dma2 semaphore(%run_scoped3A : memref<!tpu.dma_semaphore, #tpu.memory_space<semaphore_mem>>) src(%dma_wait3A_59 : memref<640x128xf32, #tpu.memory_space<vmem_shared>>) dst(%dma_wait3A_57 : memref<640x128xf32, #tpu.memory_space<hbm>>)
      tpu.yield
    }) : () -> ()
    return
  }
}

#map = affine_map<(d0, d1) -> (0, 0)>
#map1 = affine_map<(d0, d1) -> (0)>
module attributes {stable_mosaic.version = 14 : i64} {
  func.func @_spmm_kernel(%arg0: i32, %arg1: i32, %arg2: memref<10240x128xf32, #tpu.memory_space<hbm>>, %arg3: memref<327680xi32, #tpu.memory_space<hbm>>, %arg4: memref<327680xi32, #tpu.memory_space<hbm>>, %arg5: memref<20480x128xf32, #tpu.memory_space<hbm>>, %arg6: memref<2x128xi32, #tpu.memory_space<vmem>>, %arg7: memref<128xi32, #tpu.memory_space<vmem>>, %arg8: memref<2x128x128xf32, #tpu.memory_space<vmem>>, %arg9: memref<10240x128xf32, #tpu.memory_space<vmem_shared>>, %arg10: memref<!tpu.dma_semaphore, #tpu.memory_space<semaphore_mem>>, %arg11: memref<!tpu.dma_semaphore, #tpu.memory_space<semaphore_mem>>) attributes {dimension_semantics = [#tpu.dimension_semantics<core_parallel>, #tpu.dimension_semantics<subcore_parallel>], iteration_bounds = array<i64: 2, 16>, scalar_prefetch = 0 : i64, scratch_operands = 6 : i64, tpu.core_type = #tpu.core_type<sc_vector_subcore>, window_params = [{transform_indices = #map}, {transform_indices = #map1}, {transform_indices = #map1}, {transform_indices = #map}]} {
    %eq3A = arith.constant 0 : i32
    %eq3A_0 = arith.cmpi eq, %arg0, %eq3A : i32
    %jit3A = arith.constant 114 : i32
    %jit3A_1 = arith.constant 46 : i32
    %select_n3A = arith.select %eq3A_0, %jit3A, %jit3A_1 : i32
    %mul3A = arith.constant 160 : i32
    %mul3A_2 = arith.muli %arg1, %mul3A : i32
    %eq3A_3 = arith.constant 0 : i32
    %eq3A_4 = arith.cmpi eq, %arg0, %eq3A_3 : i32
    %jit3A_5 = arith.constant 0 : i32
    %jit3A_6 = arith.constant 114 : i32
    %select_n3A_7 = arith.select %eq3A_4, %jit3A_5, %jit3A_6 : i32
    %add3A = arith.addi %mul3A_2, %select_n3A_7 : i32
    %mul3A_8 = arith.constant 128 : i32
    %mul3A_9 = arith.muli %add3A, %mul3A_8 : i32
    %broadcast_in_dim3A = arith.constant 0.000000e+00 : f32
    %broadcast_in_dim3A_10 = vector.broadcast %broadcast_in_dim3A : f32 to vector<16xf32>
    %scan3A = arith.constant 0 : i32
    %scan3A_11 = arith.constant 0 : i32
    %scan3A_12 = arith.constant 0 : i32
    %scan3A_13 = arith.constant 1024 : i32
    %scan3A_14 = arith.addi %scan3A_12, %scan3A_13 : i32
    %scan3A_15 = arith.constant 1 : i32
    %scan3A_16 = scf.for %scan3A_73 = %scan3A_12 to %scan3A_14 step %scan3A_15 iter_args(%scan3A_74 = %scan3A_11) -> (i32)  : i32 {
      %jit3A_75 = arith.constant 8 : i32
      %div3A = arith.divsi %scan3A_73, %jit3A_75 : i32
      %sign3A = arith.constant 0 : i32
      %sign3A_76 = arith.cmpi sgt, %scan3A_73, %sign3A : i32
      %sign3A_77 = arith.extui %sign3A_76 : i1 to i32
      %sign3A_78 = arith.constant 0 : i32
      %sign3A_79 = arith.cmpi slt, %scan3A_73, %sign3A_78 : i32
      %sign3A_80 = arith.extui %sign3A_79 : i1 to i32
      %sign3A_81 = arith.subi %sign3A_77, %sign3A_80 : i32
      %sign3A_82 = arith.constant 0 : i32
      %sign3A_83 = arith.cmpi sgt, %jit3A_75, %sign3A_82 : i32
      %sign3A_84 = arith.extui %sign3A_83 : i1 to i32
      %sign3A_85 = arith.constant 0 : i32
      %sign3A_86 = arith.cmpi slt, %jit3A_75, %sign3A_85 : i32
      %sign3A_87 = arith.extui %sign3A_86 : i1 to i32
      %sign3A_88 = arith.subi %sign3A_84, %sign3A_87 : i32
      %ne3A = arith.cmpi ne, %sign3A_81, %sign3A_88 : i32
      %rem3A = arith.remsi %scan3A_73, %jit3A_75 : i32
      %ne3A_89 = arith.constant 0 : i32
      %ne3A_90 = arith.cmpi ne, %rem3A, %ne3A_89 : i32
      %and3A = arith.andi %ne3A, %ne3A_90 : i1
      %sub3A = arith.constant 1 : i32
      %sub3A_91 = arith.subi %div3A, %sub3A : i32
      %select_n3A_92 = arith.select %and3A, %sub3A_91, %div3A : i32
      %jit3A_93 = arith.constant 8 : i32
      %eq3A_94 = arith.constant 0 : i32
      %eq3A_95 = arith.cmpi eq, %jit3A_93, %eq3A_94 : i32
      %jit3A_96 = arith.constant 1 : i32
      %select_n3A_97 = arith.select %eq3A_95, %jit3A_96, %jit3A_93 : i32
      %rem3A_98 = arith.remsi %scan3A_73, %select_n3A_97 : i32
      %ne3A_99 = arith.constant 0 : i32
      %ne3A_100 = arith.cmpi ne, %rem3A_98, %ne3A_99 : i32
      %lt3A = arith.constant 0 : i32
      %lt3A_101 = arith.cmpi slt, %rem3A_98, %lt3A : i32
      %lt3A_102 = arith.constant 0 : i32
      %lt3A_103 = arith.cmpi slt, %select_n3A_97, %lt3A_102 : i32
      %ne3A_104 = arith.xori %lt3A_101, %lt3A_103 : i1
      %and3A_105 = arith.andi %ne3A_104, %ne3A_100 : i1
      %add3A_106 = arith.addi %rem3A_98, %select_n3A_97 : i32
      %select_n3A_107 = arith.select %and3A_105, %add3A_106, %rem3A_98 : i32
      %mul3A_108 = arith.constant 16 : i32
      %mul3A_109 = arith.muli %select_n3A_107, %mul3A_108 : i32
      %swap3A = arith.constant 0 : i32
      %swap3A_110 = arith.constant 0 : i32
      %swap3A_111 = tpu.memref_slice %arg8[%scan3A, %swap3A, %swap3A_110] : memref<2x128x128xf32, #tpu.memory_space<vmem>> -> memref<1x128x128xf32, #tpu.memory_space<vmem>>
      %swap3A_112 = tpu.memref_squeeze %swap3A_111 : memref<1x128x128xf32, #tpu.memory_space<vmem>> -> memref<128x128xf32, #tpu.memory_space<vmem>>
      %swap3A_113 = arith.index_cast %select_n3A_92 : i32 to index
      %swap3A_114 = arith.index_cast %mul3A_109 : i32 to index
      %swap3A_115 = tpu.vector_load %swap3A_112[%swap3A_113, %swap3A_114] {strides = array<i32>} : memref<128x128xf32, #tpu.memory_space<vmem>>, vector<1x16xf32>,
      %swap3A_116 = vector.shape_cast %swap3A_115 : vector<1x16xf32> to vector<16xf32>
      %swap3A_117 = vector.shape_cast %broadcast_in_dim3A_10 : vector<16xf32> to vector<1x16xf32>
      tpu.vector_store %swap3A_112[%swap3A_113, %swap3A_114], %swap3A_117 {strides = array<i32>} : memref<128x128xf32, #tpu.memory_space<vmem>>, vector<1x16xf32>,
      %scan3A_118 = arith.constant 0 : i32
      scf.yield %scan3A_118 : i32
    }
    %scan3A_17 = arith.constant 1024 : i32
    %mul3A_18 = arith.constant 640 : i32
    %mul3A_19 = arith.muli %arg1, %mul3A_18 : i32
    %add3A_20 = arith.constant 0 : i32
    %add3A_21 = arith.addi %mul3A_19, %add3A_20 : i32
    %run_scoped3A = arith.constant 0 : i32
    "tpu.region"() ({
      %run_scoped3A_73 = tpu.sem_alloc : memref<!tpu.dma_semaphore, #tpu.memory_space<semaphore_mem>>
      %dma_start3A_74 = arith.constant 0 : i32
      %dma_start3A_75 = arith.constant 0 : i32
      %dma_start3A_76 = tpu.memref_slice %arg8[%run_scoped3A, %dma_start3A_74, %dma_start3A_75] : memref<2x128x128xf32, #tpu.memory_space<vmem>> -> memref<1x128x128xf32, #tpu.memory_space<vmem>>
      %dma_start3A_77 = tpu.memref_squeeze %dma_start3A_76 : memref<1x128x128xf32, #tpu.memory_space<vmem>> -> memref<128x128xf32, #tpu.memory_space<vmem>>
      %dma_start3A_78 = arith.constant 0 : i32
      %dma_start3A_79 = tpu.memref_slice %arg9[%add3A_21, %dma_start3A_78] : memref<10240x128xf32, #tpu.memory_space<vmem_shared>> -> memref<128x128xf32, #tpu.memory_space<vmem_shared>>
      %dma_start3A_80 = arith.constant 0 : i32
      %dma_start3A_81 = tpu.memref_slice %arg9[%add3A_21, %dma_start3A_80] : memref<10240x128xf32, #tpu.memory_space<vmem_shared>> -> memref<128x128xf32, #tpu.memory_space<vmem_shared>>
      %dma_start3A_82 = arith.constant 0 : i32
      %dma_start3A_83 = arith.constant 0 : i32
      %dma_start3A_84 = tpu.memref_slice %arg8[%run_scoped3A, %dma_start3A_82, %dma_start3A_83] : memref<2x128x128xf32, #tpu.memory_space<vmem>> -> memref<1x128x128xf32, #tpu.memory_space<vmem>>
      %dma_start3A_85 = tpu.memref_squeeze %dma_start3A_84 : memref<1x128x128xf32, #tpu.memory_space<vmem>> -> memref<128x128xf32, #tpu.memory_space<vmem>>
      tpu.enqueue_dma source(%dma_start3A_85 : memref<128x128xf32, #tpu.memory_space<vmem>>) target(%dma_start3A_81 : memref<128x128xf32, #tpu.memory_space<vmem_shared>>) target_semaphore(%run_scoped3A_73 : memref<!tpu.dma_semaphore, #tpu.memory_space<semaphore_mem>>)
      %dma_wait3A = arith.constant 0 : i32
      %dma_wait3A_86 = arith.constant 0 : i32
      %dma_wait3A_87 = tpu.memref_slice %arg8[%run_scoped3A, %dma_wait3A, %dma_wait3A_86] : memref<2x128x128xf32, #tpu.memory_space<vmem>> -> memref<1x128x128xf32, #tpu.memory_space<vmem>>
      %dma_wait3A_88 = tpu.memref_squeeze %dma_wait3A_87 : memref<1x128x128xf32, #tpu.memory_space<vmem>> -> memref<128x128xf32, #tpu.memory_space<vmem>>
      %dma_wait3A_89 = arith.constant 0 : i32
      %dma_wait3A_90 = tpu.memref_slice %arg9[%add3A_21, %dma_wait3A_89] : memref<10240x128xf32, #tpu.memory_space<vmem_shared>> -> memref<128x128xf32, #tpu.memory_space<vmem_shared>>
      %dma_wait3A_91 = arith.constant 0 : i32
      %dma_wait3A_92 = tpu.memref_slice %arg9[%add3A_21, %dma_wait3A_91] : memref<10240x128xf32, #tpu.memory_space<vmem_shared>> -> memref<128x128xf32, #tpu.memory_space<vmem_shared>>
      %dma_wait3A_93 = arith.constant 0 : i32
      %dma_wait3A_94 = arith.constant 0 : i32
      %dma_wait3A_95 = tpu.memref_slice %arg8[%run_scoped3A, %dma_wait3A_93, %dma_wait3A_94] : memref<2x128x128xf32, #tpu.memory_space<vmem>> -> memref<1x128x128xf32, #tpu.memory_space<vmem>>
      %dma_wait3A_96 = tpu.memref_squeeze %dma_wait3A_95 : memref<1x128x128xf32, #tpu.memory_space<vmem>> -> memref<128x128xf32, #tpu.memory_space<vmem>>
      tpu.wait_dma2 semaphore(%run_scoped3A_73 : memref<!tpu.dma_semaphore, #tpu.memory_space<semaphore_mem>>) src(%dma_wait3A_96 : memref<128x128xf32, #tpu.memory_space<vmem>>) dst(%dma_wait3A_92 : memref<128x128xf32, #tpu.memory_space<vmem_shared>>)
      tpu.yield
    }) : () -> ()
    %mul3A_22 = arith.constant 640 : i32
    %mul3A_23 = arith.muli %arg1, %mul3A_22 : i32
    %add3A_24 = arith.constant 128 : i32
    %add3A_25 = arith.addi %mul3A_23, %add3A_24 : i32
    %run_scoped3A_26 = arith.constant 0 : i32
    "tpu.region"() ({
      %run_scoped3A_73 = tpu.sem_alloc : memref<!tpu.dma_semaphore, #tpu.memory_space<semaphore_mem>>
      %dma_start3A_74 = arith.constant 0 : i32
      %dma_start3A_75 = arith.constant 0 : i32
      %dma_start3A_76 = tpu.memref_slice %arg8[%run_scoped3A_26, %dma_start3A_74, %dma_start3A_75] : memref<2x128x128xf32, #tpu.memory_space<vmem>> -> memref<1x128x128xf32, #tpu.memory_space<vmem>>
      %dma_start3A_77 = tpu.memref_squeeze %dma_start3A_76 : memref<1x128x128xf32, #tpu.memory_space<vmem>> -> memref<128x128xf32, #tpu.memory_space<vmem>>
      %dma_start3A_78 = arith.constant 0 : i32
      %dma_start3A_79 = tpu.memref_slice %arg9[%add3A_25, %dma_start3A_78] : memref<10240x128xf32, #tpu.memory_space<vmem_shared>> -> memref<128x128xf32, #tpu.memory_space<vmem_shared>>
      %dma_start3A_80 = arith.constant 0 : i32
      %dma_start3A_81 = tpu.memref_slice %arg9[%add3A_25, %dma_start3A_80] : memref<10240x128xf32, #tpu.memory_space<vmem_shared>> -> memref<128x128xf32, #tpu.memory_space<vmem_shared>>
      %dma_start3A_82 = arith.constant 0 : i32
      %dma_start3A_83 = arith.constant 0 : i32
      %dma_start3A_84 = tpu.memref_slice %arg8[%run_scoped3A_26, %dma_start3A_82, %dma_start3A_83] : memref<2x128x128xf32, #tpu.memory_space<vmem>> -> memref<1x128x128xf32, #tpu.memory_space<vmem>>
      %dma_start3A_85 = tpu.memref_squeeze %dma_start3A_84 : memref<1x128x128xf32, #tpu.memory_space<vmem>> -> memref<128x128xf32, #tpu.memory_space<vmem>>
      tpu.enqueue_dma source(%dma_start3A_85 : memref<128x128xf32, #tpu.memory_space<vmem>>) target(%dma_start3A_81 : memref<128x128xf32, #tpu.memory_space<vmem_shared>>) target_semaphore(%run_scoped3A_73 : memref<!tpu.dma_semaphore, #tpu.memory_space<semaphore_mem>>)
      %dma_wait3A = arith.constant 0 : i32
      %dma_wait3A_86 = arith.constant 0 : i32
      %dma_wait3A_87 = tpu.memref_slice %arg8[%run_scoped3A_26, %dma_wait3A, %dma_wait3A_86] : memref<2x128x128xf32, #tpu.memory_space<vmem>> -> memref<1x128x128xf32, #tpu.memory_space<vmem>>
      %dma_wait3A_88 = tpu.memref_squeeze %dma_wait3A_87 : memref<1x128x128xf32, #tpu.memory_space<vmem>> -> memref<128x128xf32, #tpu.memory_space<vmem>>
      %dma_wait3A_89 = arith.constant 0 : i32
      %dma_wait3A_90 = tpu.memref_slice %arg9[%add3A_25, %dma_wait3A_89] : memref<10240x128xf32, #tpu.memory_space<vmem_shared>> -> memref<128x128xf32, #tpu.memory_space<vmem_shared>>
      %dma_wait3A_91 = arith.constant 0 : i32
      %dma_wait3A_92 = tpu.memref_slice %arg9[%add3A_25, %dma_wait3A_91] : memref<10240x128xf32, #tpu.memory_space<vmem_shared>> -> memref<128x128xf32, #tpu.memory_space<vmem_shared>>
      %dma_wait3A_93 = arith.constant 0 : i32
      %dma_wait3A_94 = arith.constant 0 : i32
      %dma_wait3A_95 = tpu.memref_slice %arg8[%run_scoped3A_26, %dma_wait3A_93, %dma_wait3A_94] : memref<2x128x128xf32, #tpu.memory_space<vmem>> -> memref<1x128x128xf32, #tpu.memory_space<vmem>>
      %dma_wait3A_96 = tpu.memref_squeeze %dma_wait3A_95 : memref<1x128x128xf32, #tpu.memory_space<vmem>> -> memref<128x128xf32, #tpu.memory_space<vmem>>
      tpu.wait_dma2 semaphore(%run_scoped3A_73 : memref<!tpu.dma_semaphore, #tpu.memory_space<semaphore_mem>>) src(%dma_wait3A_96 : memref<128x128xf32, #tpu.memory_space<vmem>>) dst(%dma_wait3A_92 : memref<128x128xf32, #tpu.memory_space<vmem_shared>>)
      tpu.yield
    }) : () -> ()
    %mul3A_27 = arith.constant 640 : i32
    %mul3A_28 = arith.muli %arg1, %mul3A_27 : i32
    %add3A_29 = arith.constant 256 : i32
    %add3A_30 = arith.addi %mul3A_28, %add3A_29 : i32
    %run_scoped3A_31 = arith.constant 0 : i32
    "tpu.region"() ({
      %run_scoped3A_73 = tpu.sem_alloc : memref<!tpu.dma_semaphore, #tpu.memory_space<semaphore_mem>>
      %dma_start3A_74 = arith.constant 0 : i32
      %dma_start3A_75 = arith.constant 0 : i32
      %dma_start3A_76 = tpu.memref_slice %arg8[%run_scoped3A_31, %dma_start3A_74, %dma_start3A_75] : memref<2x128x128xf32, #tpu.memory_space<vmem>> -> memref<1x128x128xf32, #tpu.memory_space<vmem>>
      %dma_start3A_77 = tpu.memref_squeeze %dma_start3A_76 : memref<1x128x128xf32, #tpu.memory_space<vmem>> -> memref<128x128xf32, #tpu.memory_space<vmem>>
      %dma_start3A_78 = arith.constant 0 : i32
      %dma_start3A_79 = tpu.memref_slice %arg9[%add3A_30, %dma_start3A_78] : memref<10240x128xf32, #tpu.memory_space<vmem_shared>> -> memref<128x128xf32, #tpu.memory_space<vmem_shared>>
      %dma_start3A_80 = arith.constant 0 : i32
      %dma_start3A_81 = tpu.memref_slice %arg9[%add3A_30, %dma_start3A_80] : memref<10240x128xf32, #tpu.memory_space<vmem_shared>> -> memref<128x128xf32, #tpu.memory_space<vmem_shared>>
      %dma_start3A_82 = arith.constant 0 : i32
      %dma_start3A_83 = arith.constant 0 : i32
      %dma_start3A_84 = tpu.memref_slice %arg8[%run_scoped3A_31, %dma_start3A_82, %dma_start3A_83] : memref<2x128x128xf32, #tpu.memory_space<vmem>> -> memref<1x128x128xf32, #tpu.memory_space<vmem>>
      %dma_start3A_85 = tpu.memref_squeeze %dma_start3A_84 : memref<1x128x128xf32, #tpu.memory_space<vmem>> -> memref<128x128xf32, #tpu.memory_space<vmem>>
      tpu.enqueue_dma source(%dma_start3A_85 : memref<128x128xf32, #tpu.memory_space<vmem>>) target(%dma_start3A_81 : memref<128x128xf32, #tpu.memory_space<vmem_shared>>) target_semaphore(%run_scoped3A_73 : memref<!tpu.dma_semaphore, #tpu.memory_space<semaphore_mem>>)
      %dma_wait3A = arith.constant 0 : i32
      %dma_wait3A_86 = arith.constant 0 : i32
      %dma_wait3A_87 = tpu.memref_slice %arg8[%run_scoped3A_31, %dma_wait3A, %dma_wait3A_86] : memref<2x128x128xf32, #tpu.memory_space<vmem>> -> memref<1x128x128xf32, #tpu.memory_space<vmem>>
      %dma_wait3A_88 = tpu.memref_squeeze %dma_wait3A_87 : memref<1x128x128xf32, #tpu.memory_space<vmem>> -> memref<128x128xf32, #tpu.memory_space<vmem>>
      %dma_wait3A_89 = arith.constant 0 : i32
      %dma_wait3A_90 = tpu.memref_slice %arg9[%add3A_30, %dma_wait3A_89] : memref<10240x128xf32, #tpu.memory_space<vmem_shared>> -> memref<128x128xf32, #tpu.memory_space<vmem_shared>>
      %dma_wait3A_91 = arith.constant 0 : i32
      %dma_wait3A_92 = tpu.memref_slice %arg9[%add3A_30, %dma_wait3A_91] : memref<10240x128xf32, #tpu.memory_space<vmem_shared>> -> memref<128x128xf32, #tpu.memory_space<vmem_shared>>
      %dma_wait3A_93 = arith.constant 0 : i32
      %dma_wait3A_94 = arith.constant 0 : i32
      %dma_wait3A_95 = tpu.memref_slice %arg8[%run_scoped3A_31, %dma_wait3A_93, %dma_wait3A_94] : memref<2x128x128xf32, #tpu.memory_space<vmem>> -> memref<1x128x128xf32, #tpu.memory_space<vmem>>
      %dma_wait3A_96 = tpu.memref_squeeze %dma_wait3A_95 : memref<1x128x128xf32, #tpu.memory_space<vmem>> -> memref<128x128xf32, #tpu.memory_space<vmem>>
      tpu.wait_dma2 semaphore(%run_scoped3A_73 : memref<!tpu.dma_semaphore, #tpu.memory_space<semaphore_mem>>) src(%dma_wait3A_96 : memref<128x128xf32, #tpu.memory_space<vmem>>) dst(%dma_wait3A_92 : memref<128x128xf32, #tpu.memory_space<vmem_shared>>)
      tpu.yield
    }) : () -> ()
    %mul3A_32 = arith.constant 640 : i32
    %mul3A_33 = arith.muli %arg1, %mul3A_32 : i32
    %add3A_34 = arith.constant 384 : i32
    %add3A_35 = arith.addi %mul3A_33, %add3A_34 : i32
    %run_scoped3A_36 = arith.constant 0 : i32
    "tpu.region"() ({
      %run_scoped3A_73 = tpu.sem_alloc : memref<!tpu.dma_semaphore, #tpu.memory_space<semaphore_mem>>
      %dma_start3A_74 = arith.constant 0 : i32
      %dma_start3A_75 = arith.constant 0 : i32
      %dma_start3A_76 = tpu.memref_slice %arg8[%run_scoped3A_36, %dma_start3A_74, %dma_start3A_75] : memref<2x128x128xf32, #tpu.memory_space<vmem>> -> memref<1x128x128xf32, #tpu.memory_space<vmem>>
      %dma_start3A_77 = tpu.memref_squeeze %dma_start3A_76 : memref<1x128x128xf32, #tpu.memory_space<vmem>> -> memref<128x128xf32, #tpu.memory_space<vmem>>
      %dma_start3A_78 = arith.constant 0 : i32
      %dma_start3A_79 = tpu.memref_slice %arg9[%add3A_35, %dma_start3A_78] : memref<10240x128xf32, #tpu.memory_space<vmem_shared>> -> memref<128x128xf32, #tpu.memory_space<vmem_shared>>
      %dma_start3A_80 = arith.constant 0 : i32
      %dma_start3A_81 = tpu.memref_slice %arg9[%add3A_35, %dma_start3A_80] : memref<10240x128xf32, #tpu.memory_space<vmem_shared>> -> memref<128x128xf32, #tpu.memory_space<vmem_shared>>
      %dma_start3A_82 = arith.constant 0 : i32
      %dma_start3A_83 = arith.constant 0 : i32
      %dma_start3A_84 = tpu.memref_slice %arg8[%run_scoped3A_36, %dma_start3A_82, %dma_start3A_83] : memref<2x128x128xf32, #tpu.memory_space<vmem>> -> memref<1x128x128xf32, #tpu.memory_space<vmem>>
      %dma_start3A_85 = tpu.memref_squeeze %dma_start3A_84 : memref<1x128x128xf32, #tpu.memory_space<vmem>> -> memref<128x128xf32, #tpu.memory_space<vmem>>
      tpu.enqueue_dma source(%dma_start3A_85 : memref<128x128xf32, #tpu.memory_space<vmem>>) target(%dma_start3A_81 : memref<128x128xf32, #tpu.memory_space<vmem_shared>>) target_semaphore(%run_scoped3A_73 : memref<!tpu.dma_semaphore, #tpu.memory_space<semaphore_mem>>)
      %dma_wait3A = arith.constant 0 : i32
      %dma_wait3A_86 = arith.constant 0 : i32
      %dma_wait3A_87 = tpu.memref_slice %arg8[%run_scoped3A_36, %dma_wait3A, %dma_wait3A_86] : memref<2x128x128xf32, #tpu.memory_space<vmem>> -> memref<1x128x128xf32, #tpu.memory_space<vmem>>
      %dma_wait3A_88 = tpu.memref_squeeze %dma_wait3A_87 : memref<1x128x128xf32, #tpu.memory_space<vmem>> -> memref<128x128xf32, #tpu.memory_space<vmem>>
      %dma_wait3A_89 = arith.constant 0 : i32
      %dma_wait3A_90 = tpu.memref_slice %arg9[%add3A_35, %dma_wait3A_89] : memref<10240x128xf32, #tpu.memory_space<vmem_shared>> -> memref<128x128xf32, #tpu.memory_space<vmem_shared>>
      %dma_wait3A_91 = arith.constant 0 : i32
      %dma_wait3A_92 = tpu.memref_slice %arg9[%add3A_35, %dma_wait3A_91] : memref<10240x128xf32, #tpu.memory_space<vmem_shared>> -> memref<128x128xf32, #tpu.memory_space<vmem_shared>>
      %dma_wait3A_93 = arith.constant 0 : i32
      %dma_wait3A_94 = arith.constant 0 : i32
      %dma_wait3A_95 = tpu.memref_slice %arg8[%run_scoped3A_36, %dma_wait3A_93, %dma_wait3A_94] : memref<2x128x128xf32, #tpu.memory_space<vmem>> -> memref<1x128x128xf32, #tpu.memory_space<vmem>>
      %dma_wait3A_96 = tpu.memref_squeeze %dma_wait3A_95 : memref<1x128x128xf32, #tpu.memory_space<vmem>> -> memref<128x128xf32, #tpu.memory_space<vmem>>
      tpu.wait_dma2 semaphore(%run_scoped3A_73 : memref<!tpu.dma_semaphore, #tpu.memory_space<semaphore_mem>>) src(%dma_wait3A_96 : memref<128x128xf32, #tpu.memory_space<vmem>>) dst(%dma_wait3A_92 : memref<128x128xf32, #tpu.memory_space<vmem_shared>>)
      tpu.yield
    }) : () -> ()
    %mul3A_37 = arith.constant 640 : i32
    %mul3A_38 = arith.muli %arg1, %mul3A_37 : i32
    %add3A_39 = arith.constant 512 : i32
    %add3A_40 = arith.addi %mul3A_38, %add3A_39 : i32
    %run_scoped3A_41 = arith.constant 0 : i32
    "tpu.region"() ({
      %run_scoped3A_73 = tpu.sem_alloc : memref<!tpu.dma_semaphore, #tpu.memory_space<semaphore_mem>>
      %dma_start3A_74 = arith.constant 0 : i32
      %dma_start3A_75 = arith.constant 0 : i32
      %dma_start3A_76 = tpu.memref_slice %arg8[%run_scoped3A_41, %dma_start3A_74, %dma_start3A_75] : memref<2x128x128xf32, #tpu.memory_space<vmem>> -> memref<1x128x128xf32, #tpu.memory_space<vmem>>
      %dma_start3A_77 = tpu.memref_squeeze %dma_start3A_76 : memref<1x128x128xf32, #tpu.memory_space<vmem>> -> memref<128x128xf32, #tpu.memory_space<vmem>>
      %dma_start3A_78 = arith.constant 0 : i32
      %dma_start3A_79 = tpu.memref_slice %arg9[%add3A_40, %dma_start3A_78] : memref<10240x128xf32, #tpu.memory_space<vmem_shared>> -> memref<128x128xf32, #tpu.memory_space<vmem_shared>>
      %dma_start3A_80 = arith.constant 0 : i32
      %dma_start3A_81 = tpu.memref_slice %arg9[%add3A_40, %dma_start3A_80] : memref<10240x128xf32, #tpu.memory_space<vmem_shared>> -> memref<128x128xf32, #tpu.memory_space<vmem_shared>>
      %dma_start3A_82 = arith.constant 0 : i32
      %dma_start3A_83 = arith.constant 0 : i32
      %dma_start3A_84 = tpu.memref_slice %arg8[%run_scoped3A_41, %dma_start3A_82, %dma_start3A_83] : memref<2x128x128xf32, #tpu.memory_space<vmem>> -> memref<1x128x128xf32, #tpu.memory_space<vmem>>
      %dma_start3A_85 = tpu.memref_squeeze %dma_start3A_84 : memref<1x128x128xf32, #tpu.memory_space<vmem>> -> memref<128x128xf32, #tpu.memory_space<vmem>>
      tpu.enqueue_dma source(%dma_start3A_85 : memref<128x128xf32, #tpu.memory_space<vmem>>) target(%dma_start3A_81 : memref<128x128xf32, #tpu.memory_space<vmem_shared>>) target_semaphore(%run_scoped3A_73 : memref<!tpu.dma_semaphore, #tpu.memory_space<semaphore_mem>>)
      %dma_wait3A = arith.constant 0 : i32
      %dma_wait3A_86 = arith.constant 0 : i32
      %dma_wait3A_87 = tpu.memref_slice %arg8[%run_scoped3A_41, %dma_wait3A, %dma_wait3A_86] : memref<2x128x128xf32, #tpu.memory_space<vmem>> -> memref<1x128x128xf32, #tpu.memory_space<vmem>>
      %dma_wait3A_88 = tpu.memref_squeeze %dma_wait3A_87 : memref<1x128x128xf32, #tpu.memory_space<vmem>> -> memref<128x128xf32, #tpu.memory_space<vmem>>
      %dma_wait3A_89 = arith.constant 0 : i32
      %dma_wait3A_90 = tpu.memref_slice %arg9[%add3A_40, %dma_wait3A_89] : memref<10240x128xf32, #tpu.memory_space<vmem_shared>> -> memref<128x128xf32, #tpu.memory_space<vmem_shared>>
      %dma_wait3A_91 = arith.constant 0 : i32
      %dma_wait3A_92 = tpu.memref_slice %arg9[%add3A_40, %dma_wait3A_91] : memref<10240x128xf32, #tpu.memory_space<vmem_shared>> -> memref<128x128xf32, #tpu.memory_space<vmem_shared>>
      %dma_wait3A_93 = arith.constant 0 : i32
      %dma_wait3A_94 = arith.constant 0 : i32
      %dma_wait3A_95 = tpu.memref_slice %arg8[%run_scoped3A_41, %dma_wait3A_93, %dma_wait3A_94] : memref<2x128x128xf32, #tpu.memory_space<vmem>> -> memref<1x128x128xf32, #tpu.memory_space<vmem>>
      %dma_wait3A_96 = tpu.memref_squeeze %dma_wait3A_95 : memref<1x128x128xf32, #tpu.memory_space<vmem>> -> memref<128x128xf32, #tpu.memory_space<vmem>>
      tpu.wait_dma2 semaphore(%run_scoped3A_73 : memref<!tpu.dma_semaphore, #tpu.memory_space<semaphore_mem>>) src(%dma_wait3A_96 : memref<128x128xf32, #tpu.memory_space<vmem>>) dst(%dma_wait3A_92 : memref<128x128xf32, #tpu.memory_space<vmem_shared>>)
      tpu.yield
    }) : () -> ()
    %barrier3A = arith.constant 0 : index
    tpu.barrier barrier_id(%barrier3A)
    %run_scoped3A_42 = arith.constant 0 : i32
    "tpu.region"() ({
      %run_scoped3A_73 = tpu.sem_alloc : memref<!tpu.dma_semaphore, #tpu.memory_space<semaphore_mem>>
      %dma_start3A_74 = arith.constant 0 : i32
      %dma_start3A_75 = tpu.memref_slice %arg6[%run_scoped3A_42, %dma_start3A_74] : memref<2x128xi32, #tpu.memory_space<vmem>> -> memref<1x128xi32, #tpu.memory_space<vmem>>
      %dma_start3A_76 = tpu.memref_squeeze %dma_start3A_75 : memref<1x128xi32, #tpu.memory_space<vmem>> -> memref<128xi32, #tpu.memory_space<vmem>>
      %dma_start3A_77 = tpu.memref_slice %arg3[%mul3A_9] : memref<327680xi32, #tpu.memory_space<hbm>> -> memref<128xi32, #tpu.memory_space<hbm>>
      %dma_start3A_78 = arith.constant 0 : i32
      %dma_start3A_79 = tpu.memref_slice %arg6[%run_scoped3A_42, %dma_start3A_78] : memref<2x128xi32, #tpu.memory_space<vmem>> -> memref<1x128xi32, #tpu.memory_space<vmem>>
      %dma_start3A_80 = tpu.memref_squeeze %dma_start3A_79 : memref<1x128xi32, #tpu.memory_space<vmem>> -> memref<128xi32, #tpu.memory_space<vmem>>
      %dma_start3A_81 = tpu.memref_slice %arg3[%mul3A_9] : memref<327680xi32, #tpu.memory_space<hbm>> -> memref<128xi32, #tpu.memory_space<hbm>>
      tpu.enqueue_dma source(%dma_start3A_81 : memref<128xi32, #tpu.memory_space<hbm>>) target(%dma_start3A_80 : memref<128xi32, #tpu.memory_space<vmem>>) target_semaphore(%run_scoped3A_73 : memref<!tpu.dma_semaphore, #tpu.memory_space<semaphore_mem>>)
      %dma_wait3A = arith.constant 0 : i32
      %dma_wait3A_82 = tpu.memref_slice %arg6[%run_scoped3A_42, %dma_wait3A] : memref<2x128xi32, #tpu.memory_space<vmem>> -> memref<1x128xi32, #tpu.memory_space<vmem>>
      %dma_wait3A_83 = tpu.memref_squeeze %dma_wait3A_82 : memref<1x128xi32, #tpu.memory_space<vmem>> -> memref<128xi32, #tpu.memory_space<vmem>>
      %dma_wait3A_84 = tpu.memref_slice %arg3[%mul3A_9] : memref<327680xi32, #tpu.memory_space<hbm>> -> memref<128xi32, #tpu.memory_space<hbm>>
      %dma_wait3A_85 = arith.constant 0 : i32
      %dma_wait3A_86 = tpu.memref_slice %arg6[%run_scoped3A_42, %dma_wait3A_85] : memref<2x128xi32, #tpu.memory_space<vmem>> -> memref<1x128xi32, #tpu.memory_space<vmem>>
      %dma_wait3A_87 = tpu.memref_squeeze %dma_wait3A_86 : memref<1x128xi32, #tpu.memory_space<vmem>> -> memref<128xi32, #tpu.memory_space<vmem>>
      %dma_wait3A_88 = tpu.memref_slice %arg3[%mul3A_9] : memref<327680xi32, #tpu.memory_space<hbm>> -> memref<128xi32, #tpu.memory_space<hbm>>
      tpu.wait_dma2 semaphore(%run_scoped3A_73 : memref<!tpu.dma_semaphore, #tpu.memory_space<semaphore_mem>>) src(%dma_wait3A_88 : memref<128xi32, #tpu.memory_space<hbm>>) dst(%dma_wait3A_87 : memref<128xi32, #tpu.memory_space<vmem>>)
      tpu.yield
    }) : () -> ()
    %dma_start3A = arith.constant 0 : i32
    %dma_start3A_43 = arith.constant 0 : i32
    %dma_start3A_44 = arith.constant 0 : i32
    %dma_start3A_45 = arith.constant 0 : i32
    %dma_start3A_46 = tpu.memref_slice %arg8[%dma_start3A_43, %dma_start3A_44, %dma_start3A_45] : memref<2x128x128xf32, #tpu.memory_space<vmem>> -> memref<1x128x128xf32, #tpu.memory_space<vmem>>
    %dma_start3A_47 = tpu.memref_squeeze %dma_start3A_46 : memref<1x128x128xf32, #tpu.memory_space<vmem>> -> memref<128x128xf32, #tpu.memory_space<vmem>>
    %dma_start3A_48 = arith.constant 0 : i32
    %dma_start3A_49 = tpu.memref_slice %arg6[%dma_start3A, %dma_start3A_48] : memref<2x128xi32, #tpu.memory_space<vmem>> -> memref<1x128xi32, #tpu.memory_space<vmem>>
    %dma_start3A_50 = tpu.memref_squeeze %dma_start3A_49 : memref<1x128xi32, #tpu.memory_space<vmem>> -> memref<128xi32, #tpu.memory_space<vmem>>
    %dma_start3A_51 = arith.constant 0 : i32
    %dma_start3A_52 = arith.constant 0 : i32
    %dma_start3A_53 = tpu.memref_slice %arg2[%dma_start3A_51, %dma_start3A_52] : memref<10240x128xf32, #tpu.memory_space<hbm>> -> memref<10240x128xf32, #tpu.memory_space<hbm>>
    tpu.enqueue_indirect_dma source(%dma_start3A_53 : memref<10240x128xf32, #tpu.memory_space<hbm>>) target(%dma_start3A_47 : memref<128x128xf32, #tpu.memory_space<vmem>>) offsets(%dma_start3A_50 : memref<128xi32, #tpu.memory_space<vmem>>) semaphore(%arg10 : memref<!tpu.dma_semaphore, #tpu.memory_space<semaphore_mem>>)
    %while3A = arith.constant 0 : i32
    %while3A_54 = arith.constant 0 : i32
    %while3A_55 = arith.subi %select_n3A, %while3A : i32
    %while3A_56 = arith.addi %while3A, %while3A_55 : i32
    %while3A_57 = arith.constant 1 : i32
    %while3A_58 = arith.divsi %while3A_55, %while3A_57 : i32
    %while3A_59 = arith.muli %while3A_58, %while3A_57 : i32
    %while3A_60 = arith.addi %while3A, %while3A_59 : i32
    %while3A_61 = arith.constant 1 : i32
    %while3A_62 = scf.for %while3A_73 = %while3A to %while3A_60 step %while3A_61 iter_args(%while3A_74 = %while3A_54) -> (i32)  : i32 {
      %rem3A = arith.constant 2 : i32
      %rem3A_75 = arith.remsi %while3A_73, %rem3A : i32
      %add3A_76 = arith.constant 1 : i32
      %add3A_77 = arith.addi %while3A_73, %add3A_76 : i32
      %rem3A_78 = arith.constant 2 : i32
      %rem3A_79 = arith.remsi %add3A_77, %rem3A_78 : i32
      %add3A_80 = arith.constant 1 : i32
      %add3A_81 = arith.addi %while3A_73, %add3A_80 : i32
      %lt3A = arith.cmpi slt, %add3A_81, %select_n3A : i32
      %convert_element_type3A = arith.extui %lt3A : i1 to i32
      %cond3A = arith.constant 0 : i32
      %cond3A_82 = arith.cmpi ne, %convert_element_type3A, %cond3A : i32
      scf.if %cond3A_82 {
        %add3A_97 = arith.constant 1 : i32
        %add3A_98 = arith.addi %while3A_73, %add3A_97 : i32
        %mul3A_99 = arith.constant 128 : i32
        %mul3A_100 = arith.muli %add3A_98, %mul3A_99 : i32
        %add3A_101 = arith.addi %mul3A_9, %mul3A_100 : i32
        "tpu.region"() ({
          %run_scoped3A_112 = tpu.sem_alloc : memref<!tpu.dma_semaphore, #tpu.memory_space<semaphore_mem>>
          %dma_start3A_113 = arith.constant 0 : i32
          %dma_start3A_114 = tpu.memref_slice %arg6[%rem3A_79, %dma_start3A_113] : memref<2x128xi32, #tpu.memory_space<vmem>> -> memref<1x128xi32, #tpu.memory_space<vmem>>
          %dma_start3A_115 = tpu.memref_squeeze %dma_start3A_114 : memref<1x128xi32, #tpu.memory_space<vmem>> -> memref<128xi32, #tpu.memory_space<vmem>>
          %dma_start3A_116 = tpu.memref_slice %arg3[%add3A_101] : memref<327680xi32, #tpu.memory_space<hbm>> -> memref<128xi32, #tpu.memory_space<hbm>>
          %dma_start3A_117 = arith.constant 0 : i32
          %dma_start3A_118 = tpu.memref_slice %arg6[%rem3A_79, %dma_start3A_117] : memref<2x128xi32, #tpu.memory_space<vmem>> -> memref<1x128xi32, #tpu.memory_space<vmem>>
          %dma_start3A_119 = tpu.memref_squeeze %dma_start3A_118 : memref<1x128xi32, #tpu.memory_space<vmem>> -> memref<128xi32, #tpu.memory_space<vmem>>
          %dma_start3A_120 = tpu.memref_slice %arg3[%add3A_101] : memref<327680xi32, #tpu.memory_space<hbm>> -> memref<128xi32, #tpu.memory_space<hbm>>
          tpu.enqueue_dma source(%dma_start3A_120 : memref<128xi32, #tpu.memory_space<hbm>>) target(%dma_start3A_119 : memref<128xi32, #tpu.memory_space<vmem>>) target_semaphore(%run_scoped3A_112 : memref<!tpu.dma_semaphore, #tpu.memory_space<semaphore_mem>>)
          %dma_wait3A = arith.constant 0 : i32
          %dma_wait3A_121 = tpu.memref_slice %arg6[%rem3A_79, %dma_wait3A] : memref<2x128xi32, #tpu.memory_space<vmem>> -> memref<1x128xi32, #tpu.memory_space<vmem>>
          %dma_wait3A_122 = tpu.memref_squeeze %dma_wait3A_121 : memref<1x128xi32, #tpu.memory_space<vmem>> -> memref<128xi32, #tpu.memory_space<vmem>>
          %dma_wait3A_123 = tpu.memref_slice %arg3[%add3A_101] : memref<327680xi32, #tpu.memory_space<hbm>> -> memref<128xi32, #tpu.memory_space<hbm>>
          %dma_wait3A_124 = arith.constant 0 : i32
          %dma_wait3A_125 = tpu.memref_slice %arg6[%rem3A_79, %dma_wait3A_124] : memref<2x128xi32, #tpu.memory_space<vmem>> -> memref<1x128xi32, #tpu.memory_space<vmem>>
          %dma_wait3A_126 = tpu.memref_squeeze %dma_wait3A_125 : memref<1x128xi32, #tpu.memory_space<vmem>> -> memref<128xi32, #tpu.memory_space<vmem>>
          %dma_wait3A_127 = tpu.memref_slice %arg3[%add3A_101] : memref<327680xi32, #tpu.memory_space<hbm>> -> memref<128xi32, #tpu.memory_space<hbm>>
          tpu.wait_dma2 semaphore(%run_scoped3A_112 : memref<!tpu.dma_semaphore, #tpu.memory_space<semaphore_mem>>) src(%dma_wait3A_127 : memref<128xi32, #tpu.memory_space<hbm>>) dst(%dma_wait3A_126 : memref<128xi32, #tpu.memory_space<vmem>>)
          tpu.yield
        }) : () -> ()
        %eq3A_102 = arith.constant 0 : i32
        %eq3A_103 = arith.cmpi eq, %rem3A_79, %eq3A_102 : i32
        %convert_element_type3A_104 = arith.extui %eq3A_103 : i1 to i32
        %cond3A_105 = arith.constant 0 : i32
        %cond3A_106 = arith.cmpi ne, %convert_element_type3A_104, %cond3A_105 : i32
        scf.if %cond3A_106 {
          %dma_start3A_112 = arith.constant 0 : i32
          %dma_start3A_113 = arith.constant 0 : i32
          %dma_start3A_114 = tpu.memref_slice %arg8[%rem3A_79, %dma_start3A_112, %dma_start3A_113] : memref<2x128x128xf32, #tpu.memory_space<vmem>> -> memref<1x128x128xf32, #tpu.memory_space<vmem>>
          %dma_start3A_115 = tpu.memref_squeeze %dma_start3A_114 : memref<1x128x128xf32, #tpu.memory_space<vmem>> -> memref<128x128xf32, #tpu.memory_space<vmem>>
          %dma_start3A_116 = arith.constant 0 : i32
          %dma_start3A_117 = tpu.memref_slice %arg6[%rem3A_79, %dma_start3A_116] : memref<2x128xi32, #tpu.memory_space<vmem>> -> memref<1x128xi32, #tpu.memory_space<vmem>>
          %dma_start3A_118 = tpu.memref_squeeze %dma_start3A_117 : memref<1x128xi32, #tpu.memory_space<vmem>> -> memref<128xi32, #tpu.memory_space<vmem>>
          %dma_start3A_119 = arith.constant 0 : i32
          %dma_start3A_120 = arith.constant 0 : i32
          %dma_start3A_121 = tpu.memref_slice %arg2[%dma_start3A_119, %dma_start3A_120] : memref<10240x128xf32, #tpu.memory_space<hbm>> -> memref<10240x128xf32, #tpu.memory_space<hbm>>
          tpu.enqueue_indirect_dma source(%dma_start3A_121 : memref<10240x128xf32, #tpu.memory_space<hbm>>) target(%dma_start3A_115 : memref<128x128xf32, #tpu.memory_space<vmem>>) offsets(%dma_start3A_118 : memref<128xi32, #tpu.memory_space<vmem>>) semaphore(%arg10 : memref<!tpu.dma_semaphore, #tpu.memory_space<semaphore_mem>>)
        } else {
        }
        %eq3A_107 = arith.constant 1 : i32
        %eq3A_108 = arith.cmpi eq, %rem3A_79, %eq3A_107 : i32
        %convert_element_type3A_109 = arith.extui %eq3A_108 : i1 to i32
        %cond3A_110 = arith.constant 0 : i32
        %cond3A_111 = arith.cmpi ne, %convert_element_type3A_109, %cond3A_110 : i32
        scf.if %cond3A_111 {
          %dma_start3A_112 = arith.constant 0 : i32
          %dma_start3A_113 = arith.constant 0 : i32
          %dma_start3A_114 = tpu.memref_slice %arg8[%rem3A_79, %dma_start3A_112, %dma_start3A_113] : memref<2x128x128xf32, #tpu.memory_space<vmem>> -> memref<1x128x128xf32, #tpu.memory_space<vmem>>
          %dma_start3A_115 = tpu.memref_squeeze %dma_start3A_114 : memref<1x128x128xf32, #tpu.memory_space<vmem>> -> memref<128x128xf32, #tpu.memory_space<vmem>>
          %dma_start3A_116 = arith.constant 0 : i32
          %dma_start3A_117 = tpu.memref_slice %arg6[%rem3A_79, %dma_start3A_116] : memref<2x128xi32, #tpu.memory_space<vmem>> -> memref<1x128xi32, #tpu.memory_space<vmem>>
          %dma_start3A_118 = tpu.memref_squeeze %dma_start3A_117 : memref<1x128xi32, #tpu.memory_space<vmem>> -> memref<128xi32, #tpu.memory_space<vmem>>
          %dma_start3A_119 = arith.constant 0 : i32
          %dma_start3A_120 = arith.constant 0 : i32
          %dma_start3A_121 = tpu.memref_slice %arg2[%dma_start3A_119, %dma_start3A_120] : memref<10240x128xf32, #tpu.memory_space<hbm>> -> memref<10240x128xf32, #tpu.memory_space<hbm>>
          tpu.enqueue_indirect_dma source(%dma_start3A_121 : memref<10240x128xf32, #tpu.memory_space<hbm>>) target(%dma_start3A_115 : memref<128x128xf32, #tpu.memory_space<vmem>>) offsets(%dma_start3A_118 : memref<128xi32, #tpu.memory_space<vmem>>) semaphore(%arg11 : memref<!tpu.dma_semaphore, #tpu.memory_space<semaphore_mem>>)
        } else {
        }
      } else {
      }
      %eq3A_83 = arith.constant 0 : i32
      %eq3A_84 = arith.cmpi eq, %rem3A_75, %eq3A_83 : i32
      %convert_element_type3A_85 = arith.extui %eq3A_84 : i1 to i32
      %cond3A_86 = arith.constant 0 : i32
      %cond3A_87 = arith.cmpi ne, %convert_element_type3A_85, %cond3A_86 : i32
      scf.if %cond3A_87 {
        %dma_wait3A = arith.constant 0 : i32
        %dma_wait3A_97 = arith.constant 0 : i32
        %dma_wait3A_98 = tpu.memref_slice %arg8[%rem3A_75, %dma_wait3A, %dma_wait3A_97] : memref<2x128x128xf32, #tpu.memory_space<vmem>> -> memref<1x128x128xf32, #tpu.memory_space<vmem>>
        %dma_wait3A_99 = tpu.memref_squeeze %dma_wait3A_98 : memref<1x128x128xf32, #tpu.memory_space<vmem>> -> memref<128x128xf32, #tpu.memory_space<vmem>>
        %dma_wait3A_100 = arith.constant 0 : i32
        %dma_wait3A_101 = tpu.memref_slice %arg6[%rem3A_75, %dma_wait3A_100] : memref<2x128xi32, #tpu.memory_space<vmem>> -> memref<1x128xi32, #tpu.memory_space<vmem>>
        %dma_wait3A_102 = tpu.memref_squeeze %dma_wait3A_101 : memref<1x128xi32, #tpu.memory_space<vmem>> -> memref<128xi32, #tpu.memory_space<vmem>>
        %dma_wait3A_103 = arith.constant 0 : i32
        %dma_wait3A_104 = arith.constant 0 : i32
        %dma_wait3A_105 = tpu.memref_slice %arg2[%dma_wait3A_103, %dma_wait3A_104] : memref<10240x128xf32, #tpu.memory_space<hbm>> -> memref<10240x128xf32, #tpu.memory_space<hbm>>
        tpu.wait_indirect_dma semaphore(%arg10 : memref<!tpu.dma_semaphore, #tpu.memory_space<semaphore_mem>>) src(%dma_wait3A_105 : memref<10240x128xf32, #tpu.memory_space<hbm>>) dst(%dma_wait3A_99 : memref<128x128xf32, #tpu.memory_space<vmem>>)
      } else {
      }
      %eq3A_88 = arith.constant 1 : i32
      %eq3A_89 = arith.cmpi eq, %rem3A_75, %eq3A_88 : i32
      %convert_element_type3A_90 = arith.extui %eq3A_89 : i1 to i32
      %cond3A_91 = arith.constant 0 : i32
      %cond3A_92 = arith.cmpi ne, %convert_element_type3A_90, %cond3A_91 : i32
      scf.if %cond3A_92 {
        %dma_wait3A = arith.constant 0 : i32
        %dma_wait3A_97 = arith.constant 0 : i32
        %dma_wait3A_98 = tpu.memref_slice %arg8[%rem3A_75, %dma_wait3A, %dma_wait3A_97] : memref<2x128x128xf32, #tpu.memory_space<vmem>> -> memref<1x128x128xf32, #tpu.memory_space<vmem>>
        %dma_wait3A_99 = tpu.memref_squeeze %dma_wait3A_98 : memref<1x128x128xf32, #tpu.memory_space<vmem>> -> memref<128x128xf32, #tpu.memory_space<vmem>>
        %dma_wait3A_100 = arith.constant 0 : i32
        %dma_wait3A_101 = tpu.memref_slice %arg6[%rem3A_75, %dma_wait3A_100] : memref<2x128xi32, #tpu.memory_space<vmem>> -> memref<1x128xi32, #tpu.memory_space<vmem>>
        %dma_wait3A_102 = tpu.memref_squeeze %dma_wait3A_101 : memref<1x128xi32, #tpu.memory_space<vmem>> -> memref<128xi32, #tpu.memory_space<vmem>>
        %dma_wait3A_103 = arith.constant 0 : i32
        %dma_wait3A_104 = arith.constant 0 : i32
        %dma_wait3A_105 = tpu.memref_slice %arg2[%dma_wait3A_103, %dma_wait3A_104] : memref<10240x128xf32, #tpu.memory_space<hbm>> -> memref<10240x128xf32, #tpu.memory_space<hbm>>
        tpu.wait_indirect_dma semaphore(%arg11 : memref<!tpu.dma_semaphore, #tpu.memory_space<semaphore_mem>>) src(%dma_wait3A_105 : memref<10240x128xf32, #tpu.memory_space<hbm>>) dst(%dma_wait3A_99 : memref<128x128xf32, #tpu.memory_space<vmem>>)
      } else {
      }
      %mul3A_93 = arith.constant 128 : i32
      %mul3A_94 = arith.muli %while3A_73, %mul3A_93 : i32
      %add3A_95 = arith.addi %mul3A_9, %mul3A_94 : i32
      "tpu.region"() ({
        %run_scoped3A_97 = tpu.sem_alloc : memref<!tpu.dma_semaphore, #tpu.memory_space<semaphore_mem>>
        %dma_start3A_98 = tpu.memref_slice %arg4[%add3A_95] : memref<327680xi32, #tpu.memory_space<hbm>> -> memref<128xi32, #tpu.memory_space<hbm>>
        %dma_start3A_99 = tpu.memref_slice %arg4[%add3A_95] : memref<327680xi32, #tpu.memory_space<hbm>> -> memref<128xi32, #tpu.memory_space<hbm>>
        tpu.enqueue_dma source(%dma_start3A_99 : memref<128xi32, #tpu.memory_space<hbm>>) target(%arg7 : memref<128xi32, #tpu.memory_space<vmem>>) target_semaphore(%run_scoped3A_97 : memref<!tpu.dma_semaphore, #tpu.memory_space<semaphore_mem>>)
        %dma_wait3A = tpu.memref_slice %arg4[%add3A_95] : memref<327680xi32, #tpu.memory_space<hbm>> -> memref<128xi32, #tpu.memory_space<hbm>>
        %dma_wait3A_100 = tpu.memref_slice %arg4[%add3A_95] : memref<327680xi32, #tpu.memory_space<hbm>> -> memref<128xi32, #tpu.memory_space<hbm>>
        tpu.wait_dma2 semaphore(%run_scoped3A_97 : memref<!tpu.dma_semaphore, #tpu.memory_space<semaphore_mem>>) src(%dma_wait3A_100 : memref<128xi32, #tpu.memory_space<hbm>>) dst(%arg7 : memref<128xi32, #tpu.memory_space<vmem>>)
        tpu.yield
      }) : () -> ()
      "tpu.region"() ({
        %run_scoped3A_97 = tpu.sem_alloc : memref<!tpu.dma_semaphore, #tpu.memory_space<semaphore_mem>>
        %dma_start3A_98 = arith.constant 0 : i32
        %dma_start3A_99 = arith.constant 0 : i32
        %dma_start3A_100 = tpu.memref_slice %arg8[%rem3A_75, %dma_start3A_98, %dma_start3A_99] : memref<2x128x128xf32, #tpu.memory_space<vmem>> -> memref<1x128x128xf32, #tpu.memory_space<vmem>>
        %dma_start3A_101 = tpu.memref_squeeze %dma_start3A_100 : memref<1x128x128xf32, #tpu.memory_space<vmem>> -> memref<128x128xf32, #tpu.memory_space<vmem>>
        %dma_start3A_102 = arith.constant 0 : i32
        %dma_start3A_103 = arith.constant 0 : i32
        %dma_start3A_104 = tpu.memref_slice %arg9[%dma_start3A_102, %dma_start3A_103] : memref<10240x128xf32, #tpu.memory_space<vmem_shared>> -> memref<10240x128xf32, #tpu.memory_space<vmem_shared>>
        tpu.enqueue_indirect_dma source(%dma_start3A_101 : memref<128x128xf32, #tpu.memory_space<vmem>>) target(%dma_start3A_104 : memref<10240x128xf32, #tpu.memory_space<vmem_shared>>) offsets(%arg7 : memref<128xi32, #tpu.memory_space<vmem>>) semaphore(%run_scoped3A_97 : memref<!tpu.dma_semaphore, #tpu.memory_space<semaphore_mem>>) {add = true}
        %dma_wait3A = arith.constant 0 : i32
        %dma_wait3A_105 = arith.constant 0 : i32
        %dma_wait3A_106 = tpu.memref_slice %arg8[%rem3A_75, %dma_wait3A, %dma_wait3A_105] : memref<2x128x128xf32, #tpu.memory_space<vmem>> -> memref<1x128x128xf32, #tpu.memory_space<vmem>>
        %dma_wait3A_107 = tpu.memref_squeeze %dma_wait3A_106 : memref<1x128x128xf32, #tpu.memory_space<vmem>> -> memref<128x128xf32, #tpu.memory_space<vmem>>
        %dma_wait3A_108 = arith.constant 0 : i32
        %dma_wait3A_109 = arith.constant 0 : i32
        %dma_wait3A_110 = tpu.memref_slice %arg9[%dma_wait3A_108, %dma_wait3A_109] : memref<10240x128xf32, #tpu.memory_space<vmem_shared>> -> memref<10240x128xf32, #tpu.memory_space<vmem_shared>>
        tpu.wait_indirect_dma semaphore(%run_scoped3A_97 : memref<!tpu.dma_semaphore, #tpu.memory_space<semaphore_mem>>) src(%dma_wait3A_107 : memref<128x128xf32, #tpu.memory_space<vmem>>) dst(%dma_wait3A_110 : memref<10240x128xf32, #tpu.memory_space<vmem_shared>>)
        tpu.yield
      }) : () -> ()
      %while3A_96 = arith.constant 0 : i32
      scf.yield %while3A_96 : i32
    }
    %while3A_63 = arith.constant 1 : i32
    %while3A_64 = scf.for %while3A_73 = %while3A_60 to %while3A_56 step %while3A_63 iter_args(%while3A_74 = %while3A_62) -> (i32)  : i32 {
      %rem3A = arith.constant 2 : i32
      %rem3A_75 = arith.remsi %while3A_73, %rem3A : i32
      %add3A_76 = arith.constant 1 : i32
      %add3A_77 = arith.addi %while3A_73, %add3A_76 : i32
      %rem3A_78 = arith.constant 2 : i32
      %rem3A_79 = arith.remsi %add3A_77, %rem3A_78 : i32
      %add3A_80 = arith.constant 1 : i32
      %add3A_81 = arith.addi %while3A_73, %add3A_80 : i32
      %lt3A = arith.cmpi slt, %add3A_81, %select_n3A : i32
      %convert_element_type3A = arith.extui %lt3A : i1 to i32
      %cond3A = arith.constant 0 : i32
      %cond3A_82 = arith.cmpi ne, %convert_element_type3A, %cond3A : i32
      scf.if %cond3A_82 {
        %add3A_97 = arith.constant 1 : i32
        %add3A_98 = arith.addi %while3A_73, %add3A_97 : i32
        %mul3A_99 = arith.constant 128 : i32
        %mul3A_100 = arith.muli %add3A_98, %mul3A_99 : i32
        %add3A_101 = arith.addi %mul3A_9, %mul3A_100 : i32
        "tpu.region"() ({
          %run_scoped3A_112 = tpu.sem_alloc : memref<!tpu.dma_semaphore, #tpu.memory_space<semaphore_mem>>
          %dma_start3A_113 = arith.constant 0 : i32
          %dma_start3A_114 = tpu.memref_slice %arg6[%rem3A_79, %dma_start3A_113] : memref<2x128xi32, #tpu.memory_space<vmem>> -> memref<1x128xi32, #tpu.memory_space<vmem>>
          %dma_start3A_115 = tpu.memref_squeeze %dma_start3A_114 : memref<1x128xi32, #tpu.memory_space<vmem>> -> memref<128xi32, #tpu.memory_space<vmem>>
          %dma_start3A_116 = tpu.memref_slice %arg3[%add3A_101] : memref<327680xi32, #tpu.memory_space<hbm>> -> memref<128xi32, #tpu.memory_space<hbm>>
          %dma_start3A_117 = arith.constant 0 : i32
          %dma_start3A_118 = tpu.memref_slice %arg6[%rem3A_79, %dma_start3A_117] : memref<2x128xi32, #tpu.memory_space<vmem>> -> memref<1x128xi32, #tpu.memory_space<vmem>>
          %dma_start3A_119 = tpu.memref_squeeze %dma_start3A_118 : memref<1x128xi32, #tpu.memory_space<vmem>> -> memref<128xi32, #tpu.memory_space<vmem>>
          %dma_start3A_120 = tpu.memref_slice %arg3[%add3A_101] : memref<327680xi32, #tpu.memory_space<hbm>> -> memref<128xi32, #tpu.memory_space<hbm>>
          tpu.enqueue_dma source(%dma_start3A_120 : memref<128xi32, #tpu.memory_space<hbm>>) target(%dma_start3A_119 : memref<128xi32, #tpu.memory_space<vmem>>) target_semaphore(%run_scoped3A_112 : memref<!tpu.dma_semaphore, #tpu.memory_space<semaphore_mem>>)
          %dma_wait3A = arith.constant 0 : i32
          %dma_wait3A_121 = tpu.memref_slice %arg6[%rem3A_79, %dma_wait3A] : memref<2x128xi32, #tpu.memory_space<vmem>> -> memref<1x128xi32, #tpu.memory_space<vmem>>
          %dma_wait3A_122 = tpu.memref_squeeze %dma_wait3A_121 : memref<1x128xi32, #tpu.memory_space<vmem>> -> memref<128xi32, #tpu.memory_space<vmem>>
          %dma_wait3A_123 = tpu.memref_slice %arg3[%add3A_101] : memref<327680xi32, #tpu.memory_space<hbm>> -> memref<128xi32, #tpu.memory_space<hbm>>
          %dma_wait3A_124 = arith.constant 0 : i32
          %dma_wait3A_125 = tpu.memref_slice %arg6[%rem3A_79, %dma_wait3A_124] : memref<2x128xi32, #tpu.memory_space<vmem>> -> memref<1x128xi32, #tpu.memory_space<vmem>>
          %dma_wait3A_126 = tpu.memref_squeeze %dma_wait3A_125 : memref<1x128xi32, #tpu.memory_space<vmem>> -> memref<128xi32, #tpu.memory_space<vmem>>
          %dma_wait3A_127 = tpu.memref_slice %arg3[%add3A_101] : memref<327680xi32, #tpu.memory_space<hbm>> -> memref<128xi32, #tpu.memory_space<hbm>>
          tpu.wait_dma2 semaphore(%run_scoped3A_112 : memref<!tpu.dma_semaphore, #tpu.memory_space<semaphore_mem>>) src(%dma_wait3A_127 : memref<128xi32, #tpu.memory_space<hbm>>) dst(%dma_wait3A_126 : memref<128xi32, #tpu.memory_space<vmem>>)
          tpu.yield
        }) : () -> ()
        %eq3A_102 = arith.constant 0 : i32
        %eq3A_103 = arith.cmpi eq, %rem3A_79, %eq3A_102 : i32
        %convert_element_type3A_104 = arith.extui %eq3A_103 : i1 to i32
        %cond3A_105 = arith.constant 0 : i32
        %cond3A_106 = arith.cmpi ne, %convert_element_type3A_104, %cond3A_105 : i32
        scf.if %cond3A_106 {
          %dma_start3A_112 = arith.constant 0 : i32
          %dma_start3A_113 = arith.constant 0 : i32
          %dma_start3A_114 = tpu.memref_slice %arg8[%rem3A_79, %dma_start3A_112, %dma_start3A_113] : memref<2x128x128xf32, #tpu.memory_space<vmem>> -> memref<1x128x128xf32, #tpu.memory_space<vmem>>
          %dma_start3A_115 = tpu.memref_squeeze %dma_start3A_114 : memref<1x128x128xf32, #tpu.memory_space<vmem>> -> memref<128x128xf32, #tpu.memory_space<vmem>>
          %dma_start3A_116 = arith.constant 0 : i32
          %dma_start3A_117 = tpu.memref_slice %arg6[%rem3A_79, %dma_start3A_116] : memref<2x128xi32, #tpu.memory_space<vmem>> -> memref<1x128xi32, #tpu.memory_space<vmem>>
          %dma_start3A_118 = tpu.memref_squeeze %dma_start3A_117 : memref<1x128xi32, #tpu.memory_space<vmem>> -> memref<128xi32, #tpu.memory_space<vmem>>
          %dma_start3A_119 = arith.constant 0 : i32
          %dma_start3A_120 = arith.constant 0 : i32
          %dma_start3A_121 = tpu.memref_slice %arg2[%dma_start3A_119, %dma_start3A_120] : memref<10240x128xf32, #tpu.memory_space<hbm>> -> memref<10240x128xf32, #tpu.memory_space<hbm>>
          tpu.enqueue_indirect_dma source(%dma_start3A_121 : memref<10240x128xf32, #tpu.memory_space<hbm>>) target(%dma_start3A_115 : memref<128x128xf32, #tpu.memory_space<vmem>>) offsets(%dma_start3A_118 : memref<128xi32, #tpu.memory_space<vmem>>) semaphore(%arg10 : memref<!tpu.dma_semaphore, #tpu.memory_space<semaphore_mem>>)
        } else {
        }
        %eq3A_107 = arith.constant 1 : i32
        %eq3A_108 = arith.cmpi eq, %rem3A_79, %eq3A_107 : i32
        %convert_element_type3A_109 = arith.extui %eq3A_108 : i1 to i32
        %cond3A_110 = arith.constant 0 : i32
        %cond3A_111 = arith.cmpi ne, %convert_element_type3A_109, %cond3A_110 : i32
        scf.if %cond3A_111 {
          %dma_start3A_112 = arith.constant 0 : i32
          %dma_start3A_113 = arith.constant 0 : i32
          %dma_start3A_114 = tpu.memref_slice %arg8[%rem3A_79, %dma_start3A_112, %dma_start3A_113] : memref<2x128x128xf32, #tpu.memory_space<vmem>> -> memref<1x128x128xf32, #tpu.memory_space<vmem>>
          %dma_start3A_115 = tpu.memref_squeeze %dma_start3A_114 : memref<1x128x128xf32, #tpu.memory_space<vmem>> -> memref<128x128xf32, #tpu.memory_space<vmem>>
          %dma_start3A_116 = arith.constant 0 : i32
          %dma_start3A_117 = tpu.memref_slice %arg6[%rem3A_79, %dma_start3A_116] : memref<2x128xi32, #tpu.memory_space<vmem>> -> memref<1x128xi32, #tpu.memory_space<vmem>>
          %dma_start3A_118 = tpu.memref_squeeze %dma_start3A_117 : memref<1x128xi32, #tpu.memory_space<vmem>> -> memref<128xi32, #tpu.memory_space<vmem>>
          %dma_start3A_119 = arith.constant 0 : i32
          %dma_start3A_120 = arith.constant 0 : i32
          %dma_start3A_121 = tpu.memref_slice %arg2[%dma_start3A_119, %dma_start3A_120] : memref<10240x128xf32, #tpu.memory_space<hbm>> -> memref<10240x128xf32, #tpu.memory_space<hbm>>
          tpu.enqueue_indirect_dma source(%dma_start3A_121 : memref<10240x128xf32, #tpu.memory_space<hbm>>) target(%dma_start3A_115 : memref<128x128xf32, #tpu.memory_space<vmem>>) offsets(%dma_start3A_118 : memref<128xi32, #tpu.memory_space<vmem>>) semaphore(%arg11 : memref<!tpu.dma_semaphore, #tpu.memory_space<semaphore_mem>>)
        } else {
        }
      } else {
      }
      %eq3A_83 = arith.constant 0 : i32
      %eq3A_84 = arith.cmpi eq, %rem3A_75, %eq3A_83 : i32
      %convert_element_type3A_85 = arith.extui %eq3A_84 : i1 to i32
      %cond3A_86 = arith.constant 0 : i32
      %cond3A_87 = arith.cmpi ne, %convert_element_type3A_85, %cond3A_86 : i32
      scf.if %cond3A_87 {
        %dma_wait3A = arith.constant 0 : i32
        %dma_wait3A_97 = arith.constant 0 : i32
        %dma_wait3A_98 = tpu.memref_slice %arg8[%rem3A_75, %dma_wait3A, %dma_wait3A_97] : memref<2x128x128xf32, #tpu.memory_space<vmem>> -> memref<1x128x128xf32, #tpu.memory_space<vmem>>
        %dma_wait3A_99 = tpu.memref_squeeze %dma_wait3A_98 : memref<1x128x128xf32, #tpu.memory_space<vmem>> -> memref<128x128xf32, #tpu.memory_space<vmem>>
        %dma_wait3A_100 = arith.constant 0 : i32
        %dma_wait3A_101 = tpu.memref_slice %arg6[%rem3A_75, %dma_wait3A_100] : memref<2x128xi32, #tpu.memory_space<vmem>> -> memref<1x128xi32, #tpu.memory_space<vmem>>
        %dma_wait3A_102 = tpu.memref_squeeze %dma_wait3A_101 : memref<1x128xi32, #tpu.memory_space<vmem>> -> memref<128xi32, #tpu.memory_space<vmem>>
        %dma_wait3A_103 = arith.constant 0 : i32
        %dma_wait3A_104 = arith.constant 0 : i32
        %dma_wait3A_105 = tpu.memref_slice %arg2[%dma_wait3A_103, %dma_wait3A_104] : memref<10240x128xf32, #tpu.memory_space<hbm>> -> memref<10240x128xf32, #tpu.memory_space<hbm>>
        tpu.wait_indirect_dma semaphore(%arg10 : memref<!tpu.dma_semaphore, #tpu.memory_space<semaphore_mem>>) src(%dma_wait3A_105 : memref<10240x128xf32, #tpu.memory_space<hbm>>) dst(%dma_wait3A_99 : memref<128x128xf32, #tpu.memory_space<vmem>>)
      } else {
      }
      %eq3A_88 = arith.constant 1 : i32
      %eq3A_89 = arith.cmpi eq, %rem3A_75, %eq3A_88 : i32
      %convert_element_type3A_90 = arith.extui %eq3A_89 : i1 to i32
      %cond3A_91 = arith.constant 0 : i32
      %cond3A_92 = arith.cmpi ne, %convert_element_type3A_90, %cond3A_91 : i32
      scf.if %cond3A_92 {
        %dma_wait3A = arith.constant 0 : i32
        %dma_wait3A_97 = arith.constant 0 : i32
        %dma_wait3A_98 = tpu.memref_slice %arg8[%rem3A_75, %dma_wait3A, %dma_wait3A_97] : memref<2x128x128xf32, #tpu.memory_space<vmem>> -> memref<1x128x128xf32, #tpu.memory_space<vmem>>
        %dma_wait3A_99 = tpu.memref_squeeze %dma_wait3A_98 : memref<1x128x128xf32, #tpu.memory_space<vmem>> -> memref<128x128xf32, #tpu.memory_space<vmem>>
        %dma_wait3A_100 = arith.constant 0 : i32
        %dma_wait3A_101 = tpu.memref_slice %arg6[%rem3A_75, %dma_wait3A_100] : memref<2x128xi32, #tpu.memory_space<vmem>> -> memref<1x128xi32, #tpu.memory_space<vmem>>
        %dma_wait3A_102 = tpu.memref_squeeze %dma_wait3A_101 : memref<1x128xi32, #tpu.memory_space<vmem>> -> memref<128xi32, #tpu.memory_space<vmem>>
        %dma_wait3A_103 = arith.constant 0 : i32
        %dma_wait3A_104 = arith.constant 0 : i32
        %dma_wait3A_105 = tpu.memref_slice %arg2[%dma_wait3A_103, %dma_wait3A_104] : memref<10240x128xf32, #tpu.memory_space<hbm>> -> memref<10240x128xf32, #tpu.memory_space<hbm>>
        tpu.wait_indirect_dma semaphore(%arg11 : memref<!tpu.dma_semaphore, #tpu.memory_space<semaphore_mem>>) src(%dma_wait3A_105 : memref<10240x128xf32, #tpu.memory_space<hbm>>) dst(%dma_wait3A_99 : memref<128x128xf32, #tpu.memory_space<vmem>>)
      } else {
      }
      %mul3A_93 = arith.constant 128 : i32
      %mul3A_94 = arith.muli %while3A_73, %mul3A_93 : i32
      %add3A_95 = arith.addi %mul3A_9, %mul3A_94 : i32
      "tpu.region"() ({
        %run_scoped3A_97 = tpu.sem_alloc : memref<!tpu.dma_semaphore, #tpu.memory_space<semaphore_mem>>
        %dma_start3A_98 = tpu.memref_slice %arg4[%add3A_95] : memref<327680xi32, #tpu.memory_space<hbm>> -> memref<128xi32, #tpu.memory_space<hbm>>
        %dma_start3A_99 = tpu.memref_slice %arg4[%add3A_95] : memref<327680xi32, #tpu.memory_space<hbm>> -> memref<128xi32, #tpu.memory_space<hbm>>
        tpu.enqueue_dma source(%dma_start3A_99 : memref<128xi32, #tpu.memory_space<hbm>>) target(%arg7 : memref<128xi32, #tpu.memory_space<vmem>>) target_semaphore(%run_scoped3A_97 : memref<!tpu.dma_semaphore, #tpu.memory_space<semaphore_mem>>)
        %dma_wait3A = tpu.memref_slice %arg4[%add3A_95] : memref<327680xi32, #tpu.memory_space<hbm>> -> memref<128xi32, #tpu.memory_space<hbm>>
        %dma_wait3A_100 = tpu.memref_slice %arg4[%add3A_95] : memref<327680xi32, #tpu.memory_space<hbm>> -> memref<128xi32, #tpu.memory_space<hbm>>
        tpu.wait_dma2 semaphore(%run_scoped3A_97 : memref<!tpu.dma_semaphore, #tpu.memory_space<semaphore_mem>>) src(%dma_wait3A_100 : memref<128xi32, #tpu.memory_space<hbm>>) dst(%arg7 : memref<128xi32, #tpu.memory_space<vmem>>)
        tpu.yield
      }) : () -> ()
      "tpu.region"() ({
        %run_scoped3A_97 = tpu.sem_alloc : memref<!tpu.dma_semaphore, #tpu.memory_space<semaphore_mem>>
        %dma_start3A_98 = arith.constant 0 : i32
        %dma_start3A_99 = arith.constant 0 : i32
        %dma_start3A_100 = tpu.memref_slice %arg8[%rem3A_75, %dma_start3A_98, %dma_start3A_99] : memref<2x128x128xf32, #tpu.memory_space<vmem>> -> memref<1x128x128xf32, #tpu.memory_space<vmem>>
        %dma_start3A_101 = tpu.memref_squeeze %dma_start3A_100 : memref<1x128x128xf32, #tpu.memory_space<vmem>> -> memref<128x128xf32, #tpu.memory_space<vmem>>
        %dma_start3A_102 = arith.constant 0 : i32
        %dma_start3A_103 = arith.constant 0 : i32
        %dma_start3A_104 = tpu.memref_slice %arg9[%dma_start3A_102, %dma_start3A_103] : memref<10240x128xf32, #tpu.memory_space<vmem_shared>> -> memref<10240x128xf32, #tpu.memory_space<vmem_shared>>
        tpu.enqueue_indirect_dma source(%dma_start3A_101 : memref<128x128xf32, #tpu.memory_space<vmem>>) target(%dma_start3A_104 : memref<10240x128xf32, #tpu.memory_space<vmem_shared>>) offsets(%arg7 : memref<128xi32, #tpu.memory_space<vmem>>) semaphore(%run_scoped3A_97 : memref<!tpu.dma_semaphore, #tpu.memory_space<semaphore_mem>>) {add = true}
        %dma_wait3A = arith.constant 0 : i32
        %dma_wait3A_105 = arith.constant 0 : i32
        %dma_wait3A_106 = tpu.memref_slice %arg8[%rem3A_75, %dma_wait3A, %dma_wait3A_105] : memref<2x128x128xf32, #tpu.memory_space<vmem>> -> memref<1x128x128xf32, #tpu.memory_space<vmem>>
        %dma_wait3A_107 = tpu.memref_squeeze %dma_wait3A_106 : memref<1x128x128xf32, #tpu.memory_space<vmem>> -> memref<128x128xf32, #tpu.memory_space<vmem>>
        %dma_wait3A_108 = arith.constant 0 : i32
        %dma_wait3A_109 = arith.constant 0 : i32
        %dma_wait3A_110 = tpu.memref_slice %arg9[%dma_wait3A_108, %dma_wait3A_109] : memref<10240x128xf32, #tpu.memory_space<vmem_shared>> -> memref<10240x128xf32, #tpu.memory_space<vmem_shared>>
        tpu.wait_indirect_dma semaphore(%run_scoped3A_97 : memref<!tpu.dma_semaphore, #tpu.memory_space<semaphore_mem>>) src(%dma_wait3A_107 : memref<128x128xf32, #tpu.memory_space<vmem>>) dst(%dma_wait3A_110 : memref<10240x128xf32, #tpu.memory_space<vmem_shared>>)
        tpu.yield
      }) : () -> ()
      %while3A_96 = arith.constant 0 : i32
      scf.yield %while3A_96 : i32
    }
    %barrier3A_65 = arith.constant 0 : index
    tpu.barrier barrier_id(%barrier3A_65)
    %mul3A_66 = arith.constant 640 : i32
    %mul3A_67 = arith.muli %arg1, %mul3A_66 : i32
    %mul3A_68 = arith.constant 10240 : i32
    %mul3A_69 = arith.muli %arg0, %mul3A_68 : i32
    %mul3A_70 = arith.constant 640 : i32
    %mul3A_71 = arith.muli %arg1, %mul3A_70 : i32
    %add3A_72 = arith.addi %mul3A_69, %mul3A_71 : i32
    "tpu.region"() ({
      %run_scoped3A_73 = tpu.sem_alloc : memref<!tpu.dma_semaphore, #tpu.memory_space<semaphore_mem>>
      %dma_start3A_74 = arith.constant 0 : i32
      %dma_start3A_75 = tpu.memref_slice %arg5[%add3A_72, %dma_start3A_74] : memref<20480x128xf32, #tpu.memory_space<hbm>> -> memref<640x128xf32, #tpu.memory_space<hbm>>
      %dma_start3A_76 = arith.constant 0 : i32
      %dma_start3A_77 = tpu.memref_slice %arg9[%mul3A_67, %dma_start3A_76] : memref<10240x128xf32, #tpu.memory_space<vmem_shared>> -> memref<640x128xf32, #tpu.memory_space<vmem_shared>>
      tpu.enqueue_dma source(%dma_start3A_77 : memref<640x128xf32, #tpu.memory_space<vmem_shared>>) target(%dma_start3A_75 : memref<640x128xf32, #tpu.memory_space<hbm>>) target_semaphore(%run_scoped3A_73 : memref<!tpu.dma_semaphore, #tpu.memory_space<semaphore_mem>>)
      %dma_wait3A = arith.constant 0 : i32
      %dma_wait3A_78 = tpu.memref_slice %arg5[%add3A_72, %dma_wait3A] : memref<20480x128xf32, #tpu.memory_space<hbm>> -> memref<640x128xf32, #tpu.memory_space<hbm>>
      %dma_wait3A_79 = arith.constant 0 : i32
      %dma_wait3A_80 = tpu.memref_slice %arg9[%mul3A_67, %dma_wait3A_79] : memref<10240x128xf32, #tpu.memory_space<vmem_shared>> -> memref<640x128xf32, #tpu.memory_space<vmem_shared>>
      tpu.wait_dma2 semaphore(%run_scoped3A_73 : memref<!tpu.dma_semaphore, #tpu.memory_space<semaphore_mem>>) src(%dma_wait3A_80 : memref<640x128xf32, #tpu.memory_space<vmem_shared>>) dst(%dma_wait3A_78 : memref<640x128xf32, #tpu.memory_space<hbm>>)
      tpu.yield
    }) : () -> ()
    return
  }
}

#map = affine_map<(d0, d1) -> (0, 0)>
#map1 = affine_map<(d0, d1) -> (0)>
module attributes {stable_mosaic.version = 14 : i64} {
  func.func @_spmm_kernel(%arg0: i32, %arg1: i32, %arg2: memref<10240x128xf32, #tpu.memory_space<hbm>>, %arg3: memref<327680xi32, #tpu.memory_space<hbm>>, %arg4: memref<327680xi32, #tpu.memory_space<hbm>>, %arg5: memref<20480x128xf32, #tpu.memory_space<hbm>>, %arg6: memref<2x128xi32, #tpu.memory_space<vmem>>, %arg7: memref<128xi32, #tpu.memory_space<vmem>>, %arg8: memref<2x128x128xf32, #tpu.memory_space<vmem>>, %arg9: memref<10240x128xf32, #tpu.memory_space<vmem_shared>>, %arg10: memref<!tpu.dma_semaphore, #tpu.memory_space<semaphore_mem>>, %arg11: memref<!tpu.dma_semaphore, #tpu.memory_space<semaphore_mem>>) attributes {dimension_semantics = [#tpu.dimension_semantics<core_parallel>, #tpu.dimension_semantics<subcore_parallel>], iteration_bounds = array<i64: 2, 16>, scalar_prefetch = 0 : i64, scratch_operands = 6 : i64, tpu.core_type = #tpu.core_type<sc_vector_subcore>, window_params = [{transform_indices = #map}, {transform_indices = #map1}, {transform_indices = #map1}, {transform_indices = #map}]} {
    %eq3A = arith.constant 0 : i32
    %eq3A_0 = arith.cmpi eq, %arg0, %eq3A : i32
    %jit3A = arith.constant 114 : i32
    %jit3A_1 = arith.constant 46 : i32
    %select_n3A = arith.select %eq3A_0, %jit3A, %jit3A_1 : i32
    %mul3A = arith.constant 160 : i32
    %mul3A_2 = arith.muli %arg1, %mul3A : i32
    %eq3A_3 = arith.constant 0 : i32
    %eq3A_4 = arith.cmpi eq, %arg0, %eq3A_3 : i32
    %jit3A_5 = arith.constant 0 : i32
    %jit3A_6 = arith.constant 114 : i32
    %select_n3A_7 = arith.select %eq3A_4, %jit3A_5, %jit3A_6 : i32
    %add3A = arith.addi %mul3A_2, %select_n3A_7 : i32
    %mul3A_8 = arith.constant 128 : i32
    %mul3A_9 = arith.muli %add3A, %mul3A_8 : i32
    %broadcast_in_dim3A = arith.constant 0.000000e+00 : f32
    %broadcast_in_dim3A_10 = vector.broadcast %broadcast_in_dim3A : f32 to vector<16xf32>
    %scan3A = arith.constant 0 : i32
    %scan3A_11 = arith.constant 0 : i32
    %scan3A_12 = arith.constant 0 : i32
    %scan3A_13 = arith.constant 1024 : i32
    %scan3A_14 = arith.addi %scan3A_12, %scan3A_13 : i32
    %scan3A_15 = arith.constant 1 : i32
    %scan3A_16 = scf.for %scan3A_73 = %scan3A_12 to %scan3A_14 step %scan3A_15 iter_args(%scan3A_74 = %scan3A_11) -> (i32)  : i32 {
      %jit3A_75 = arith.constant 8 : i32
      %div3A = arith.divsi %scan3A_73, %jit3A_75 : i32
      %sign3A = arith.constant 0 : i32
      %sign3A_76 = arith.cmpi sgt, %scan3A_73, %sign3A : i32
      %sign3A_77 = arith.extui %sign3A_76 : i1 to i32
      %sign3A_78 = arith.constant 0 : i32
      %sign3A_79 = arith.cmpi slt, %scan3A_73, %sign3A_78 : i32
      %sign3A_80 = arith.extui %sign3A_79 : i1 to i32
      %sign3A_81 = arith.subi %sign3A_77, %sign3A_80 : i32
      %sign3A_82 = arith.constant 0 : i32
      %sign3A_83 = arith.cmpi sgt, %jit3A_75, %sign3A_82 : i32
      %sign3A_84 = arith.extui %sign3A_83 : i1 to i32
      %sign3A_85 = arith.constant 0 : i32
      %sign3A_86 = arith.cmpi slt, %jit3A_75, %sign3A_85 : i32
      %sign3A_87 = arith.extui %sign3A_86 : i1 to i32
      %sign3A_88 = arith.subi %sign3A_84, %sign3A_87 : i32
      %ne3A = arith.cmpi ne, %sign3A_81, %sign3A_88 : i32
      %rem3A = arith.remsi %scan3A_73, %jit3A_75 : i32
      %ne3A_89 = arith.constant 0 : i32
      %ne3A_90 = arith.cmpi ne, %rem3A, %ne3A_89 : i32
      %and3A = arith.andi %ne3A, %ne3A_90 : i1
      %sub3A = arith.constant 1 : i32
      %sub3A_91 = arith.subi %div3A, %sub3A : i32
      %select_n3A_92 = arith.select %and3A, %sub3A_91, %div3A : i32
      %jit3A_93 = arith.constant 8 : i32
      %eq3A_94 = arith.constant 0 : i32
      %eq3A_95 = arith.cmpi eq, %jit3A_93, %eq3A_94 : i32
      %jit3A_96 = arith.constant 1 : i32
      %select_n3A_97 = arith.select %eq3A_95, %jit3A_96, %jit3A_93 : i32
      %rem3A_98 = arith.remsi %scan3A_73, %select_n3A_97 : i32
      %ne3A_99 = arith.constant 0 : i32
      %ne3A_100 = arith.cmpi ne, %rem3A_98, %ne3A_99 : i32
      %lt3A = arith.constant 0 : i32
      %lt3A_101 = arith.cmpi slt, %rem3A_98, %lt3A : i32
      %lt3A_102 = arith.constant 0 : i32
      %lt3A_103 = arith.cmpi slt, %select_n3A_97, %lt3A_102 : i32
      %ne3A_104 = arith.xori %lt3A_101, %lt3A_103 : i1
      %and3A_105 = arith.andi %ne3A_104, %ne3A_100 : i1
      %add3A_106 = arith.addi %rem3A_98, %select_n3A_97 : i32
      %select_n3A_107 = arith.select %and3A_105, %add3A_106, %rem3A_98 : i32
      %mul3A_108 = arith.constant 16 : i32
      %mul3A_109 = arith.muli %select_n3A_107, %mul3A_108 : i32
      %swap3A = arith.constant 0 : i32
      %swap3A_110 = arith.constant 0 : i32
      %swap3A_111 = tpu.memref_slice %arg8[%scan3A, %swap3A, %swap3A_110] : memref<2x128x128xf32, #tpu.memory_space<vmem>> -> memref<1x128x128xf32, #tpu.memory_space<vmem>>
      %swap3A_112 = tpu.memref_squeeze %swap3A_111 : memref<1x128x128xf32, #tpu.memory_space<vmem>> -> memref<128x128xf32, #tpu.memory_space<vmem>>
      %swap3A_113 = arith.index_cast %select_n3A_92 : i32 to index
      %swap3A_114 = arith.index_cast %mul3A_109 : i32 to index
      %swap3A_115 = tpu.vector_load %swap3A_112[%swap3A_113, %swap3A_114] {strides = array<i32>} : memref<128x128xf32, #tpu.memory_space<vmem>>, vector<1x16xf32>,
      %swap3A_116 = vector.shape_cast %swap3A_115 : vector<1x16xf32> to vector<16xf32>
      %swap3A_117 = vector.shape_cast %broadcast_in_dim3A_10 : vector<16xf32> to vector<1x16xf32>
      tpu.vector_store %swap3A_112[%swap3A_113, %swap3A_114], %swap3A_117 {strides = array<i32>} : memref<128x128xf32, #tpu.memory_space<vmem>>, vector<1x16xf32>,
      %scan3A_118 = arith.constant 0 : i32
      scf.yield %scan3A_118 : i32
    }
    %scan3A_17 = arith.constant 1024 : i32
    %mul3A_18 = arith.constant 640 : i32
    %mul3A_19 = arith.muli %arg1, %mul3A_18 : i32
    %add3A_20 = arith.constant 0 : i32
    %add3A_21 = arith.addi %mul3A_19, %add3A_20 : i32
    %run_scoped3A = arith.constant 0 : i32
    "tpu.region"() ({
      %run_scoped3A_73 = tpu.sem_alloc : memref<!tpu.dma_semaphore, #tpu.memory_space<semaphore_mem>>
      %dma_start3A_74 = arith.constant 0 : i32
      %dma_start3A_75 = arith.constant 0 : i32
      %dma_start3A_76 = tpu.memref_slice %arg8[%run_scoped3A, %dma_start3A_74, %dma_start3A_75] : memref<2x128x128xf32, #tpu.memory_space<vmem>> -> memref<1x128x128xf32, #tpu.memory_space<vmem>>
      %dma_start3A_77 = tpu.memref_squeeze %dma_start3A_76 : memref<1x128x128xf32, #tpu.memory_space<vmem>> -> memref<128x128xf32, #tpu.memory_space<vmem>>
      %dma_start3A_78 = arith.constant 0 : i32
      %dma_start3A_79 = tpu.memref_slice %arg9[%add3A_21, %dma_start3A_78] : memref<10240x128xf32, #tpu.memory_space<vmem_shared>> -> memref<128x128xf32, #tpu.memory_space<vmem_shared>>
      %dma_start3A_80 = arith.constant 0 : i32
      %dma_start3A_81 = tpu.memref_slice %arg9[%add3A_21, %dma_start3A_80] : memref<10240x128xf32, #tpu.memory_space<vmem_shared>> -> memref<128x128xf32, #tpu.memory_space<vmem_shared>>
      %dma_start3A_82 = arith.constant 0 : i32
      %dma_start3A_83 = arith.constant 0 : i32
      %dma_start3A_84 = tpu.memref_slice %arg8[%run_scoped3A, %dma_start3A_82, %dma_start3A_83] : memref<2x128x128xf32, #tpu.memory_space<vmem>> -> memref<1x128x128xf32, #tpu.memory_space<vmem>>
      %dma_start3A_85 = tpu.memref_squeeze %dma_start3A_84 : memref<1x128x128xf32, #tpu.memory_space<vmem>> -> memref<128x128xf32, #tpu.memory_space<vmem>>
      tpu.enqueue_dma source(%dma_start3A_85 : memref<128x128xf32, #tpu.memory_space<vmem>>) target(%dma_start3A_81 : memref<128x128xf32, #tpu.memory_space<vmem_shared>>) target_semaphore(%run_scoped3A_73 : memref<!tpu.dma_semaphore, #tpu.memory_space<semaphore_mem>>)
      %dma_wait3A = arith.constant 0 : i32
      %dma_wait3A_86 = arith.constant 0 : i32
      %dma_wait3A_87 = tpu.memref_slice %arg8[%run_scoped3A, %dma_wait3A, %dma_wait3A_86] : memref<2x128x128xf32, #tpu.memory_space<vmem>> -> memref<1x128x128xf32, #tpu.memory_space<vmem>>
      %dma_wait3A_88 = tpu.memref_squeeze %dma_wait3A_87 : memref<1x128x128xf32, #tpu.memory_space<vmem>> -> memref<128x128xf32, #tpu.memory_space<vmem>>
      %dma_wait3A_89 = arith.constant 0 : i32
      %dma_wait3A_90 = tpu.memref_slice %arg9[%add3A_21, %dma_wait3A_89] : memref<10240x128xf32, #tpu.memory_space<vmem_shared>> -> memref<128x128xf32, #tpu.memory_space<vmem_shared>>
      %dma_wait3A_91 = arith.constant 0 : i32
      %dma_wait3A_92 = tpu.memref_slice %arg9[%add3A_21, %dma_wait3A_91] : memref<10240x128xf32, #tpu.memory_space<vmem_shared>> -> memref<128x128xf32, #tpu.memory_space<vmem_shared>>
      %dma_wait3A_93 = arith.constant 0 : i32
      %dma_wait3A_94 = arith.constant 0 : i32
      %dma_wait3A_95 = tpu.memref_slice %arg8[%run_scoped3A, %dma_wait3A_93, %dma_wait3A_94] : memref<2x128x128xf32, #tpu.memory_space<vmem>> -> memref<1x128x128xf32, #tpu.memory_space<vmem>>
      %dma_wait3A_96 = tpu.memref_squeeze %dma_wait3A_95 : memref<1x128x128xf32, #tpu.memory_space<vmem>> -> memref<128x128xf32, #tpu.memory_space<vmem>>
      tpu.wait_dma2 semaphore(%run_scoped3A_73 : memref<!tpu.dma_semaphore, #tpu.memory_space<semaphore_mem>>) src(%dma_wait3A_96 : memref<128x128xf32, #tpu.memory_space<vmem>>) dst(%dma_wait3A_92 : memref<128x128xf32, #tpu.memory_space<vmem_shared>>)
      tpu.yield
    }) : () -> ()
    %mul3A_22 = arith.constant 640 : i32
    %mul3A_23 = arith.muli %arg1, %mul3A_22 : i32
    %add3A_24 = arith.constant 128 : i32
    %add3A_25 = arith.addi %mul3A_23, %add3A_24 : i32
    %run_scoped3A_26 = arith.constant 0 : i32
    "tpu.region"() ({
      %run_scoped3A_73 = tpu.sem_alloc : memref<!tpu.dma_semaphore, #tpu.memory_space<semaphore_mem>>
      %dma_start3A_74 = arith.constant 0 : i32
      %dma_start3A_75 = arith.constant 0 : i32
      %dma_start3A_76 = tpu.memref_slice %arg8[%run_scoped3A_26, %dma_start3A_74, %dma_start3A_75] : memref<2x128x128xf32, #tpu.memory_space<vmem>> -> memref<1x128x128xf32, #tpu.memory_space<vmem>>
      %dma_start3A_77 = tpu.memref_squeeze %dma_start3A_76 : memref<1x128x128xf32, #tpu.memory_space<vmem>> -> memref<128x128xf32, #tpu.memory_space<vmem>>
      %dma_start3A_78 = arith.constant 0 : i32
      %dma_start3A_79 = tpu.memref_slice %arg9[%add3A_25, %dma_start3A_78] : memref<10240x128xf32, #tpu.memory_space<vmem_shared>> -> memref<128x128xf32, #tpu.memory_space<vmem_shared>>
      %dma_start3A_80 = arith.constant 0 : i32
      %dma_start3A_81 = tpu.memref_slice %arg9[%add3A_25, %dma_start3A_80] : memref<10240x128xf32, #tpu.memory_space<vmem_shared>> -> memref<128x128xf32, #tpu.memory_space<vmem_shared>>
      %dma_start3A_82 = arith.constant 0 : i32
      %dma_start3A_83 = arith.constant 0 : i32
      %dma_start3A_84 = tpu.memref_slice %arg8[%run_scoped3A_26, %dma_start3A_82, %dma_start3A_83] : memref<2x128x128xf32, #tpu.memory_space<vmem>> -> memref<1x128x128xf32, #tpu.memory_space<vmem>>
      %dma_start3A_85 = tpu.memref_squeeze %dma_start3A_84 : memref<1x128x128xf32, #tpu.memory_space<vmem>> -> memref<128x128xf32, #tpu.memory_space<vmem>>
      tpu.enqueue_dma source(%dma_start3A_85 : memref<128x128xf32, #tpu.memory_space<vmem>>) target(%dma_start3A_81 : memref<128x128xf32, #tpu.memory_space<vmem_shared>>) target_semaphore(%run_scoped3A_73 : memref<!tpu.dma_semaphore, #tpu.memory_space<semaphore_mem>>)
      %dma_wait3A = arith.constant 0 : i32
      %dma_wait3A_86 = arith.constant 0 : i32
      %dma_wait3A_87 = tpu.memref_slice %arg8[%run_scoped3A_26, %dma_wait3A, %dma_wait3A_86] : memref<2x128x128xf32, #tpu.memory_space<vmem>> -> memref<1x128x128xf32, #tpu.memory_space<vmem>>
      %dma_wait3A_88 = tpu.memref_squeeze %dma_wait3A_87 : memref<1x128x128xf32, #tpu.memory_space<vmem>> -> memref<128x128xf32, #tpu.memory_space<vmem>>
      %dma_wait3A_89 = arith.constant 0 : i32
      %dma_wait3A_90 = tpu.memref_slice %arg9[%add3A_25, %dma_wait3A_89] : memref<10240x128xf32, #tpu.memory_space<vmem_shared>> -> memref<128x128xf32, #tpu.memory_space<vmem_shared>>
      %dma_wait3A_91 = arith.constant 0 : i32
      %dma_wait3A_92 = tpu.memref_slice %arg9[%add3A_25, %dma_wait3A_91] : memref<10240x128xf32, #tpu.memory_space<vmem_shared>> -> memref<128x128xf32, #tpu.memory_space<vmem_shared>>
      %dma_wait3A_93 = arith.constant 0 : i32
      %dma_wait3A_94 = arith.constant 0 : i32
      %dma_wait3A_95 = tpu.memref_slice %arg8[%run_scoped3A_26, %dma_wait3A_93, %dma_wait3A_94] : memref<2x128x128xf32, #tpu.memory_space<vmem>> -> memref<1x128x128xf32, #tpu.memory_space<vmem>>
      %dma_wait3A_96 = tpu.memref_squeeze %dma_wait3A_95 : memref<1x128x128xf32, #tpu.memory_space<vmem>> -> memref<128x128xf32, #tpu.memory_space<vmem>>
      tpu.wait_dma2 semaphore(%run_scoped3A_73 : memref<!tpu.dma_semaphore, #tpu.memory_space<semaphore_mem>>) src(%dma_wait3A_96 : memref<128x128xf32, #tpu.memory_space<vmem>>) dst(%dma_wait3A_92 : memref<128x128xf32, #tpu.memory_space<vmem_shared>>)
      tpu.yield
    }) : () -> ()
    %mul3A_27 = arith.constant 640 : i32
    %mul3A_28 = arith.muli %arg1, %mul3A_27 : i32
    %add3A_29 = arith.constant 256 : i32
    %add3A_30 = arith.addi %mul3A_28, %add3A_29 : i32
    %run_scoped3A_31 = arith.constant 0 : i32
    "tpu.region"() ({
      %run_scoped3A_73 = tpu.sem_alloc : memref<!tpu.dma_semaphore, #tpu.memory_space<semaphore_mem>>
      %dma_start3A_74 = arith.constant 0 : i32
      %dma_start3A_75 = arith.constant 0 : i32
      %dma_start3A_76 = tpu.memref_slice %arg8[%run_scoped3A_31, %dma_start3A_74, %dma_start3A_75] : memref<2x128x128xf32, #tpu.memory_space<vmem>> -> memref<1x128x128xf32, #tpu.memory_space<vmem>>
      %dma_start3A_77 = tpu.memref_squeeze %dma_start3A_76 : memref<1x128x128xf32, #tpu.memory_space<vmem>> -> memref<128x128xf32, #tpu.memory_space<vmem>>
      %dma_start3A_78 = arith.constant 0 : i32
      %dma_start3A_79 = tpu.memref_slice %arg9[%add3A_30, %dma_start3A_78] : memref<10240x128xf32, #tpu.memory_space<vmem_shared>> -> memref<128x128xf32, #tpu.memory_space<vmem_shared>>
      %dma_start3A_80 = arith.constant 0 : i32
      %dma_start3A_81 = tpu.memref_slice %arg9[%add3A_30, %dma_start3A_80] : memref<10240x128xf32, #tpu.memory_space<vmem_shared>> -> memref<128x128xf32, #tpu.memory_space<vmem_shared>>
      %dma_start3A_82 = arith.constant 0 : i32
      %dma_start3A_83 = arith.constant 0 : i32
      %dma_start3A_84 = tpu.memref_slice %arg8[%run_scoped3A_31, %dma_start3A_82, %dma_start3A_83] : memref<2x128x128xf32, #tpu.memory_space<vmem>> -> memref<1x128x128xf32, #tpu.memory_space<vmem>>
      %dma_start3A_85 = tpu.memref_squeeze %dma_start3A_84 : memref<1x128x128xf32, #tpu.memory_space<vmem>> -> memref<128x128xf32, #tpu.memory_space<vmem>>
      tpu.enqueue_dma source(%dma_start3A_85 : memref<128x128xf32, #tpu.memory_space<vmem>>) target(%dma_start3A_81 : memref<128x128xf32, #tpu.memory_space<vmem_shared>>) target_semaphore(%run_scoped3A_73 : memref<!tpu.dma_semaphore, #tpu.memory_space<semaphore_mem>>)
      %dma_wait3A = arith.constant 0 : i32
      %dma_wait3A_86 = arith.constant 0 : i32
      %dma_wait3A_87 = tpu.memref_slice %arg8[%run_scoped3A_31, %dma_wait3A, %dma_wait3A_86] : memref<2x128x128xf32, #tpu.memory_space<vmem>> -> memref<1x128x128xf32, #tpu.memory_space<vmem>>
      %dma_wait3A_88 = tpu.memref_squeeze %dma_wait3A_87 : memref<1x128x128xf32, #tpu.memory_space<vmem>> -> memref<128x128xf32, #tpu.memory_space<vmem>>
      %dma_wait3A_89 = arith.constant 0 : i32
      %dma_wait3A_90 = tpu.memref_slice %arg9[%add3A_30, %dma_wait3A_89] : memref<10240x128xf32, #tpu.memory_space<vmem_shared>> -> memref<128x128xf32, #tpu.memory_space<vmem_shared>>
      %dma_wait3A_91 = arith.constant 0 : i32
      %dma_wait3A_92 = tpu.memref_slice %arg9[%add3A_30, %dma_wait3A_91] : memref<10240x128xf32, #tpu.memory_space<vmem_shared>> -> memref<128x128xf32, #tpu.memory_space<vmem_shared>>
      %dma_wait3A_93 = arith.constant 0 : i32
      %dma_wait3A_94 = arith.constant 0 : i32
      %dma_wait3A_95 = tpu.memref_slice %arg8[%run_scoped3A_31, %dma_wait3A_93, %dma_wait3A_94] : memref<2x128x128xf32, #tpu.memory_space<vmem>> -> memref<1x128x128xf32, #tpu.memory_space<vmem>>
      %dma_wait3A_96 = tpu.memref_squeeze %dma_wait3A_95 : memref<1x128x128xf32, #tpu.memory_space<vmem>> -> memref<128x128xf32, #tpu.memory_space<vmem>>
      tpu.wait_dma2 semaphore(%run_scoped3A_73 : memref<!tpu.dma_semaphore, #tpu.memory_space<semaphore_mem>>) src(%dma_wait3A_96 : memref<128x128xf32, #tpu.memory_space<vmem>>) dst(%dma_wait3A_92 : memref<128x128xf32, #tpu.memory_space<vmem_shared>>)
      tpu.yield
    }) : () -> ()
    %mul3A_32 = arith.constant 640 : i32
    %mul3A_33 = arith.muli %arg1, %mul3A_32 : i32
    %add3A_34 = arith.constant 384 : i32
    %add3A_35 = arith.addi %mul3A_33, %add3A_34 : i32
    %run_scoped3A_36 = arith.constant 0 : i32
    "tpu.region"() ({
      %run_scoped3A_73 = tpu.sem_alloc : memref<!tpu.dma_semaphore, #tpu.memory_space<semaphore_mem>>
      %dma_start3A_74 = arith.constant 0 : i32
      %dma_start3A_75 = arith.constant 0 : i32
      %dma_start3A_76 = tpu.memref_slice %arg8[%run_scoped3A_36, %dma_start3A_74, %dma_start3A_75] : memref<2x128x128xf32, #tpu.memory_space<vmem>> -> memref<1x128x128xf32, #tpu.memory_space<vmem>>
      %dma_start3A_77 = tpu.memref_squeeze %dma_start3A_76 : memref<1x128x128xf32, #tpu.memory_space<vmem>> -> memref<128x128xf32, #tpu.memory_space<vmem>>
      %dma_start3A_78 = arith.constant 0 : i32
      %dma_start3A_79 = tpu.memref_slice %arg9[%add3A_35, %dma_start3A_78] : memref<10240x128xf32, #tpu.memory_space<vmem_shared>> -> memref<128x128xf32, #tpu.memory_space<vmem_shared>>
      %dma_start3A_80 = arith.constant 0 : i32
      %dma_start3A_81 = tpu.memref_slice %arg9[%add3A_35, %dma_start3A_80] : memref<10240x128xf32, #tpu.memory_space<vmem_shared>> -> memref<128x128xf32, #tpu.memory_space<vmem_shared>>
      %dma_start3A_82 = arith.constant 0 : i32
      %dma_start3A_83 = arith.constant 0 : i32
      %dma_start3A_84 = tpu.memref_slice %arg8[%run_scoped3A_36, %dma_start3A_82, %dma_start3A_83] : memref<2x128x128xf32, #tpu.memory_space<vmem>> -> memref<1x128x128xf32, #tpu.memory_space<vmem>>
      %dma_start3A_85 = tpu.memref_squeeze %dma_start3A_84 : memref<1x128x128xf32, #tpu.memory_space<vmem>> -> memref<128x128xf32, #tpu.memory_space<vmem>>
      tpu.enqueue_dma source(%dma_start3A_85 : memref<128x128xf32, #tpu.memory_space<vmem>>) target(%dma_start3A_81 : memref<128x128xf32, #tpu.memory_space<vmem_shared>>) target_semaphore(%run_scoped3A_73 : memref<!tpu.dma_semaphore, #tpu.memory_space<semaphore_mem>>)
      %dma_wait3A = arith.constant 0 : i32
      %dma_wait3A_86 = arith.constant 0 : i32
      %dma_wait3A_87 = tpu.memref_slice %arg8[%run_scoped3A_36, %dma_wait3A, %dma_wait3A_86] : memref<2x128x128xf32, #tpu.memory_space<vmem>> -> memref<1x128x128xf32, #tpu.memory_space<vmem>>
      %dma_wait3A_88 = tpu.memref_squeeze %dma_wait3A_87 : memref<1x128x128xf32, #tpu.memory_space<vmem>> -> memref<128x128xf32, #tpu.memory_space<vmem>>
      %dma_wait3A_89 = arith.constant 0 : i32
      %dma_wait3A_90 = tpu.memref_slice %arg9[%add3A_35, %dma_wait3A_89] : memref<10240x128xf32, #tpu.memory_space<vmem_shared>> -> memref<128x128xf32, #tpu.memory_space<vmem_shared>>
      %dma_wait3A_91 = arith.constant 0 : i32
      %dma_wait3A_92 = tpu.memref_slice %arg9[%add3A_35, %dma_wait3A_91] : memref<10240x128xf32, #tpu.memory_space<vmem_shared>> -> memref<128x128xf32, #tpu.memory_space<vmem_shared>>
      %dma_wait3A_93 = arith.constant 0 : i32
      %dma_wait3A_94 = arith.constant 0 : i32
      %dma_wait3A_95 = tpu.memref_slice %arg8[%run_scoped3A_36, %dma_wait3A_93, %dma_wait3A_94] : memref<2x128x128xf32, #tpu.memory_space<vmem>> -> memref<1x128x128xf32, #tpu.memory_space<vmem>>
      %dma_wait3A_96 = tpu.memref_squeeze %dma_wait3A_95 : memref<1x128x128xf32, #tpu.memory_space<vmem>> -> memref<128x128xf32, #tpu.memory_space<vmem>>
      tpu.wait_dma2 semaphore(%run_scoped3A_73 : memref<!tpu.dma_semaphore, #tpu.memory_space<semaphore_mem>>) src(%dma_wait3A_96 : memref<128x128xf32, #tpu.memory_space<vmem>>) dst(%dma_wait3A_92 : memref<128x128xf32, #tpu.memory_space<vmem_shared>>)
      tpu.yield
    }) : () -> ()
    %mul3A_37 = arith.constant 640 : i32
    %mul3A_38 = arith.muli %arg1, %mul3A_37 : i32
    %add3A_39 = arith.constant 512 : i32
    %add3A_40 = arith.addi %mul3A_38, %add3A_39 : i32
    %run_scoped3A_41 = arith.constant 0 : i32
    "tpu.region"() ({
      %run_scoped3A_73 = tpu.sem_alloc : memref<!tpu.dma_semaphore, #tpu.memory_space<semaphore_mem>>
      %dma_start3A_74 = arith.constant 0 : i32
      %dma_start3A_75 = arith.constant 0 : i32
      %dma_start3A_76 = tpu.memref_slice %arg8[%run_scoped3A_41, %dma_start3A_74, %dma_start3A_75] : memref<2x128x128xf32, #tpu.memory_space<vmem>> -> memref<1x128x128xf32, #tpu.memory_space<vmem>>
      %dma_start3A_77 = tpu.memref_squeeze %dma_start3A_76 : memref<1x128x128xf32, #tpu.memory_space<vmem>> -> memref<128x128xf32, #tpu.memory_space<vmem>>
      %dma_start3A_78 = arith.constant 0 : i32
      %dma_start3A_79 = tpu.memref_slice %arg9[%add3A_40, %dma_start3A_78] : memref<10240x128xf32, #tpu.memory_space<vmem_shared>> -> memref<128x128xf32, #tpu.memory_space<vmem_shared>>
      %dma_start3A_80 = arith.constant 0 : i32
      %dma_start3A_81 = tpu.memref_slice %arg9[%add3A_40, %dma_start3A_80] : memref<10240x128xf32, #tpu.memory_space<vmem_shared>> -> memref<128x128xf32, #tpu.memory_space<vmem_shared>>
      %dma_start3A_82 = arith.constant 0 : i32
      %dma_start3A_83 = arith.constant 0 : i32
      %dma_start3A_84 = tpu.memref_slice %arg8[%run_scoped3A_41, %dma_start3A_82, %dma_start3A_83] : memref<2x128x128xf32, #tpu.memory_space<vmem>> -> memref<1x128x128xf32, #tpu.memory_space<vmem>>
      %dma_start3A_85 = tpu.memref_squeeze %dma_start3A_84 : memref<1x128x128xf32, #tpu.memory_space<vmem>> -> memref<128x128xf32, #tpu.memory_space<vmem>>
      tpu.enqueue_dma source(%dma_start3A_85 : memref<128x128xf32, #tpu.memory_space<vmem>>) target(%dma_start3A_81 : memref<128x128xf32, #tpu.memory_space<vmem_shared>>) target_semaphore(%run_scoped3A_73 : memref<!tpu.dma_semaphore, #tpu.memory_space<semaphore_mem>>)
      %dma_wait3A = arith.constant 0 : i32
      %dma_wait3A_86 = arith.constant 0 : i32
      %dma_wait3A_87 = tpu.memref_slice %arg8[%run_scoped3A_41, %dma_wait3A, %dma_wait3A_86] : memref<2x128x128xf32, #tpu.memory_space<vmem>> -> memref<1x128x128xf32, #tpu.memory_space<vmem>>
      %dma_wait3A_88 = tpu.memref_squeeze %dma_wait3A_87 : memref<1x128x128xf32, #tpu.memory_space<vmem>> -> memref<128x128xf32, #tpu.memory_space<vmem>>
      %dma_wait3A_89 = arith.constant 0 : i32
      %dma_wait3A_90 = tpu.memref_slice %arg9[%add3A_40, %dma_wait3A_89] : memref<10240x128xf32, #tpu.memory_space<vmem_shared>> -> memref<128x128xf32, #tpu.memory_space<vmem_shared>>
      %dma_wait3A_91 = arith.constant 0 : i32
      %dma_wait3A_92 = tpu.memref_slice %arg9[%add3A_40, %dma_wait3A_91] : memref<10240x128xf32, #tpu.memory_space<vmem_shared>> -> memref<128x128xf32, #tpu.memory_space<vmem_shared>>
      %dma_wait3A_93 = arith.constant 0 : i32
      %dma_wait3A_94 = arith.constant 0 : i32
      %dma_wait3A_95 = tpu.memref_slice %arg8[%run_scoped3A_41, %dma_wait3A_93, %dma_wait3A_94] : memref<2x128x128xf32, #tpu.memory_space<vmem>> -> memref<1x128x128xf32, #tpu.memory_space<vmem>>
      %dma_wait3A_96 = tpu.memref_squeeze %dma_wait3A_95 : memref<1x128x128xf32, #tpu.memory_space<vmem>> -> memref<128x128xf32, #tpu.memory_space<vmem>>
      tpu.wait_dma2 semaphore(%run_scoped3A_73 : memref<!tpu.dma_semaphore, #tpu.memory_space<semaphore_mem>>) src(%dma_wait3A_96 : memref<128x128xf32, #tpu.memory_space<vmem>>) dst(%dma_wait3A_92 : memref<128x128xf32, #tpu.memory_space<vmem_shared>>)
      tpu.yield
    }) : () -> ()
    %barrier3A = arith.constant 0 : index
    tpu.barrier barrier_id(%barrier3A)
    %run_scoped3A_42 = arith.constant 0 : i32
    "tpu.region"() ({
      %run_scoped3A_73 = tpu.sem_alloc : memref<!tpu.dma_semaphore, #tpu.memory_space<semaphore_mem>>
      %dma_start3A_74 = arith.constant 0 : i32
      %dma_start3A_75 = tpu.memref_slice %arg6[%run_scoped3A_42, %dma_start3A_74] : memref<2x128xi32, #tpu.memory_space<vmem>> -> memref<1x128xi32, #tpu.memory_space<vmem>>
      %dma_start3A_76 = tpu.memref_squeeze %dma_start3A_75 : memref<1x128xi32, #tpu.memory_space<vmem>> -> memref<128xi32, #tpu.memory_space<vmem>>
      %dma_start3A_77 = tpu.memref_slice %arg3[%mul3A_9] : memref<327680xi32, #tpu.memory_space<hbm>> -> memref<128xi32, #tpu.memory_space<hbm>>
      %dma_start3A_78 = arith.constant 0 : i32
      %dma_start3A_79 = tpu.memref_slice %arg6[%run_scoped3A_42, %dma_start3A_78] : memref<2x128xi32, #tpu.memory_space<vmem>> -> memref<1x128xi32, #tpu.memory_space<vmem>>
      %dma_start3A_80 = tpu.memref_squeeze %dma_start3A_79 : memref<1x128xi32, #tpu.memory_space<vmem>> -> memref<128xi32, #tpu.memory_space<vmem>>
      %dma_start3A_81 = tpu.memref_slice %arg3[%mul3A_9] : memref<327680xi32, #tpu.memory_space<hbm>> -> memref<128xi32, #tpu.memory_space<hbm>>
      tpu.enqueue_dma source(%dma_start3A_81 : memref<128xi32, #tpu.memory_space<hbm>>) target(%dma_start3A_80 : memref<128xi32, #tpu.memory_space<vmem>>) target_semaphore(%run_scoped3A_73 : memref<!tpu.dma_semaphore, #tpu.memory_space<semaphore_mem>>)
      %dma_wait3A = arith.constant 0 : i32
      %dma_wait3A_82 = tpu.memref_slice %arg6[%run_scoped3A_42, %dma_wait3A] : memref<2x128xi32, #tpu.memory_space<vmem>> -> memref<1x128xi32, #tpu.memory_space<vmem>>
      %dma_wait3A_83 = tpu.memref_squeeze %dma_wait3A_82 : memref<1x128xi32, #tpu.memory_space<vmem>> -> memref<128xi32, #tpu.memory_space<vmem>>
      %dma_wait3A_84 = tpu.memref_slice %arg3[%mul3A_9] : memref<327680xi32, #tpu.memory_space<hbm>> -> memref<128xi32, #tpu.memory_space<hbm>>
      %dma_wait3A_85 = arith.constant 0 : i32
      %dma_wait3A_86 = tpu.memref_slice %arg6[%run_scoped3A_42, %dma_wait3A_85] : memref<2x128xi32, #tpu.memory_space<vmem>> -> memref<1x128xi32, #tpu.memory_space<vmem>>
      %dma_wait3A_87 = tpu.memref_squeeze %dma_wait3A_86 : memref<1x128xi32, #tpu.memory_space<vmem>> -> memref<128xi32, #tpu.memory_space<vmem>>
      %dma_wait3A_88 = tpu.memref_slice %arg3[%mul3A_9] : memref<327680xi32, #tpu.memory_space<hbm>> -> memref<128xi32, #tpu.memory_space<hbm>>
      tpu.wait_dma2 semaphore(%run_scoped3A_73 : memref<!tpu.dma_semaphore, #tpu.memory_space<semaphore_mem>>) src(%dma_wait3A_88 : memref<128xi32, #tpu.memory_space<hbm>>) dst(%dma_wait3A_87 : memref<128xi32, #tpu.memory_space<vmem>>)
      tpu.yield
    }) : () -> ()
    %dma_start3A = arith.constant 0 : i32
    %dma_start3A_43 = arith.constant 0 : i32
    %dma_start3A_44 = arith.constant 0 : i32
    %dma_start3A_45 = arith.constant 0 : i32
    %dma_start3A_46 = tpu.memref_slice %arg8[%dma_start3A_43, %dma_start3A_44, %dma_start3A_45] : memref<2x128x128xf32, #tpu.memory_space<vmem>> -> memref<1x128x128xf32, #tpu.memory_space<vmem>>
    %dma_start3A_47 = tpu.memref_squeeze %dma_start3A_46 : memref<1x128x128xf32, #tpu.memory_space<vmem>> -> memref<128x128xf32, #tpu.memory_space<vmem>>
    %dma_start3A_48 = arith.constant 0 : i32
    %dma_start3A_49 = tpu.memref_slice %arg6[%dma_start3A, %dma_start3A_48] : memref<2x128xi32, #tpu.memory_space<vmem>> -> memref<1x128xi32, #tpu.memory_space<vmem>>
    %dma_start3A_50 = tpu.memref_squeeze %dma_start3A_49 : memref<1x128xi32, #tpu.memory_space<vmem>> -> memref<128xi32, #tpu.memory_space<vmem>>
    %dma_start3A_51 = arith.constant 0 : i32
    %dma_start3A_52 = arith.constant 0 : i32
    %dma_start3A_53 = tpu.memref_slice %arg2[%dma_start3A_51, %dma_start3A_52] : memref<10240x128xf32, #tpu.memory_space<hbm>> -> memref<10240x128xf32, #tpu.memory_space<hbm>>
    tpu.enqueue_indirect_dma source(%dma_start3A_53 : memref<10240x128xf32, #tpu.memory_space<hbm>>) target(%dma_start3A_47 : memref<128x128xf32, #tpu.memory_space<vmem>>) offsets(%dma_start3A_50 : memref<128xi32, #tpu.memory_space<vmem>>) semaphore(%arg10 : memref<!tpu.dma_semaphore, #tpu.memory_space<semaphore_mem>>)
    %while3A = arith.constant 0 : i32
    %while3A_54 = arith.constant 0 : i32
    %while3A_55 = arith.subi %select_n3A, %while3A : i32
    %while3A_56 = arith.addi %while3A, %while3A_55 : i32
    %while3A_57 = arith.constant 1 : i32
    %while3A_58 = arith.divsi %while3A_55, %while3A_57 : i32
    %while3A_59 = arith.muli %while3A_58, %while3A_57 : i32
    %while3A_60 = arith.addi %while3A, %while3A_59 : i32
    %while3A_61 = arith.constant 1 : i32
    %while3A_62 = scf.for %while3A_73 = %while3A to %while3A_60 step %while3A_61 iter_args(%while3A_74 = %while3A_54) -> (i32)  : i32 {
      %rem3A = arith.constant 2 : i32
      %rem3A_75 = arith.remsi %while3A_73, %rem3A : i32
      %add3A_76 = arith.constant 1 : i32
      %add3A_77 = arith.addi %while3A_73, %add3A_76 : i32
      %rem3A_78 = arith.constant 2 : i32
      %rem3A_79 = arith.remsi %add3A_77, %rem3A_78 : i32
      %add3A_80 = arith.constant 1 : i32
      %add3A_81 = arith.addi %while3A_73, %add3A_80 : i32
      %lt3A = arith.cmpi slt, %add3A_81, %select_n3A : i32
      %convert_element_type3A = arith.extui %lt3A : i1 to i32
      %cond3A = arith.constant 0 : i32
      %cond3A_82 = arith.cmpi ne, %convert_element_type3A, %cond3A : i32
      scf.if %cond3A_82 {
        %add3A_97 = arith.constant 1 : i32
        %add3A_98 = arith.addi %while3A_73, %add3A_97 : i32
        %mul3A_99 = arith.constant 128 : i32
        %mul3A_100 = arith.muli %add3A_98, %mul3A_99 : i32
        %add3A_101 = arith.addi %mul3A_9, %mul3A_100 : i32
        "tpu.region"() ({
          %run_scoped3A_112 = tpu.sem_alloc : memref<!tpu.dma_semaphore, #tpu.memory_space<semaphore_mem>>
          %dma_start3A_113 = arith.constant 0 : i32
          %dma_start3A_114 = tpu.memref_slice %arg6[%rem3A_79, %dma_start3A_113] : memref<2x128xi32, #tpu.memory_space<vmem>> -> memref<1x128xi32, #tpu.memory_space<vmem>>
          %dma_start3A_115 = tpu.memref_squeeze %dma_start3A_114 : memref<1x128xi32, #tpu.memory_space<vmem>> -> memref<128xi32, #tpu.memory_space<vmem>>
          %dma_start3A_116 = tpu.memref_slice %arg3[%add3A_101] : memref<327680xi32, #tpu.memory_space<hbm>> -> memref<128xi32, #tpu.memory_space<hbm>>
          %dma_start3A_117 = arith.constant 0 : i32
          %dma_start3A_118 = tpu.memref_slice %arg6[%rem3A_79, %dma_start3A_117] : memref<2x128xi32, #tpu.memory_space<vmem>> -> memref<1x128xi32, #tpu.memory_space<vmem>>
          %dma_start3A_119 = tpu.memref_squeeze %dma_start3A_118 : memref<1x128xi32, #tpu.memory_space<vmem>> -> memref<128xi32, #tpu.memory_space<vmem>>
          %dma_start3A_120 = tpu.memref_slice %arg3[%add3A_101] : memref<327680xi32, #tpu.memory_space<hbm>> -> memref<128xi32, #tpu.memory_space<hbm>>
          tpu.enqueue_dma source(%dma_start3A_120 : memref<128xi32, #tpu.memory_space<hbm>>) target(%dma_start3A_119 : memref<128xi32, #tpu.memory_space<vmem>>) target_semaphore(%run_scoped3A_112 : memref<!tpu.dma_semaphore, #tpu.memory_space<semaphore_mem>>)
          %dma_wait3A = arith.constant 0 : i32
          %dma_wait3A_121 = tpu.memref_slice %arg6[%rem3A_79, %dma_wait3A] : memref<2x128xi32, #tpu.memory_space<vmem>> -> memref<1x128xi32, #tpu.memory_space<vmem>>
          %dma_wait3A_122 = tpu.memref_squeeze %dma_wait3A_121 : memref<1x128xi32, #tpu.memory_space<vmem>> -> memref<128xi32, #tpu.memory_space<vmem>>
          %dma_wait3A_123 = tpu.memref_slice %arg3[%add3A_101] : memref<327680xi32, #tpu.memory_space<hbm>> -> memref<128xi32, #tpu.memory_space<hbm>>
          %dma_wait3A_124 = arith.constant 0 : i32
          %dma_wait3A_125 = tpu.memref_slice %arg6[%rem3A_79, %dma_wait3A_124] : memref<2x128xi32, #tpu.memory_space<vmem>> -> memref<1x128xi32, #tpu.memory_space<vmem>>
          %dma_wait3A_126 = tpu.memref_squeeze %dma_wait3A_125 : memref<1x128xi32, #tpu.memory_space<vmem>> -> memref<128xi32, #tpu.memory_space<vmem>>
          %dma_wait3A_127 = tpu.memref_slice %arg3[%add3A_101] : memref<327680xi32, #tpu.memory_space<hbm>> -> memref<128xi32, #tpu.memory_space<hbm>>
          tpu.wait_dma2 semaphore(%run_scoped3A_112 : memref<!tpu.dma_semaphore, #tpu.memory_space<semaphore_mem>>) src(%dma_wait3A_127 : memref<128xi32, #tpu.memory_space<hbm>>) dst(%dma_wait3A_126 : memref<128xi32, #tpu.memory_space<vmem>>)
          tpu.yield
        }) : () -> ()
        %eq3A_102 = arith.constant 0 : i32
        %eq3A_103 = arith.cmpi eq, %rem3A_79, %eq3A_102 : i32
        %convert_element_type3A_104 = arith.extui %eq3A_103 : i1 to i32
        %cond3A_105 = arith.constant 0 : i32
        %cond3A_106 = arith.cmpi ne, %convert_element_type3A_104, %cond3A_105 : i32
        scf.if %cond3A_106 {
          %dma_start3A_112 = arith.constant 0 : i32
          %dma_start3A_113 = arith.constant 0 : i32
          %dma_start3A_114 = tpu.memref_slice %arg8[%rem3A_79, %dma_start3A_112, %dma_start3A_113] : memref<2x128x128xf32, #tpu.memory_space<vmem>> -> memref<1x128x128xf32, #tpu.memory_space<vmem>>
          %dma_start3A_115 = tpu.memref_squeeze %dma_start3A_114 : memref<1x128x128xf32, #tpu.memory_space<vmem>> -> memref<128x128xf32, #tpu.memory_space<vmem>>
          %dma_start3A_116 = arith.constant 0 : i32
          %dma_start3A_117 = tpu.memref_slice %arg6[%rem3A_79, %dma_start3A_116] : memref<2x128xi32, #tpu.memory_space<vmem>> -> memref<1x128xi32, #tpu.memory_space<vmem>>
          %dma_start3A_118 = tpu.memref_squeeze %dma_start3A_117 : memref<1x128xi32, #tpu.memory_space<vmem>> -> memref<128xi32, #tpu.memory_space<vmem>>
          %dma_start3A_119 = arith.constant 0 : i32
          %dma_start3A_120 = arith.constant 0 : i32
          %dma_start3A_121 = tpu.memref_slice %arg2[%dma_start3A_119, %dma_start3A_120] : memref<10240x128xf32, #tpu.memory_space<hbm>> -> memref<10240x128xf32, #tpu.memory_space<hbm>>
          tpu.enqueue_indirect_dma source(%dma_start3A_121 : memref<10240x128xf32, #tpu.memory_space<hbm>>) target(%dma_start3A_115 : memref<128x128xf32, #tpu.memory_space<vmem>>) offsets(%dma_start3A_118 : memref<128xi32, #tpu.memory_space<vmem>>) semaphore(%arg10 : memref<!tpu.dma_semaphore, #tpu.memory_space<semaphore_mem>>)
        } else {
        }
        %eq3A_107 = arith.constant 1 : i32
        %eq3A_108 = arith.cmpi eq, %rem3A_79, %eq3A_107 : i32
        %convert_element_type3A_109 = arith.extui %eq3A_108 : i1 to i32
        %cond3A_110 = arith.constant 0 : i32
        %cond3A_111 = arith.cmpi ne, %convert_element_type3A_109, %cond3A_110 : i32
        scf.if %cond3A_111 {
          %dma_start3A_112 = arith.constant 0 : i32
          %dma_start3A_113 = arith.constant 0 : i32
          %dma_start3A_114 = tpu.memref_slice %arg8[%rem3A_79, %dma_start3A_112, %dma_start3A_113] : memref<2x128x128xf32, #tpu.memory_space<vmem>> -> memref<1x128x128xf32, #tpu.memory_space<vmem>>
          %dma_start3A_115 = tpu.memref_squeeze %dma_start3A_114 : memref<1x128x128xf32, #tpu.memory_space<vmem>> -> memref<128x128xf32, #tpu.memory_space<vmem>>
          %dma_start3A_116 = arith.constant 0 : i32
          %dma_start3A_117 = tpu.memref_slice %arg6[%rem3A_79, %dma_start3A_116] : memref<2x128xi32, #tpu.memory_space<vmem>> -> memref<1x128xi32, #tpu.memory_space<vmem>>
          %dma_start3A_118 = tpu.memref_squeeze %dma_start3A_117 : memref<1x128xi32, #tpu.memory_space<vmem>> -> memref<128xi32, #tpu.memory_space<vmem>>
          %dma_start3A_119 = arith.constant 0 : i32
          %dma_start3A_120 = arith.constant 0 : i32
          %dma_start3A_121 = tpu.memref_slice %arg2[%dma_start3A_119, %dma_start3A_120] : memref<10240x128xf32, #tpu.memory_space<hbm>> -> memref<10240x128xf32, #tpu.memory_space<hbm>>
          tpu.enqueue_indirect_dma source(%dma_start3A_121 : memref<10240x128xf32, #tpu.memory_space<hbm>>) target(%dma_start3A_115 : memref<128x128xf32, #tpu.memory_space<vmem>>) offsets(%dma_start3A_118 : memref<128xi32, #tpu.memory_space<vmem>>) semaphore(%arg11 : memref<!tpu.dma_semaphore, #tpu.memory_space<semaphore_mem>>)
        } else {
        }
      } else {
      }
      %eq3A_83 = arith.constant 0 : i32
      %eq3A_84 = arith.cmpi eq, %rem3A_75, %eq3A_83 : i32
      %convert_element_type3A_85 = arith.extui %eq3A_84 : i1 to i32
      %cond3A_86 = arith.constant 0 : i32
      %cond3A_87 = arith.cmpi ne, %convert_element_type3A_85, %cond3A_86 : i32
      scf.if %cond3A_87 {
        %dma_wait3A = arith.constant 0 : i32
        %dma_wait3A_97 = arith.constant 0 : i32
        %dma_wait3A_98 = tpu.memref_slice %arg8[%rem3A_75, %dma_wait3A, %dma_wait3A_97] : memref<2x128x128xf32, #tpu.memory_space<vmem>> -> memref<1x128x128xf32, #tpu.memory_space<vmem>>
        %dma_wait3A_99 = tpu.memref_squeeze %dma_wait3A_98 : memref<1x128x128xf32, #tpu.memory_space<vmem>> -> memref<128x128xf32, #tpu.memory_space<vmem>>
        %dma_wait3A_100 = arith.constant 0 : i32
        %dma_wait3A_101 = tpu.memref_slice %arg6[%rem3A_75, %dma_wait3A_100] : memref<2x128xi32, #tpu.memory_space<vmem>> -> memref<1x128xi32, #tpu.memory_space<vmem>>
        %dma_wait3A_102 = tpu.memref_squeeze %dma_wait3A_101 : memref<1x128xi32, #tpu.memory_space<vmem>> -> memref<128xi32, #tpu.memory_space<vmem>>
        %dma_wait3A_103 = arith.constant 0 : i32
        %dma_wait3A_104 = arith.constant 0 : i32
        %dma_wait3A_105 = tpu.memref_slice %arg2[%dma_wait3A_103, %dma_wait3A_104] : memref<10240x128xf32, #tpu.memory_space<hbm>> -> memref<10240x128xf32, #tpu.memory_space<hbm>>
        tpu.wait_indirect_dma semaphore(%arg10 : memref<!tpu.dma_semaphore, #tpu.memory_space<semaphore_mem>>) src(%dma_wait3A_105 : memref<10240x128xf32, #tpu.memory_space<hbm>>) dst(%dma_wait3A_99 : memref<128x128xf32, #tpu.memory_space<vmem>>)
      } else {
      }
      %eq3A_88 = arith.constant 1 : i32
      %eq3A_89 = arith.cmpi eq, %rem3A_75, %eq3A_88 : i32
      %convert_element_type3A_90 = arith.extui %eq3A_89 : i1 to i32
      %cond3A_91 = arith.constant 0 : i32
      %cond3A_92 = arith.cmpi ne, %convert_element_type3A_90, %cond3A_91 : i32
      scf.if %cond3A_92 {
        %dma_wait3A = arith.constant 0 : i32
        %dma_wait3A_97 = arith.constant 0 : i32
        %dma_wait3A_98 = tpu.memref_slice %arg8[%rem3A_75, %dma_wait3A, %dma_wait3A_97] : memref<2x128x128xf32, #tpu.memory_space<vmem>> -> memref<1x128x128xf32, #tpu.memory_space<vmem>>
        %dma_wait3A_99 = tpu.memref_squeeze %dma_wait3A_98 : memref<1x128x128xf32, #tpu.memory_space<vmem>> -> memref<128x128xf32, #tpu.memory_space<vmem>>
        %dma_wait3A_100 = arith.constant 0 : i32
        %dma_wait3A_101 = tpu.memref_slice %arg6[%rem3A_75, %dma_wait3A_100] : memref<2x128xi32, #tpu.memory_space<vmem>> -> memref<1x128xi32, #tpu.memory_space<vmem>>
        %dma_wait3A_102 = tpu.memref_squeeze %dma_wait3A_101 : memref<1x128xi32, #tpu.memory_space<vmem>> -> memref<128xi32, #tpu.memory_space<vmem>>
        %dma_wait3A_103 = arith.constant 0 : i32
        %dma_wait3A_104 = arith.constant 0 : i32
        %dma_wait3A_105 = tpu.memref_slice %arg2[%dma_wait3A_103, %dma_wait3A_104] : memref<10240x128xf32, #tpu.memory_space<hbm>> -> memref<10240x128xf32, #tpu.memory_space<hbm>>
        tpu.wait_indirect_dma semaphore(%arg11 : memref<!tpu.dma_semaphore, #tpu.memory_space<semaphore_mem>>) src(%dma_wait3A_105 : memref<10240x128xf32, #tpu.memory_space<hbm>>) dst(%dma_wait3A_99 : memref<128x128xf32, #tpu.memory_space<vmem>>)
      } else {
      }
      %mul3A_93 = arith.constant 128 : i32
      %mul3A_94 = arith.muli %while3A_73, %mul3A_93 : i32
      %add3A_95 = arith.addi %mul3A_9, %mul3A_94 : i32
      "tpu.region"() ({
        %run_scoped3A_97 = tpu.sem_alloc : memref<!tpu.dma_semaphore, #tpu.memory_space<semaphore_mem>>
        %dma_start3A_98 = tpu.memref_slice %arg4[%add3A_95] : memref<327680xi32, #tpu.memory_space<hbm>> -> memref<128xi32, #tpu.memory_space<hbm>>
        %dma_start3A_99 = tpu.memref_slice %arg4[%add3A_95] : memref<327680xi32, #tpu.memory_space<hbm>> -> memref<128xi32, #tpu.memory_space<hbm>>
        tpu.enqueue_dma source(%dma_start3A_99 : memref<128xi32, #tpu.memory_space<hbm>>) target(%arg7 : memref<128xi32, #tpu.memory_space<vmem>>) target_semaphore(%run_scoped3A_97 : memref<!tpu.dma_semaphore, #tpu.memory_space<semaphore_mem>>)
        %dma_wait3A = tpu.memref_slice %arg4[%add3A_95] : memref<327680xi32, #tpu.memory_space<hbm>> -> memref<128xi32, #tpu.memory_space<hbm>>
        %dma_wait3A_100 = tpu.memref_slice %arg4[%add3A_95] : memref<327680xi32, #tpu.memory_space<hbm>> -> memref<128xi32, #tpu.memory_space<hbm>>
        tpu.wait_dma2 semaphore(%run_scoped3A_97 : memref<!tpu.dma_semaphore, #tpu.memory_space<semaphore_mem>>) src(%dma_wait3A_100 : memref<128xi32, #tpu.memory_space<hbm>>) dst(%arg7 : memref<128xi32, #tpu.memory_space<vmem>>)
        tpu.yield
      }) : () -> ()
      "tpu.region"() ({
        %run_scoped3A_97 = tpu.sem_alloc : memref<!tpu.dma_semaphore, #tpu.memory_space<semaphore_mem>>
        %dma_start3A_98 = arith.constant 0 : i32
        %dma_start3A_99 = arith.constant 0 : i32
        %dma_start3A_100 = tpu.memref_slice %arg8[%rem3A_75, %dma_start3A_98, %dma_start3A_99] : memref<2x128x128xf32, #tpu.memory_space<vmem>> -> memref<1x128x128xf32, #tpu.memory_space<vmem>>
        %dma_start3A_101 = tpu.memref_squeeze %dma_start3A_100 : memref<1x128x128xf32, #tpu.memory_space<vmem>> -> memref<128x128xf32, #tpu.memory_space<vmem>>
        %dma_start3A_102 = arith.constant 0 : i32
        %dma_start3A_103 = arith.constant 0 : i32
        %dma_start3A_104 = tpu.memref_slice %arg9[%dma_start3A_102, %dma_start3A_103] : memref<10240x128xf32, #tpu.memory_space<vmem_shared>> -> memref<10240x128xf32, #tpu.memory_space<vmem_shared>>
        tpu.enqueue_indirect_dma source(%dma_start3A_101 : memref<128x128xf32, #tpu.memory_space<vmem>>) target(%dma_start3A_104 : memref<10240x128xf32, #tpu.memory_space<vmem_shared>>) offsets(%arg7 : memref<128xi32, #tpu.memory_space<vmem>>) semaphore(%run_scoped3A_97 : memref<!tpu.dma_semaphore, #tpu.memory_space<semaphore_mem>>) {add = true}
        %dma_wait3A = arith.constant 0 : i32
        %dma_wait3A_105 = arith.constant 0 : i32
        %dma_wait3A_106 = tpu.memref_slice %arg8[%rem3A_75, %dma_wait3A, %dma_wait3A_105] : memref<2x128x128xf32, #tpu.memory_space<vmem>> -> memref<1x128x128xf32, #tpu.memory_space<vmem>>
        %dma_wait3A_107 = tpu.memref_squeeze %dma_wait3A_106 : memref<1x128x128xf32, #tpu.memory_space<vmem>> -> memref<128x128xf32, #tpu.memory_space<vmem>>
        %dma_wait3A_108 = arith.constant 0 : i32
        %dma_wait3A_109 = arith.constant 0 : i32
        %dma_wait3A_110 = tpu.memref_slice %arg9[%dma_wait3A_108, %dma_wait3A_109] : memref<10240x128xf32, #tpu.memory_space<vmem_shared>> -> memref<10240x128xf32, #tpu.memory_space<vmem_shared>>
        tpu.wait_indirect_dma semaphore(%run_scoped3A_97 : memref<!tpu.dma_semaphore, #tpu.memory_space<semaphore_mem>>) src(%dma_wait3A_107 : memref<128x128xf32, #tpu.memory_space<vmem>>) dst(%dma_wait3A_110 : memref<10240x128xf32, #tpu.memory_space<vmem_shared>>)
        tpu.yield
      }) : () -> ()
      %while3A_96 = arith.constant 0 : i32
      scf.yield %while3A_96 : i32
    }
    %while3A_63 = arith.constant 1 : i32
    %while3A_64 = scf.for %while3A_73 = %while3A_60 to %while3A_56 step %while3A_63 iter_args(%while3A_74 = %while3A_62) -> (i32)  : i32 {
      %rem3A = arith.constant 2 : i32
      %rem3A_75 = arith.remsi %while3A_73, %rem3A : i32
      %add3A_76 = arith.constant 1 : i32
      %add3A_77 = arith.addi %while3A_73, %add3A_76 : i32
      %rem3A_78 = arith.constant 2 : i32
      %rem3A_79 = arith.remsi %add3A_77, %rem3A_78 : i32
      %add3A_80 = arith.constant 1 : i32
      %add3A_81 = arith.addi %while3A_73, %add3A_80 : i32
      %lt3A = arith.cmpi slt, %add3A_81, %select_n3A : i32
      %convert_element_type3A = arith.extui %lt3A : i1 to i32
      %cond3A = arith.constant 0 : i32
      %cond3A_82 = arith.cmpi ne, %convert_element_type3A, %cond3A : i32
      scf.if %cond3A_82 {
        %add3A_97 = arith.constant 1 : i32
        %add3A_98 = arith.addi %while3A_73, %add3A_97 : i32
        %mul3A_99 = arith.constant 128 : i32
        %mul3A_100 = arith.muli %add3A_98, %mul3A_99 : i32
        %add3A_101 = arith.addi %mul3A_9, %mul3A_100 : i32
        "tpu.region"() ({
          %run_scoped3A_112 = tpu.sem_alloc : memref<!tpu.dma_semaphore, #tpu.memory_space<semaphore_mem>>
          %dma_start3A_113 = arith.constant 0 : i32
          %dma_start3A_114 = tpu.memref_slice %arg6[%rem3A_79, %dma_start3A_113] : memref<2x128xi32, #tpu.memory_space<vmem>> -> memref<1x128xi32, #tpu.memory_space<vmem>>
          %dma_start3A_115 = tpu.memref_squeeze %dma_start3A_114 : memref<1x128xi32, #tpu.memory_space<vmem>> -> memref<128xi32, #tpu.memory_space<vmem>>
          %dma_start3A_116 = tpu.memref_slice %arg3[%add3A_101] : memref<327680xi32, #tpu.memory_space<hbm>> -> memref<128xi32, #tpu.memory_space<hbm>>
          %dma_start3A_117 = arith.constant 0 : i32
          %dma_start3A_118 = tpu.memref_slice %arg6[%rem3A_79, %dma_start3A_117] : memref<2x128xi32, #tpu.memory_space<vmem>> -> memref<1x128xi32, #tpu.memory_space<vmem>>
          %dma_start3A_119 = tpu.memref_squeeze %dma_start3A_118 : memref<1x128xi32, #tpu.memory_space<vmem>> -> memref<128xi32, #tpu.memory_space<vmem>>
          %dma_start3A_120 = tpu.memref_slice %arg3[%add3A_101] : memref<327680xi32, #tpu.memory_space<hbm>> -> memref<128xi32, #tpu.memory_space<hbm>>
          tpu.enqueue_dma source(%dma_start3A_120 : memref<128xi32, #tpu.memory_space<hbm>>) target(%dma_start3A_119 : memref<128xi32, #tpu.memory_space<vmem>>) target_semaphore(%run_scoped3A_112 : memref<!tpu.dma_semaphore, #tpu.memory_space<semaphore_mem>>)
          %dma_wait3A = arith.constant 0 : i32
          %dma_wait3A_121 = tpu.memref_slice %arg6[%rem3A_79, %dma_wait3A] : memref<2x128xi32, #tpu.memory_space<vmem>> -> memref<1x128xi32, #tpu.memory_space<vmem>>
          %dma_wait3A_122 = tpu.memref_squeeze %dma_wait3A_121 : memref<1x128xi32, #tpu.memory_space<vmem>> -> memref<128xi32, #tpu.memory_space<vmem>>
          %dma_wait3A_123 = tpu.memref_slice %arg3[%add3A_101] : memref<327680xi32, #tpu.memory_space<hbm>> -> memref<128xi32, #tpu.memory_space<hbm>>
          %dma_wait3A_124 = arith.constant 0 : i32
          %dma_wait3A_125 = tpu.memref_slice %arg6[%rem3A_79, %dma_wait3A_124] : memref<2x128xi32, #tpu.memory_space<vmem>> -> memref<1x128xi32, #tpu.memory_space<vmem>>
          %dma_wait3A_126 = tpu.memref_squeeze %dma_wait3A_125 : memref<1x128xi32, #tpu.memory_space<vmem>> -> memref<128xi32, #tpu.memory_space<vmem>>
          %dma_wait3A_127 = tpu.memref_slice %arg3[%add3A_101] : memref<327680xi32, #tpu.memory_space<hbm>> -> memref<128xi32, #tpu.memory_space<hbm>>
          tpu.wait_dma2 semaphore(%run_scoped3A_112 : memref<!tpu.dma_semaphore, #tpu.memory_space<semaphore_mem>>) src(%dma_wait3A_127 : memref<128xi32, #tpu.memory_space<hbm>>) dst(%dma_wait3A_126 : memref<128xi32, #tpu.memory_space<vmem>>)
          tpu.yield
        }) : () -> ()
        %eq3A_102 = arith.constant 0 : i32
        %eq3A_103 = arith.cmpi eq, %rem3A_79, %eq3A_102 : i32
        %convert_element_type3A_104 = arith.extui %eq3A_103 : i1 to i32
        %cond3A_105 = arith.constant 0 : i32
        %cond3A_106 = arith.cmpi ne, %convert_element_type3A_104, %cond3A_105 : i32
        scf.if %cond3A_106 {
          %dma_start3A_112 = arith.constant 0 : i32
          %dma_start3A_113 = arith.constant 0 : i32
          %dma_start3A_114 = tpu.memref_slice %arg8[%rem3A_79, %dma_start3A_112, %dma_start3A_113] : memref<2x128x128xf32, #tpu.memory_space<vmem>> -> memref<1x128x128xf32, #tpu.memory_space<vmem>>
          %dma_start3A_115 = tpu.memref_squeeze %dma_start3A_114 : memref<1x128x128xf32, #tpu.memory_space<vmem>> -> memref<128x128xf32, #tpu.memory_space<vmem>>
          %dma_start3A_116 = arith.constant 0 : i32
          %dma_start3A_117 = tpu.memref_slice %arg6[%rem3A_79, %dma_start3A_116] : memref<2x128xi32, #tpu.memory_space<vmem>> -> memref<1x128xi32, #tpu.memory_space<vmem>>
          %dma_start3A_118 = tpu.memref_squeeze %dma_start3A_117 : memref<1x128xi32, #tpu.memory_space<vmem>> -> memref<128xi32, #tpu.memory_space<vmem>>
          %dma_start3A_119 = arith.constant 0 : i32
          %dma_start3A_120 = arith.constant 0 : i32
          %dma_start3A_121 = tpu.memref_slice %arg2[%dma_start3A_119, %dma_start3A_120] : memref<10240x128xf32, #tpu.memory_space<hbm>> -> memref<10240x128xf32, #tpu.memory_space<hbm>>
          tpu.enqueue_indirect_dma source(%dma_start3A_121 : memref<10240x128xf32, #tpu.memory_space<hbm>>) target(%dma_start3A_115 : memref<128x128xf32, #tpu.memory_space<vmem>>) offsets(%dma_start3A_118 : memref<128xi32, #tpu.memory_space<vmem>>) semaphore(%arg10 : memref<!tpu.dma_semaphore, #tpu.memory_space<semaphore_mem>>)
        } else {
        }
        %eq3A_107 = arith.constant 1 : i32
        %eq3A_108 = arith.cmpi eq, %rem3A_79, %eq3A_107 : i32
        %convert_element_type3A_109 = arith.extui %eq3A_108 : i1 to i32
        %cond3A_110 = arith.constant 0 : i32
        %cond3A_111 = arith.cmpi ne, %convert_element_type3A_109, %cond3A_110 : i32
        scf.if %cond3A_111 {
          %dma_start3A_112 = arith.constant 0 : i32
          %dma_start3A_113 = arith.constant 0 : i32
          %dma_start3A_114 = tpu.memref_slice %arg8[%rem3A_79, %dma_start3A_112, %dma_start3A_113] : memref<2x128x128xf32, #tpu.memory_space<vmem>> -> memref<1x128x128xf32, #tpu.memory_space<vmem>>
          %dma_start3A_115 = tpu.memref_squeeze %dma_start3A_114 : memref<1x128x128xf32, #tpu.memory_space<vmem>> -> memref<128x128xf32, #tpu.memory_space<vmem>>
          %dma_start3A_116 = arith.constant 0 : i32
          %dma_start3A_117 = tpu.memref_slice %arg6[%rem3A_79, %dma_start3A_116] : memref<2x128xi32, #tpu.memory_space<vmem>> -> memref<1x128xi32, #tpu.memory_space<vmem>>
          %dma_start3A_118 = tpu.memref_squeeze %dma_start3A_117 : memref<1x128xi32, #tpu.memory_space<vmem>> -> memref<128xi32, #tpu.memory_space<vmem>>
          %dma_start3A_119 = arith.constant 0 : i32
          %dma_start3A_120 = arith.constant 0 : i32
          %dma_start3A_121 = tpu.memref_slice %arg2[%dma_start3A_119, %dma_start3A_120] : memref<10240x128xf32, #tpu.memory_space<hbm>> -> memref<10240x128xf32, #tpu.memory_space<hbm>>
          tpu.enqueue_indirect_dma source(%dma_start3A_121 : memref<10240x128xf32, #tpu.memory_space<hbm>>) target(%dma_start3A_115 : memref<128x128xf32, #tpu.memory_space<vmem>>) offsets(%dma_start3A_118 : memref<128xi32, #tpu.memory_space<vmem>>) semaphore(%arg11 : memref<!tpu.dma_semaphore, #tpu.memory_space<semaphore_mem>>)
        } else {
        }
      } else {
      }
      %eq3A_83 = arith.constant 0 : i32
      %eq3A_84 = arith.cmpi eq, %rem3A_75, %eq3A_83 : i32
      %convert_element_type3A_85 = arith.extui %eq3A_84 : i1 to i32
      %cond3A_86 = arith.constant 0 : i32
      %cond3A_87 = arith.cmpi ne, %convert_element_type3A_85, %cond3A_86 : i32
      scf.if %cond3A_87 {
        %dma_wait3A = arith.constant 0 : i32
        %dma_wait3A_97 = arith.constant 0 : i32
        %dma_wait3A_98 = tpu.memref_slice %arg8[%rem3A_75, %dma_wait3A, %dma_wait3A_97] : memref<2x128x128xf32, #tpu.memory_space<vmem>> -> memref<1x128x128xf32, #tpu.memory_space<vmem>>
        %dma_wait3A_99 = tpu.memref_squeeze %dma_wait3A_98 : memref<1x128x128xf32, #tpu.memory_space<vmem>> -> memref<128x128xf32, #tpu.memory_space<vmem>>
        %dma_wait3A_100 = arith.constant 0 : i32
        %dma_wait3A_101 = tpu.memref_slice %arg6[%rem3A_75, %dma_wait3A_100] : memref<2x128xi32, #tpu.memory_space<vmem>> -> memref<1x128xi32, #tpu.memory_space<vmem>>
        %dma_wait3A_102 = tpu.memref_squeeze %dma_wait3A_101 : memref<1x128xi32, #tpu.memory_space<vmem>> -> memref<128xi32, #tpu.memory_space<vmem>>
        %dma_wait3A_103 = arith.constant 0 : i32
        %dma_wait3A_104 = arith.constant 0 : i32
        %dma_wait3A_105 = tpu.memref_slice %arg2[%dma_wait3A_103, %dma_wait3A_104] : memref<10240x128xf32, #tpu.memory_space<hbm>> -> memref<10240x128xf32, #tpu.memory_space<hbm>>
        tpu.wait_indirect_dma semaphore(%arg10 : memref<!tpu.dma_semaphore, #tpu.memory_space<semaphore_mem>>) src(%dma_wait3A_105 : memref<10240x128xf32, #tpu.memory_space<hbm>>) dst(%dma_wait3A_99 : memref<128x128xf32, #tpu.memory_space<vmem>>)
      } else {
      }
      %eq3A_88 = arith.constant 1 : i32
      %eq3A_89 = arith.cmpi eq, %rem3A_75, %eq3A_88 : i32
      %convert_element_type3A_90 = arith.extui %eq3A_89 : i1 to i32
      %cond3A_91 = arith.constant 0 : i32
      %cond3A_92 = arith.cmpi ne, %convert_element_type3A_90, %cond3A_91 : i32
      scf.if %cond3A_92 {
        %dma_wait3A = arith.constant 0 : i32
        %dma_wait3A_97 = arith.constant 0 : i32
        %dma_wait3A_98 = tpu.memref_slice %arg8[%rem3A_75, %dma_wait3A, %dma_wait3A_97] : memref<2x128x128xf32, #tpu.memory_space<vmem>> -> memref<1x128x128xf32, #tpu.memory_space<vmem>>
        %dma_wait3A_99 = tpu.memref_squeeze %dma_wait3A_98 : memref<1x128x128xf32, #tpu.memory_space<vmem>> -> memref<128x128xf32, #tpu.memory_space<vmem>>
        %dma_wait3A_100 = arith.constant 0 : i32
        %dma_wait3A_101 = tpu.memref_slice %arg6[%rem3A_75, %dma_wait3A_100] : memref<2x128xi32, #tpu.memory_space<vmem>> -> memref<1x128xi32, #tpu.memory_space<vmem>>
        %dma_wait3A_102 = tpu.memref_squeeze %dma_wait3A_101 : memref<1x128xi32, #tpu.memory_space<vmem>> -> memref<128xi32, #tpu.memory_space<vmem>>
        %dma_wait3A_103 = arith.constant 0 : i32
        %dma_wait3A_104 = arith.constant 0 : i32
        %dma_wait3A_105 = tpu.memref_slice %arg2[%dma_wait3A_103, %dma_wait3A_104] : memref<10240x128xf32, #tpu.memory_space<hbm>> -> memref<10240x128xf32, #tpu.memory_space<hbm>>
        tpu.wait_indirect_dma semaphore(%arg11 : memref<!tpu.dma_semaphore, #tpu.memory_space<semaphore_mem>>) src(%dma_wait3A_105 : memref<10240x128xf32, #tpu.memory_space<hbm>>) dst(%dma_wait3A_99 : memref<128x128xf32, #tpu.memory_space<vmem>>)
      } else {
      }
      %mul3A_93 = arith.constant 128 : i32
      %mul3A_94 = arith.muli %while3A_73, %mul3A_93 : i32
      %add3A_95 = arith.addi %mul3A_9, %mul3A_94 : i32
      "tpu.region"() ({
        %run_scoped3A_97 = tpu.sem_alloc : memref<!tpu.dma_semaphore, #tpu.memory_space<semaphore_mem>>
        %dma_start3A_98 = tpu.memref_slice %arg4[%add3A_95] : memref<327680xi32, #tpu.memory_space<hbm>> -> memref<128xi32, #tpu.memory_space<hbm>>
        %dma_start3A_99 = tpu.memref_slice %arg4[%add3A_95] : memref<327680xi32, #tpu.memory_space<hbm>> -> memref<128xi32, #tpu.memory_space<hbm>>
        tpu.enqueue_dma source(%dma_start3A_99 : memref<128xi32, #tpu.memory_space<hbm>>) target(%arg7 : memref<128xi32, #tpu.memory_space<vmem>>) target_semaphore(%run_scoped3A_97 : memref<!tpu.dma_semaphore, #tpu.memory_space<semaphore_mem>>)
        %dma_wait3A = tpu.memref_slice %arg4[%add3A_95] : memref<327680xi32, #tpu.memory_space<hbm>> -> memref<128xi32, #tpu.memory_space<hbm>>
        %dma_wait3A_100 = tpu.memref_slice %arg4[%add3A_95] : memref<327680xi32, #tpu.memory_space<hbm>> -> memref<128xi32, #tpu.memory_space<hbm>>
        tpu.wait_dma2 semaphore(%run_scoped3A_97 : memref<!tpu.dma_semaphore, #tpu.memory_space<semaphore_mem>>) src(%dma_wait3A_100 : memref<128xi32, #tpu.memory_space<hbm>>) dst(%arg7 : memref<128xi32, #tpu.memory_space<vmem>>)
        tpu.yield
      }) : () -> ()
      "tpu.region"() ({
        %run_scoped3A_97 = tpu.sem_alloc : memref<!tpu.dma_semaphore, #tpu.memory_space<semaphore_mem>>
        %dma_start3A_98 = arith.constant 0 : i32
        %dma_start3A_99 = arith.constant 0 : i32
        %dma_start3A_100 = tpu.memref_slice %arg8[%rem3A_75, %dma_start3A_98, %dma_start3A_99] : memref<2x128x128xf32, #tpu.memory_space<vmem>> -> memref<1x128x128xf32, #tpu.memory_space<vmem>>
        %dma_start3A_101 = tpu.memref_squeeze %dma_start3A_100 : memref<1x128x128xf32, #tpu.memory_space<vmem>> -> memref<128x128xf32, #tpu.memory_space<vmem>>
        %dma_start3A_102 = arith.constant 0 : i32
        %dma_start3A_103 = arith.constant 0 : i32
        %dma_start3A_104 = tpu.memref_slice %arg9[%dma_start3A_102, %dma_start3A_103] : memref<10240x128xf32, #tpu.memory_space<vmem_shared>> -> memref<10240x128xf32, #tpu.memory_space<vmem_shared>>
        tpu.enqueue_indirect_dma source(%dma_start3A_101 : memref<128x128xf32, #tpu.memory_space<vmem>>) target(%dma_start3A_104 : memref<10240x128xf32, #tpu.memory_space<vmem_shared>>) offsets(%arg7 : memref<128xi32, #tpu.memory_space<vmem>>) semaphore(%run_scoped3A_97 : memref<!tpu.dma_semaphore, #tpu.memory_space<semaphore_mem>>) {add = true}
        %dma_wait3A = arith.constant 0 : i32
        %dma_wait3A_105 = arith.constant 0 : i32
        %dma_wait3A_106 = tpu.memref_slice %arg8[%rem3A_75, %dma_wait3A, %dma_wait3A_105] : memref<2x128x128xf32, #tpu.memory_space<vmem>> -> memref<1x128x128xf32, #tpu.memory_space<vmem>>
        %dma_wait3A_107 = tpu.memref_squeeze %dma_wait3A_106 : memref<1x128x128xf32, #tpu.memory_space<vmem>> -> memref<128x128xf32, #tpu.memory_space<vmem>>
        %dma_wait3A_108 = arith.constant 0 : i32
        %dma_wait3A_109 = arith.constant 0 : i32
        %dma_wait3A_110 = tpu.memref_slice %arg9[%dma_wait3A_108, %dma_wait3A_109] : memref<10240x128xf32, #tpu.memory_space<vmem_shared>> -> memref<10240x128xf32, #tpu.memory_space<vmem_shared>>
        tpu.wait_indirect_dma semaphore(%run_scoped3A_97 : memref<!tpu.dma_semaphore, #tpu.memory_space<semaphore_mem>>) src(%dma_wait3A_107 : memref<128x128xf32, #tpu.memory_space<vmem>>) dst(%dma_wait3A_110 : memref<10240x128xf32, #tpu.memory_space<vmem_shared>>)
        tpu.yield
      }) : () -> ()
      %while3A_96 = arith.constant 0 : i32
      scf.yield %while3A_96 : i32
    }
    %barrier3A_65 = arith.constant 0 : index
    tpu.barrier barrier_id(%barrier3A_65)
    %mul3A_66 = arith.constant 640 : i32
    %mul3A_67 = arith.muli %arg1, %mul3A_66 : i32
    %mul3A_68 = arith.constant 10240 : i32
    %mul3A_69 = arith.muli %arg0, %mul3A_68 : i32
    %mul3A_70 = arith.constant 640 : i32
    %mul3A_71 = arith.muli %arg1, %mul3A_70 : i32
    %add3A_72 = arith.addi %mul3A_69, %mul3A_71 : i32
    "tpu.region"() ({
      %run_scoped3A_73 = tpu.sem_alloc : memref<!tpu.dma_semaphore, #tpu.memory_space<semaphore_mem>>
      %dma_start3A_74 = arith.constant 0 : i32
      %dma_start3A_75 = tpu.memref_slice %arg5[%add3A_72, %dma_start3A_74] : memref<20480x128xf32, #tpu.memory_space<hbm>> -> memref<640x128xf32, #tpu.memory_space<hbm>>
      %dma_start3A_76 = arith.constant 0 : i32
      %dma_start3A_77 = tpu.memref_slice %arg9[%mul3A_67, %dma_start3A_76] : memref<10240x128xf32, #tpu.memory_space<vmem_shared>> -> memref<640x128xf32, #tpu.memory_space<vmem_shared>>
      tpu.enqueue_dma source(%dma_start3A_77 : memref<640x128xf32, #tpu.memory_space<vmem_shared>>) target(%dma_start3A_75 : memref<640x128xf32, #tpu.memory_space<hbm>>) target_semaphore(%run_scoped3A_73 : memref<!tpu.dma_semaphore, #tpu.memory_space<semaphore_mem>>)
      %dma_wait3A = arith.constant 0 : i32
      %dma_wait3A_78 = tpu.memref_slice %arg5[%add3A_72, %dma_wait3A] : memref<20480x128xf32, #tpu.memory_space<hbm>> -> memref<640x128xf32, #tpu.memory_space<hbm>>
      %dma_wait3A_79 = arith.constant 0 : i32
      %dma_wait3A_80 = tpu.memref_slice %arg9[%mul3A_67, %dma_wait3A_79] : memref<10240x128xf32, #tpu.memory_space<vmem_shared>> -> memref<640x128xf32, #tpu.memory_space<vmem_shared>>
      tpu.wait_dma2 semaphore(%run_scoped3A_73 : memref<!tpu.dma_semaphore, #tpu.memory_space<semaphore_mem>>) src(%dma_wait3A_80 : memref<640x128xf32, #tpu.memory_space<vmem_shared>>) dst(%dma_wait3A_78 : memref<640x128xf32, #tpu.memory_space<hbm>>)
      tpu.yield
    }) : () -> ()
    return
  }
}

#map = affine_map<(d0, d1) -> (0)>
#map1 = affine_map<(d0, d1) -> (0, 0)>
module attributes {stable_mosaic.version = 14 : i64} {
  func.func @_deg_kernel(%arg0: i32, %arg1: i32, %arg2: memref<327680xi32, #tpu.memory_space<hbm>>, %arg3: memref<20480x128xf32, #tpu.memory_space<hbm>>, %arg4: memref<128xi32, #tpu.memory_space<vmem>>, %arg5: memref<128x128xf32, #tpu.memory_space<vmem>>, %arg6: memref<10240x128xf32, #tpu.memory_space<vmem_shared>>) attributes {dimension_semantics = [#tpu.dimension_semantics<core_parallel>, #tpu.dimension_semantics<subcore_parallel>], iteration_bounds = array<i64: 2, 16>, scalar_prefetch = 0 : i64, scratch_operands = 3 : i64, tpu.core_type = #tpu.core_type<sc_vector_subcore>, window_params = [{transform_indices = #map}, {transform_indices = #map1}]} {
    %mul3A = arith.constant 2 : i32
    %mul3A_0 = arith.muli %arg1, %mul3A : i32
    %add3A = arith.addi %mul3A_0, %arg0 : i32
    %mul3A_1 = arith.constant 10240 : i32
    %mul3A_2 = arith.muli %add3A, %mul3A_1 : i32
    %broadcast_in_dim3A = arith.constant 0.000000e+00 : f32
    %broadcast_in_dim3A_3 = vector.broadcast %broadcast_in_dim3A : f32 to vector<16xf32>
    %scan3A = arith.constant 0 : i32
    %scan3A_4 = arith.constant 0 : i32
    %scan3A_5 = arith.constant 1024 : i32
    %scan3A_6 = arith.addi %scan3A_4, %scan3A_5 : i32
    %scan3A_7 = arith.constant 1 : i32
    %scan3A_8 = scf.for %scan3A_54 = %scan3A_4 to %scan3A_6 step %scan3A_7 iter_args(%scan3A_55 = %scan3A) -> (i32)  : i32 {
      %jit3A = arith.constant 8 : i32
      %div3A = arith.divsi %scan3A_54, %jit3A : i32
      %sign3A = arith.constant 0 : i32
      %sign3A_56 = arith.cmpi sgt, %scan3A_54, %sign3A : i32
      %sign3A_57 = arith.extui %sign3A_56 : i1 to i32
      %sign3A_58 = arith.constant 0 : i32
      %sign3A_59 = arith.cmpi slt, %scan3A_54, %sign3A_58 : i32
      %sign3A_60 = arith.extui %sign3A_59 : i1 to i32
      %sign3A_61 = arith.subi %sign3A_57, %sign3A_60 : i32
      %sign3A_62 = arith.constant 0 : i32
      %sign3A_63 = arith.cmpi sgt, %jit3A, %sign3A_62 : i32
      %sign3A_64 = arith.extui %sign3A_63 : i1 to i32
      %sign3A_65 = arith.constant 0 : i32
      %sign3A_66 = arith.cmpi slt, %jit3A, %sign3A_65 : i32
      %sign3A_67 = arith.extui %sign3A_66 : i1 to i32
      %sign3A_68 = arith.subi %sign3A_64, %sign3A_67 : i32
      %ne3A = arith.cmpi ne, %sign3A_61, %sign3A_68 : i32
      %rem3A = arith.remsi %scan3A_54, %jit3A : i32
      %ne3A_69 = arith.constant 0 : i32
      %ne3A_70 = arith.cmpi ne, %rem3A, %ne3A_69 : i32
      %and3A = arith.andi %ne3A, %ne3A_70 : i1
      %sub3A = arith.constant 1 : i32
      %sub3A_71 = arith.subi %div3A, %sub3A : i32
      %select_n3A = arith.select %and3A, %sub3A_71, %div3A : i32
      %jit3A_72 = arith.constant 8 : i32
      %eq3A = arith.constant 0 : i32
      %eq3A_73 = arith.cmpi eq, %jit3A_72, %eq3A : i32
      %jit3A_74 = arith.constant 1 : i32
      %select_n3A_75 = arith.select %eq3A_73, %jit3A_74, %jit3A_72 : i32
      %rem3A_76 = arith.remsi %scan3A_54, %select_n3A_75 : i32
      %ne3A_77 = arith.constant 0 : i32
      %ne3A_78 = arith.cmpi ne, %rem3A_76, %ne3A_77 : i32
      %lt3A = arith.constant 0 : i32
      %lt3A_79 = arith.cmpi slt, %rem3A_76, %lt3A : i32
      %lt3A_80 = arith.constant 0 : i32
      %lt3A_81 = arith.cmpi slt, %select_n3A_75, %lt3A_80 : i32
      %ne3A_82 = arith.xori %lt3A_79, %lt3A_81 : i1
      %and3A_83 = arith.andi %ne3A_82, %ne3A_78 : i1
      %add3A_84 = arith.addi %rem3A_76, %select_n3A_75 : i32
      %select_n3A_85 = arith.select %and3A_83, %add3A_84, %rem3A_76 : i32
      %mul3A_86 = arith.constant 16 : i32
      %mul3A_87 = arith.muli %select_n3A_85, %mul3A_86 : i32
      %swap3A = arith.index_cast %select_n3A : i32 to index
      %swap3A_88 = arith.index_cast %mul3A_87 : i32 to index
      %swap3A_89 = tpu.vector_load %arg5[%swap3A, %swap3A_88] {strides = array<i32>} : memref<128x128xf32, #tpu.memory_space<vmem>>, vector<1x16xf32>,
      %swap3A_90 = vector.shape_cast %swap3A_89 : vector<1x16xf32> to vector<16xf32>
      %swap3A_91 = vector.shape_cast %broadcast_in_dim3A_3 : vector<16xf32> to vector<1x16xf32>
      tpu.vector_store %arg5[%swap3A, %swap3A_88], %swap3A_91 {strides = array<i32>} : memref<128x128xf32, #tpu.memory_space<vmem>>, vector<1x16xf32>,
      %scan3A_92 = arith.constant 0 : i32
      scf.yield %scan3A_92 : i32
    }
    %scan3A_9 = arith.constant 1024 : i32
    %mul3A_10 = arith.constant 640 : i32
    %mul3A_11 = arith.muli %arg1, %mul3A_10 : i32
    %add3A_12 = arith.constant 0 : i32
    %add3A_13 = arith.addi %mul3A_11, %add3A_12 : i32
    "tpu.region"() ({
      %run_scoped3A = tpu.sem_alloc : memref<!tpu.dma_semaphore, #tpu.memory_space<semaphore_mem>>
      %dma_start3A = arith.constant 0 : i32
      %dma_start3A_54 = tpu.memref_slice %arg6[%add3A_13, %dma_start3A] : memref<10240x128xf32, #tpu.memory_space<vmem_shared>> -> memref<128x128xf32, #tpu.memory_space<vmem_shared>>
      %dma_start3A_55 = arith.constant 0 : i32
      %dma_start3A_56 = tpu.memref_slice %arg6[%add3A_13, %dma_start3A_55] : memref<10240x128xf32, #tpu.memory_space<vmem_shared>> -> memref<128x128xf32, #tpu.memory_space<vmem_shared>>
      tpu.enqueue_dma source(%arg5 : memref<128x128xf32, #tpu.memory_space<vmem>>) target(%dma_start3A_56 : memref<128x128xf32, #tpu.memory_space<vmem_shared>>) target_semaphore(%run_scoped3A : memref<!tpu.dma_semaphore, #tpu.memory_space<semaphore_mem>>)
      %dma_wait3A = arith.constant 0 : i32
      %dma_wait3A_57 = tpu.memref_slice %arg6[%add3A_13, %dma_wait3A] : memref<10240x128xf32, #tpu.memory_space<vmem_shared>> -> memref<128x128xf32, #tpu.memory_space<vmem_shared>>
      %dma_wait3A_58 = arith.constant 0 : i32
      %dma_wait3A_59 = tpu.memref_slice %arg6[%add3A_13, %dma_wait3A_58] : memref<10240x128xf32, #tpu.memory_space<vmem_shared>> -> memref<128x128xf32, #tpu.memory_space<vmem_shared>>
      tpu.wait_dma2 semaphore(%run_scoped3A : memref<!tpu.dma_semaphore, #tpu.memory_space<semaphore_mem>>) src(%arg5 : memref<128x128xf32, #tpu.memory_space<vmem>>) dst(%dma_wait3A_59 : memref<128x128xf32, #tpu.memory_space<vmem_shared>>)
      tpu.yield
    }) : () -> ()
    %mul3A_14 = arith.constant 640 : i32
    %mul3A_15 = arith.muli %arg1, %mul3A_14 : i32
    %add3A_16 = arith.constant 128 : i32
    %add3A_17 = arith.addi %mul3A_15, %add3A_16 : i32
    "tpu.region"() ({
      %run_scoped3A = tpu.sem_alloc : memref<!tpu.dma_semaphore, #tpu.memory_space<semaphore_mem>>
      %dma_start3A = arith.constant 0 : i32
      %dma_start3A_54 = tpu.memref_slice %arg6[%add3A_17, %dma_start3A] : memref<10240x128xf32, #tpu.memory_space<vmem_shared>> -> memref<128x128xf32, #tpu.memory_space<vmem_shared>>
      %dma_start3A_55 = arith.constant 0 : i32
      %dma_start3A_56 = tpu.memref_slice %arg6[%add3A_17, %dma_start3A_55] : memref<10240x128xf32, #tpu.memory_space<vmem_shared>> -> memref<128x128xf32, #tpu.memory_space<vmem_shared>>
      tpu.enqueue_dma source(%arg5 : memref<128x128xf32, #tpu.memory_space<vmem>>) target(%dma_start3A_56 : memref<128x128xf32, #tpu.memory_space<vmem_shared>>) target_semaphore(%run_scoped3A : memref<!tpu.dma_semaphore, #tpu.memory_space<semaphore_mem>>)
      %dma_wait3A = arith.constant 0 : i32
      %dma_wait3A_57 = tpu.memref_slice %arg6[%add3A_17, %dma_wait3A] : memref<10240x128xf32, #tpu.memory_space<vmem_shared>> -> memref<128x128xf32, #tpu.memory_space<vmem_shared>>
      %dma_wait3A_58 = arith.constant 0 : i32
      %dma_wait3A_59 = tpu.memref_slice %arg6[%add3A_17, %dma_wait3A_58] : memref<10240x128xf32, #tpu.memory_space<vmem_shared>> -> memref<128x128xf32, #tpu.memory_space<vmem_shared>>
      tpu.wait_dma2 semaphore(%run_scoped3A : memref<!tpu.dma_semaphore, #tpu.memory_space<semaphore_mem>>) src(%arg5 : memref<128x128xf32, #tpu.memory_space<vmem>>) dst(%dma_wait3A_59 : memref<128x128xf32, #tpu.memory_space<vmem_shared>>)
      tpu.yield
    }) : () -> ()
    %mul3A_18 = arith.constant 640 : i32
    %mul3A_19 = arith.muli %arg1, %mul3A_18 : i32
    %add3A_20 = arith.constant 256 : i32
    %add3A_21 = arith.addi %mul3A_19, %add3A_20 : i32
    "tpu.region"() ({
      %run_scoped3A = tpu.sem_alloc : memref<!tpu.dma_semaphore, #tpu.memory_space<semaphore_mem>>
      %dma_start3A = arith.constant 0 : i32
      %dma_start3A_54 = tpu.memref_slice %arg6[%add3A_21, %dma_start3A] : memref<10240x128xf32, #tpu.memory_space<vmem_shared>> -> memref<128x128xf32, #tpu.memory_space<vmem_shared>>
      %dma_start3A_55 = arith.constant 0 : i32
      %dma_start3A_56 = tpu.memref_slice %arg6[%add3A_21, %dma_start3A_55] : memref<10240x128xf32, #tpu.memory_space<vmem_shared>> -> memref<128x128xf32, #tpu.memory_space<vmem_shared>>
      tpu.enqueue_dma source(%arg5 : memref<128x128xf32, #tpu.memory_space<vmem>>) target(%dma_start3A_56 : memref<128x128xf32, #tpu.memory_space<vmem_shared>>) target_semaphore(%run_scoped3A : memref<!tpu.dma_semaphore, #tpu.memory_space<semaphore_mem>>)
      %dma_wait3A = arith.constant 0 : i32
      %dma_wait3A_57 = tpu.memref_slice %arg6[%add3A_21, %dma_wait3A] : memref<10240x128xf32, #tpu.memory_space<vmem_shared>> -> memref<128x128xf32, #tpu.memory_space<vmem_shared>>
      %dma_wait3A_58 = arith.constant 0 : i32
      %dma_wait3A_59 = tpu.memref_slice %arg6[%add3A_21, %dma_wait3A_58] : memref<10240x128xf32, #tpu.memory_space<vmem_shared>> -> memref<128x128xf32, #tpu.memory_space<vmem_shared>>
      tpu.wait_dma2 semaphore(%run_scoped3A : memref<!tpu.dma_semaphore, #tpu.memory_space<semaphore_mem>>) src(%arg5 : memref<128x128xf32, #tpu.memory_space<vmem>>) dst(%dma_wait3A_59 : memref<128x128xf32, #tpu.memory_space<vmem_shared>>)
      tpu.yield
    }) : () -> ()
    %mul3A_22 = arith.constant 640 : i32
    %mul3A_23 = arith.muli %arg1, %mul3A_22 : i32
    %add3A_24 = arith.constant 384 : i32
    %add3A_25 = arith.addi %mul3A_23, %add3A_24 : i32
    "tpu.region"() ({
      %run_scoped3A = tpu.sem_alloc : memref<!tpu.dma_semaphore, #tpu.memory_space<semaphore_mem>>
      %dma_start3A = arith.constant 0 : i32
      %dma_start3A_54 = tpu.memref_slice %arg6[%add3A_25, %dma_start3A] : memref<10240x128xf32, #tpu.memory_space<vmem_shared>> -> memref<128x128xf32, #tpu.memory_space<vmem_shared>>
      %dma_start3A_55 = arith.constant 0 : i32
      %dma_start3A_56 = tpu.memref_slice %arg6[%add3A_25, %dma_start3A_55] : memref<10240x128xf32, #tpu.memory_space<vmem_shared>> -> memref<128x128xf32, #tpu.memory_space<vmem_shared>>
      tpu.enqueue_dma source(%arg5 : memref<128x128xf32, #tpu.memory_space<vmem>>) target(%dma_start3A_56 : memref<128x128xf32, #tpu.memory_space<vmem_shared>>) target_semaphore(%run_scoped3A : memref<!tpu.dma_semaphore, #tpu.memory_space<semaphore_mem>>)
      %dma_wait3A = arith.constant 0 : i32
      %dma_wait3A_57 = tpu.memref_slice %arg6[%add3A_25, %dma_wait3A] : memref<10240x128xf32, #tpu.memory_space<vmem_shared>> -> memref<128x128xf32, #tpu.memory_space<vmem_shared>>
      %dma_wait3A_58 = arith.constant 0 : i32
      %dma_wait3A_59 = tpu.memref_slice %arg6[%add3A_25, %dma_wait3A_58] : memref<10240x128xf32, #tpu.memory_space<vmem_shared>> -> memref<128x128xf32, #tpu.memory_space<vmem_shared>>
      tpu.wait_dma2 semaphore(%run_scoped3A : memref<!tpu.dma_semaphore, #tpu.memory_space<semaphore_mem>>) src(%arg5 : memref<128x128xf32, #tpu.memory_space<vmem>>) dst(%dma_wait3A_59 : memref<128x128xf32, #tpu.memory_space<vmem_shared>>)
      tpu.yield
    }) : () -> ()
    %mul3A_26 = arith.constant 640 : i32
    %mul3A_27 = arith.muli %arg1, %mul3A_26 : i32
    %add3A_28 = arith.constant 512 : i32
    %add3A_29 = arith.addi %mul3A_27, %add3A_28 : i32
    "tpu.region"() ({
      %run_scoped3A = tpu.sem_alloc : memref<!tpu.dma_semaphore, #tpu.memory_space<semaphore_mem>>
      %dma_start3A = arith.constant 0 : i32
      %dma_start3A_54 = tpu.memref_slice %arg6[%add3A_29, %dma_start3A] : memref<10240x128xf32, #tpu.memory_space<vmem_shared>> -> memref<128x128xf32, #tpu.memory_space<vmem_shared>>
      %dma_start3A_55 = arith.constant 0 : i32
      %dma_start3A_56 = tpu.memref_slice %arg6[%add3A_29, %dma_start3A_55] : memref<10240x128xf32, #tpu.memory_space<vmem_shared>> -> memref<128x128xf32, #tpu.memory_space<vmem_shared>>
      tpu.enqueue_dma source(%arg5 : memref<128x128xf32, #tpu.memory_space<vmem>>) target(%dma_start3A_56 : memref<128x128xf32, #tpu.memory_space<vmem_shared>>) target_semaphore(%run_scoped3A : memref<!tpu.dma_semaphore, #tpu.memory_space<semaphore_mem>>)
      %dma_wait3A = arith.constant 0 : i32
      %dma_wait3A_57 = tpu.memref_slice %arg6[%add3A_29, %dma_wait3A] : memref<10240x128xf32, #tpu.memory_space<vmem_shared>> -> memref<128x128xf32, #tpu.memory_space<vmem_shared>>
      %dma_wait3A_58 = arith.constant 0 : i32
      %dma_wait3A_59 = tpu.memref_slice %arg6[%add3A_29, %dma_wait3A_58] : memref<10240x128xf32, #tpu.memory_space<vmem_shared>> -> memref<128x128xf32, #tpu.memory_space<vmem_shared>>
      tpu.wait_dma2 semaphore(%run_scoped3A : memref<!tpu.dma_semaphore, #tpu.memory_space<semaphore_mem>>) src(%arg5 : memref<128x128xf32, #tpu.memory_space<vmem>>) dst(%dma_wait3A_59 : memref<128x128xf32, #tpu.memory_space<vmem_shared>>)
      tpu.yield
    }) : () -> ()
    %broadcast_in_dim3A_30 = arith.constant 1.000000e+00 : f32
    %broadcast_in_dim3A_31 = vector.broadcast %broadcast_in_dim3A_30 : f32 to vector<16xf32>
    %scan3A_32 = arith.constant 0 : i32
    %scan3A_33 = arith.constant 0 : i32
    %scan3A_34 = arith.constant 1024 : i32
    %scan3A_35 = arith.addi %scan3A_33, %scan3A_34 : i32
    %scan3A_36 = arith.constant 1 : i32
    %scan3A_37 = scf.for %scan3A_54 = %scan3A_33 to %scan3A_35 step %scan3A_36 iter_args(%scan3A_55 = %scan3A_32) -> (i32)  : i32 {
      %jit3A = arith.constant 8 : i32
      %div3A = arith.divsi %scan3A_54, %jit3A : i32
      %sign3A = arith.constant 0 : i32
      %sign3A_56 = arith.cmpi sgt, %scan3A_54, %sign3A : i32
      %sign3A_57 = arith.extui %sign3A_56 : i1 to i32
      %sign3A_58 = arith.constant 0 : i32
      %sign3A_59 = arith.cmpi slt, %scan3A_54, %sign3A_58 : i32
      %sign3A_60 = arith.extui %sign3A_59 : i1 to i32
      %sign3A_61 = arith.subi %sign3A_57, %sign3A_60 : i32
      %sign3A_62 = arith.constant 0 : i32
      %sign3A_63 = arith.cmpi sgt, %jit3A, %sign3A_62 : i32
      %sign3A_64 = arith.extui %sign3A_63 : i1 to i32
      %sign3A_65 = arith.constant 0 : i32
      %sign3A_66 = arith.cmpi slt, %jit3A, %sign3A_65 : i32
      %sign3A_67 = arith.extui %sign3A_66 : i1 to i32
      %sign3A_68 = arith.subi %sign3A_64, %sign3A_67 : i32
      %ne3A = arith.cmpi ne, %sign3A_61, %sign3A_68 : i32
      %rem3A = arith.remsi %scan3A_54, %jit3A : i32
      %ne3A_69 = arith.constant 0 : i32
      %ne3A_70 = arith.cmpi ne, %rem3A, %ne3A_69 : i32
      %and3A = arith.andi %ne3A, %ne3A_70 : i1
      %sub3A = arith.constant 1 : i32
      %sub3A_71 = arith.subi %div3A, %sub3A : i32
      %select_n3A = arith.select %and3A, %sub3A_71, %div3A : i32
      %jit3A_72 = arith.constant 8 : i32
      %eq3A = arith.constant 0 : i32
      %eq3A_73 = arith.cmpi eq, %jit3A_72, %eq3A : i32
      %jit3A_74 = arith.constant 1 : i32
      %select_n3A_75 = arith.select %eq3A_73, %jit3A_74, %jit3A_72 : i32
      %rem3A_76 = arith.remsi %scan3A_54, %select_n3A_75 : i32
      %ne3A_77 = arith.constant 0 : i32
      %ne3A_78 = arith.cmpi ne, %rem3A_76, %ne3A_77 : i32
      %lt3A = arith.constant 0 : i32
      %lt3A_79 = arith.cmpi slt, %rem3A_76, %lt3A : i32
      %lt3A_80 = arith.constant 0 : i32
      %lt3A_81 = arith.cmpi slt, %select_n3A_75, %lt3A_80 : i32
      %ne3A_82 = arith.xori %lt3A_79, %lt3A_81 : i1
      %and3A_83 = arith.andi %ne3A_82, %ne3A_78 : i1
      %add3A_84 = arith.addi %rem3A_76, %select_n3A_75 : i32
      %select_n3A_85 = arith.select %and3A_83, %add3A_84, %rem3A_76 : i32
      %mul3A_86 = arith.constant 16 : i32
      %mul3A_87 = arith.muli %select_n3A_85, %mul3A_86 : i32
      %swap3A = arith.index_cast %select_n3A : i32 to index
      %swap3A_88 = arith.index_cast %mul3A_87 : i32 to index
      %swap3A_89 = tpu.vector_load %arg5[%swap3A, %swap3A_88] {strides = array<i32>} : memref<128x128xf32, #tpu.memory_space<vmem>>, vector<1x16xf32>,
      %swap3A_90 = vector.shape_cast %swap3A_89 : vector<1x16xf32> to vector<16xf32>
      %swap3A_91 = vector.shape_cast %broadcast_in_dim3A_31 : vector<16xf32> to vector<1x16xf32>
      tpu.vector_store %arg5[%swap3A, %swap3A_88], %swap3A_91 {strides = array<i32>} : memref<128x128xf32, #tpu.memory_space<vmem>>, vector<1x16xf32>,
      %scan3A_92 = arith.constant 0 : i32
      scf.yield %scan3A_92 : i32
    }
    %scan3A_38 = arith.constant 1024 : i32
    %barrier3A = arith.constant 0 : index
    tpu.barrier barrier_id(%barrier3A)
    %scan3A_39 = arith.constant 0 : i32
    %scan3A_40 = arith.constant 0 : i32
    %scan3A_41 = arith.constant 80 : i32
    %scan3A_42 = arith.addi %scan3A_40, %scan3A_41 : i32
    %scan3A_43 = arith.constant 1 : i32
    %scan3A_44 = scf.for %scan3A_54 = %scan3A_40 to %scan3A_42 step %scan3A_43 iter_args(%scan3A_55 = %scan3A_39) -> (i32)  : i32 {
      %mul3A_56 = arith.constant 128 : i32
      %mul3A_57 = arith.muli %scan3A_54, %mul3A_56 : i32
      %add3A_58 = arith.addi %mul3A_2, %mul3A_57 : i32
      "tpu.region"() ({
        %run_scoped3A = tpu.sem_alloc : memref<!tpu.dma_semaphore, #tpu.memory_space<semaphore_mem>>
        %dma_start3A = tpu.memref_slice %arg2[%add3A_58] : memref<327680xi32, #tpu.memory_space<hbm>> -> memref<128xi32, #tpu.memory_space<hbm>>
        %dma_start3A_60 = tpu.memref_slice %arg2[%add3A_58] : memref<327680xi32, #tpu.memory_space<hbm>> -> memref<128xi32, #tpu.memory_space<hbm>>
        tpu.enqueue_dma source(%dma_start3A_60 : memref<128xi32, #tpu.memory_space<hbm>>) target(%arg4 : memref<128xi32, #tpu.memory_space<vmem>>) target_semaphore(%run_scoped3A : memref<!tpu.dma_semaphore, #tpu.memory_space<semaphore_mem>>)
        %dma_wait3A = tpu.memref_slice %arg2[%add3A_58] : memref<327680xi32, #tpu.memory_space<hbm>> -> memref<128xi32, #tpu.memory_space<hbm>>
        %dma_wait3A_61 = tpu.memref_slice %arg2[%add3A_58] : memref<327680xi32, #tpu.memory_space<hbm>> -> memref<128xi32, #tpu.memory_space<hbm>>
        tpu.wait_dma2 semaphore(%run_scoped3A : memref<!tpu.dma_semaphore, #tpu.memory_space<semaphore_mem>>) src(%dma_wait3A_61 : memref<128xi32, #tpu.memory_space<hbm>>) dst(%arg4 : memref<128xi32, #tpu.memory_space<vmem>>)
        tpu.yield
      }) : () -> ()
      "tpu.region"() ({
        %run_scoped3A = tpu.sem_alloc : memref<!tpu.dma_semaphore, #tpu.memory_space<semaphore_mem>>
        %dma_start3A = arith.constant 0 : i32
        %dma_start3A_60 = arith.constant 0 : i32
        %dma_start3A_61 = tpu.memref_slice %arg6[%dma_start3A, %dma_start3A_60] : memref<10240x128xf32, #tpu.memory_space<vmem_shared>> -> memref<10240x128xf32, #tpu.memory_space<vmem_shared>>
        tpu.enqueue_indirect_dma source(%arg5 : memref<128x128xf32, #tpu.memory_space<vmem>>) target(%dma_start3A_61 : memref<10240x128xf32, #tpu.memory_space<vmem_shared>>) offsets(%arg4 : memref<128xi32, #tpu.memory_space<vmem>>) semaphore(%run_scoped3A : memref<!tpu.dma_semaphore, #tpu.memory_space<semaphore_mem>>) {add = true}
        %dma_wait3A = arith.constant 0 : i32
        %dma_wait3A_62 = arith.constant 0 : i32
        %dma_wait3A_63 = tpu.memref_slice %arg6[%dma_wait3A, %dma_wait3A_62] : memref<10240x128xf32, #tpu.memory_space<vmem_shared>> -> memref<10240x128xf32, #tpu.memory_space<vmem_shared>>
        tpu.wait_indirect_dma semaphore(%run_scoped3A : memref<!tpu.dma_semaphore, #tpu.memory_space<semaphore_mem>>) src(%arg5 : memref<128x128xf32, #tpu.memory_space<vmem>>) dst(%dma_wait3A_63 : memref<10240x128xf32, #tpu.memory_space<vmem_shared>>)
        tpu.yield
      }) : () -> ()
      %scan3A_59 = arith.constant 0 : i32
      scf.yield %scan3A_59 : i32
    }
    %scan3A_45 = arith.constant 80 : i32
    %barrier3A_46 = arith.constant 0 : index
    tpu.barrier barrier_id(%barrier3A_46)
    %mul3A_47 = arith.constant 640 : i32
    %mul3A_48 = arith.muli %arg1, %mul3A_47 : i32
    %mul3A_49 = arith.constant 10240 : i32
    %mul3A_50 = arith.muli %arg0, %mul3A_49 : i32
    %mul3A_51 = arith.constant 640 : i32
    %mul3A_52 = arith.muli %arg1, %mul3A_51 : i32
    %add3A_53 = arith.addi %mul3A_50, %mul3A_52 : i32
    "tpu.region"() ({
      %run_scoped3A = tpu.sem_alloc : memref<!tpu.dma_semaphore, #tpu.memory_space<semaphore_mem>>
      %dma_start3A = arith.constant 0 : i32
      %dma_start3A_54 = tpu.memref_slice %arg3[%add3A_53, %dma_start3A] : memref<20480x128xf32, #tpu.memory_space<hbm>> -> memref<640x128xf32, #tpu.memory_space<hbm>>
      %dma_start3A_55 = arith.constant 0 : i32
      %dma_start3A_56 = tpu.memref_slice %arg6[%mul3A_48, %dma_start3A_55] : memref<10240x128xf32, #tpu.memory_space<vmem_shared>> -> memref<640x128xf32, #tpu.memory_space<vmem_shared>>
      tpu.enqueue_dma source(%dma_start3A_56 : memref<640x128xf32, #tpu.memory_space<vmem_shared>>) target(%dma_start3A_54 : memref<640x128xf32, #tpu.memory_space<hbm>>) target_semaphore(%run_scoped3A : memref<!tpu.dma_semaphore, #tpu.memory_space<semaphore_mem>>)
      %dma_wait3A = arith.constant 0 : i32
      %dma_wait3A_57 = tpu.memref_slice %arg3[%add3A_53, %dma_wait3A] : memref<20480x128xf32, #tpu.memory_space<hbm>> -> memref<640x128xf32, #tpu.memory_space<hbm>>
      %dma_wait3A_58 = arith.constant 0 : i32
      %dma_wait3A_59 = tpu.memref_slice %arg6[%mul3A_48, %dma_wait3A_58] : memref<10240x128xf32, #tpu.memory_space<vmem_shared>> -> memref<640x128xf32, #tpu.memory_space<vmem_shared>>
      tpu.wait_dma2 semaphore(%run_scoped3A : memref<!tpu.dma_semaphore, #tpu.memory_space<semaphore_mem>>) src(%dma_wait3A_59 : memref<640x128xf32, #tpu.memory_space<vmem_shared>>) dst(%dma_wait3A_57 : memref<640x128xf32, #tpu.memory_space<hbm>>)
      tpu.yield
    }) : () -> ()
    return
  }
}

module attributes {stable_mosaic.version = 14 : i64} {
  func.func @_scale_body(%arg0: i32, %arg1: memref<1024x128xf32, #tpu.memory_space<vmem>>, %arg2: memref<1024x128xf32, #tpu.memory_space<vmem>>, %arg3: memref<1024x128xf32, #tpu.memory_space<vmem>>, %arg4: memref<1024x128xf32, #tpu.memory_space<vmem>>) attributes {dimension_semantics = [#tpu.dimension_semantics<arbitrary>], iteration_bounds = array<i64: 10>, scalar_prefetch = 0 : i64, scratch_operands = 0 : i64, tpu.core_type = #tpu.core_type<tc>, window_params = [{transform_indices = @transform_0, window_bounds = array<i64: 1024, 128>}, {transform_indices = @transform_1, window_bounds = array<i64: 1024, 128>}, {transform_indices = @transform_2, window_bounds = array<i64: 1024, 128>}, {transform_indices = @transform_3, window_bounds = array<i64: 1024, 128>}]} {
    %get3A = arith.constant 0 : index
    %get3A_0 = arith.constant 0 : index
    %get3A_1 = vector.load %arg2[%get3A, %get3A_0] : memref<1024x128xf32, #tpu.memory_space<vmem>>, vector<1024x128xf32>
    %get3A_2 = arith.constant 0 : index
    %get3A_3 = arith.constant 0 : index
    %get3A_4 = vector.load %arg3[%get3A_2, %get3A_3] : memref<1024x128xf32, #tpu.memory_space<vmem>>, vector<1024x128xf32>
    %add3A = arith.addf %get3A_1, %get3A_4 : vector<1024x128xf32>
    %slice3A = vector.extract_strided_slice %add3A {offsets = [0, 0], sizes = [1024, 1], strides = [1, 1]} : vector<1024x128xf32> to vector<1024x1xf32>
    %gt3A = arith.constant 0.000000e+00 : f32
    %gt3A_5 = vector.broadcast %gt3A : f32 to vector<1024x1xf32>
    %gt3A_6 = arith.cmpf ogt, %slice3A, %gt3A_5 : vector<1024x1xf32>
    %max3A = arith.constant 1.000000e+00 : f32
    %max3A_7 = vector.broadcast %max3A : f32 to vector<1024x1xf32>
    %max3A_8 = arith.maximumf %slice3A, %max3A_7 : vector<1024x1xf32>
    %rsqrt3A = math.rsqrt %max3A_8 : vector<1024x1xf32>
    %jit3A = arith.constant 0.000000e+00 : f32
    %broadcast_in_dim3A = vector.broadcast %jit3A : f32 to vector<1024x1xf32>
    %select_n3A = arith.select %gt3A_6, %rsqrt3A, %broadcast_in_dim3A : vector<1024x1xi1>, vector<1024x1xf32>
    %get3A_9 = arith.constant 0 : index
    %get3A_10 = arith.constant 0 : index
    %get3A_11 = vector.load %arg1[%get3A_9, %get3A_10] : memref<1024x128xf32, #tpu.memory_space<vmem>>, vector<1024x128xf32>
    %mul3A = vector.broadcast %select_n3A : vector<1024x1xf32> to vector<1024x128xf32>
    %mul3A_12 = arith.mulf %get3A_11, %mul3A : vector<1024x128xf32>
    %swap3A = arith.constant 0 : index
    %swap3A_13 = arith.constant 0 : index
    %swap3A_14 = vector.load %arg4[%swap3A, %swap3A_13] : memref<1024x128xf32, #tpu.memory_space<vmem>>, vector<1024x128xf32>
    tpu.vector_store %arg4[%swap3A, %swap3A_13], %mul3A_12 {strides = array<i32>} : memref<1024x128xf32, #tpu.memory_space<vmem>>, vector<1024x128xf32>,
    return
  }
  func.func @transform_0(%arg0: i32) -> (i32, i32) {
    %c0_i32 = arith.constant 0 : i32
    %c0_i32_0 = arith.constant 0 : i32
    return %arg0, %c0_i32 : i32, i32
  }
  func.func @transform_1(%arg0: i32) -> (i32, i32) {
    %c0_i32 = arith.constant 0 : i32
    %c0_i32_0 = arith.constant 0 : i32
    return %arg0, %c0_i32 : i32, i32
  }
  func.func @transform_2(%arg0: i32) -> (i32, i32) {
    %add3A = arith.constant 10 : i32
    %add3A_0 = arith.addi %arg0, %add3A : i32
    %c0_i32 = arith.constant 0 : i32
    %c0_i32_1 = arith.constant 0 : i32
    return %add3A_0, %c0_i32 : i32, i32
  }
  func.func @transform_3(%arg0: i32) -> (i32, i32) {
    %c0_i32 = arith.constant 0 : i32
    %c0_i32_0 = arith.constant 0 : i32
    return %arg0, %c0_i32 : i32, i32
  }
}

module attributes {stable_mosaic.version = 14 : i64} {
  func.func @_mm_body(%arg0: i32, %arg1: memref<1024x128xf32, #tpu.memory_space<vmem>>, %arg2: memref<1024x128xf32, #tpu.memory_space<vmem>>, %arg3: memref<1024x128xf32, #tpu.memory_space<vmem>>, %arg4: memref<1024x128xf32, #tpu.memory_space<vmem>>, %arg5: memref<1024x128xf32, #tpu.memory_space<vmem>>, %arg6: memref<1024x128xf32, #tpu.memory_space<vmem>>, %arg7: memref<128x128xf32, #tpu.memory_space<vmem>>, %arg8: memref<1x128xf32, #tpu.memory_space<vmem>>, %arg9: memref<1024x128xf32, #tpu.memory_space<vmem>>) attributes {dimension_semantics = [#tpu.dimension_semantics<arbitrary>], iteration_bounds = array<i64: 10>, scalar_prefetch = 0 : i64, scratch_operands = 0 : i64, tpu.core_type = #tpu.core_type<tc>, window_params = [{transform_indices = @transform_0, window_bounds = array<i64: 1024, 128>}, {transform_indices = @transform_1, window_bounds = array<i64: 1024, 128>}, {transform_indices = @transform_2, window_bounds = array<i64: 1024, 128>}, {transform_indices = @transform_3, window_bounds = array<i64: 1024, 128>}, {transform_indices = @transform_4, window_bounds = array<i64: 1024, 128>}, {transform_indices = @transform_5, window_bounds = array<i64: 1024, 128>}, {pipeline_mode = #tpu.pipeline_mode<synchronous>, transform_indices = @transform_6, window_bounds = array<i64: 128, 128>}, {pipeline_mode = #tpu.pipeline_mode<synchronous>, transform_indices = @transform_7, window_bounds = array<i64: 1, 128>}, {transform_indices = @transform_8, window_bounds = array<i64: 1024, 128>}]} {
    %get3A = arith.constant 0 : index
    %get3A_0 = arith.constant 0 : index
    %get3A_1 = vector.load %arg3[%get3A, %get3A_0] : memref<1024x128xf32, #tpu.memory_space<vmem>>, vector<1024x128xf32>
    %get3A_2 = arith.constant 0 : index
    %get3A_3 = arith.constant 0 : index
    %get3A_4 = vector.load %arg4[%get3A_2, %get3A_3] : memref<1024x128xf32, #tpu.memory_space<vmem>>, vector<1024x128xf32>
    %add3A = arith.addf %get3A_1, %get3A_4 : vector<1024x128xf32>
    %slice3A = vector.extract_strided_slice %add3A {offsets = [0, 0], sizes = [1024, 1], strides = [1, 1]} : vector<1024x128xf32> to vector<1024x1xf32>
    %gt3A = arith.constant 0.000000e+00 : f32
    %gt3A_5 = vector.broadcast %gt3A : f32 to vector<1024x1xf32>
    %gt3A_6 = arith.cmpf ogt, %slice3A, %gt3A_5 : vector<1024x1xf32>
    %max3A = arith.constant 1.000000e+00 : f32
    %max3A_7 = vector.broadcast %max3A : f32 to vector<1024x1xf32>
    %max3A_8 = arith.maximumf %slice3A, %max3A_7 : vector<1024x1xf32>
    %rsqrt3A = math.rsqrt %max3A_8 : vector<1024x1xf32>
    %jit3A = arith.constant 0.000000e+00 : f32
    %broadcast_in_dim3A = vector.broadcast %jit3A : f32 to vector<1024x1xf32>
    %select_n3A = arith.select %gt3A_6, %rsqrt3A, %broadcast_in_dim3A : vector<1024x1xi1>, vector<1024x1xf32>
    %get3A_9 = arith.constant 0 : index
    %get3A_10 = arith.constant 0 : index
    %get3A_11 = vector.load %arg1[%get3A_9, %get3A_10] : memref<1024x128xf32, #tpu.memory_space<vmem>>, vector<1024x128xf32>
    %get3A_12 = arith.constant 0 : index
    %get3A_13 = arith.constant 0 : index
    %get3A_14 = vector.load %arg2[%get3A_12, %get3A_13] : memref<1024x128xf32, #tpu.memory_space<vmem>>, vector<1024x128xf32>
    %add3A_15 = arith.addf %get3A_11, %get3A_14 : vector<1024x128xf32>
    %mul3A = vector.broadcast %select_n3A : vector<1024x1xf32> to vector<1024x128xf32>
    %mul3A_16 = arith.mulf %add3A_15, %mul3A : vector<1024x128xf32>
    %get3A_17 = arith.constant 0 : index
    %get3A_18 = arith.constant 0 : index
    %get3A_19 = vector.load %arg7[%get3A_17, %get3A_18] : memref<128x128xf32, #tpu.memory_space<vmem>>, vector<128x128xf32>
    %dot_general3A = arith.constant dense<0.000000e+00> : vector<1024x128xf32>
    %dot_general3A_20 = tpu.matmul %mul3A_16, %get3A_19, %dot_general3A {dimension_numbers = #tpu.dot_dimension_numbers<[1], [0], [0], [1], [0, 0, 1, 1], [], []>, transpose_lhs_hint = false} : vector<1024x128xf32>, vector<128x128xf32>, vector<1024x128xf32> -> vector<1024x128xf32>
    %get3A_21 = arith.constant 0 : index
    %get3A_22 = arith.constant 0 : index
    %get3A_23 = vector.load %arg8[%get3A_21, %get3A_22] : memref<1x128xf32, #tpu.memory_space<vmem>>, vector<1x128xf32>
    %add3A_24 = vector.broadcast %get3A_23 : vector<1x128xf32> to vector<1024x128xf32>
    %add3A_25 = arith.addf %dot_general3A_20, %add3A_24 : vector<1024x128xf32>
    %max3A_26 = arith.constant 0.000000e+00 : f32
    %max3A_27 = vector.broadcast %max3A_26 : f32 to vector<1024x128xf32>
    %max3A_28 = arith.maximumf %add3A_25, %max3A_27 : vector<1024x128xf32>
    %get3A_29 = arith.constant 0 : index
    %get3A_30 = arith.constant 0 : index
    %get3A_31 = vector.load %arg5[%get3A_29, %get3A_30] : memref<1024x128xf32, #tpu.memory_space<vmem>>, vector<1024x128xf32>
    %get3A_32 = arith.constant 0 : index
    %get3A_33 = arith.constant 0 : index
    %get3A_34 = vector.load %arg6[%get3A_32, %get3A_33] : memref<1024x128xf32, #tpu.memory_space<vmem>>, vector<1024x128xf32>
    %add3A_35 = arith.addf %get3A_31, %get3A_34 : vector<1024x128xf32>
    %slice3A_36 = vector.extract_strided_slice %add3A_35 {offsets = [0, 0], sizes = [1024, 1], strides = [1, 1]} : vector<1024x128xf32> to vector<1024x1xf32>
    %gt3A_37 = arith.constant 0.000000e+00 : f32
    %gt3A_38 = vector.broadcast %gt3A_37 : f32 to vector<1024x1xf32>
    %gt3A_39 = arith.cmpf ogt, %slice3A_36, %gt3A_38 : vector<1024x1xf32>
    %max3A_40 = arith.constant 1.000000e+00 : f32
    %max3A_41 = vector.broadcast %max3A_40 : f32 to vector<1024x1xf32>
    %max3A_42 = arith.maximumf %slice3A_36, %max3A_41 : vector<1024x1xf32>
    %rsqrt3A_43 = math.rsqrt %max3A_42 : vector<1024x1xf32>
    %jit3A_44 = arith.constant 0.000000e+00 : f32
    %broadcast_in_dim3A_45 = vector.broadcast %jit3A_44 : f32 to vector<1024x1xf32>
    %select_n3A_46 = arith.select %gt3A_39, %rsqrt3A_43, %broadcast_in_dim3A_45 : vector<1024x1xi1>, vector<1024x1xf32>
    %mul3A_47 = vector.broadcast %select_n3A_46 : vector<1024x1xf32> to vector<1024x128xf32>
    %mul3A_48 = arith.mulf %max3A_28, %mul3A_47 : vector<1024x128xf32>
    %swap3A = arith.constant 0 : index
    %swap3A_49 = arith.constant 0 : index
    %swap3A_50 = vector.load %arg9[%swap3A, %swap3A_49] : memref<1024x128xf32, #tpu.memory_space<vmem>>, vector<1024x128xf32>
    tpu.vector_store %arg9[%swap3A, %swap3A_49], %mul3A_48 {strides = array<i32>} : memref<1024x128xf32, #tpu.memory_space<vmem>>, vector<1024x128xf32>,
    return
  }
  func.func @transform_0(%arg0: i32) -> (i32, i32) {
    %c0_i32 = arith.constant 0 : i32
    %c0_i32_0 = arith.constant 0 : i32
    return %arg0, %c0_i32 : i32, i32
  }
  func.func @transform_1(%arg0: i32) -> (i32, i32) {
    %add3A = arith.constant 10 : i32
    %add3A_0 = arith.addi %arg0, %add3A : i32
    %c0_i32 = arith.constant 0 : i32
    %c0_i32_1 = arith.constant 0 : i32
    return %add3A_0, %c0_i32 : i32, i32
  }
  func.func @transform_2(%arg0: i32) -> (i32, i32) {
    %c0_i32 = arith.constant 0 : i32
    %c0_i32_0 = arith.constant 0 : i32
    return %arg0, %c0_i32 : i32, i32
  }
  func.func @transform_3(%arg0: i32) -> (i32, i32) {
    %add3A = arith.constant 10 : i32
    %add3A_0 = arith.addi %arg0, %add3A : i32
    %c0_i32 = arith.constant 0 : i32
    %c0_i32_1 = arith.constant 0 : i32
    return %add3A_0, %c0_i32 : i32, i32
  }
  func.func @transform_4(%arg0: i32) -> (i32, i32) {
    %c0_i32 = arith.constant 0 : i32
    %c0_i32_0 = arith.constant 0 : i32
    return %arg0, %c0_i32 : i32, i32
  }
  func.func @transform_5(%arg0: i32) -> (i32, i32) {
    %add3A = arith.constant 10 : i32
    %add3A_0 = arith.addi %arg0, %add3A : i32
    %c0_i32 = arith.constant 0 : i32
    %c0_i32_1 = arith.constant 0 : i32
    return %add3A_0, %c0_i32 : i32, i32
  }
  func.func @transform_6(%arg0: i32) -> (i32, i32) {
    %c0_i32 = arith.constant 0 : i32
    %c0_i32_0 = arith.constant 0 : i32
    %c0_i32_1 = arith.constant 0 : i32
    return %c0_i32, %c0_i32_0 : i32, i32
  }
  func.func @transform_7(%arg0: i32) -> (i32, i32) {
    %c0_i32 = arith.constant 0 : i32
    %c0_i32_0 = arith.constant 0 : i32
    %c0_i32_1 = arith.constant 0 : i32
    return %c0_i32, %c0_i32_0 : i32, i32
  }
  func.func @transform_8(%arg0: i32) -> (i32, i32) {
    %c0_i32 = arith.constant 0 : i32
    %c0_i32_0 = arith.constant 0 : i32
    return %arg0, %c0_i32 : i32, i32
  }
}

module attributes {stable_mosaic.version = 14 : i64} {
  func.func @_mm_body(%arg0: i32, %arg1: memref<1024x128xf32, #tpu.memory_space<vmem>>, %arg2: memref<1024x128xf32, #tpu.memory_space<vmem>>, %arg3: memref<1024x128xf32, #tpu.memory_space<vmem>>, %arg4: memref<1024x128xf32, #tpu.memory_space<vmem>>, %arg5: memref<1024x128xf32, #tpu.memory_space<vmem>>, %arg6: memref<1024x128xf32, #tpu.memory_space<vmem>>, %arg7: memref<128x128xf32, #tpu.memory_space<vmem>>, %arg8: memref<1x128xf32, #tpu.memory_space<vmem>>, %arg9: memref<1024x128xf32, #tpu.memory_space<vmem>>) attributes {dimension_semantics = [#tpu.dimension_semantics<arbitrary>], iteration_bounds = array<i64: 10>, scalar_prefetch = 0 : i64, scratch_operands = 0 : i64, tpu.core_type = #tpu.core_type<tc>, window_params = [{transform_indices = @transform_0, window_bounds = array<i64: 1024, 128>}, {transform_indices = @transform_1, window_bounds = array<i64: 1024, 128>}, {transform_indices = @transform_2, window_bounds = array<i64: 1024, 128>}, {transform_indices = @transform_3, window_bounds = array<i64: 1024, 128>}, {transform_indices = @transform_4, window_bounds = array<i64: 1024, 128>}, {transform_indices = @transform_5, window_bounds = array<i64: 1024, 128>}, {pipeline_mode = #tpu.pipeline_mode<synchronous>, transform_indices = @transform_6, window_bounds = array<i64: 128, 128>}, {pipeline_mode = #tpu.pipeline_mode<synchronous>, transform_indices = @transform_7, window_bounds = array<i64: 1, 128>}, {transform_indices = @transform_8, window_bounds = array<i64: 1024, 128>}]} {
    %get3A = arith.constant 0 : index
    %get3A_0 = arith.constant 0 : index
    %get3A_1 = vector.load %arg3[%get3A, %get3A_0] : memref<1024x128xf32, #tpu.memory_space<vmem>>, vector<1024x128xf32>
    %get3A_2 = arith.constant 0 : index
    %get3A_3 = arith.constant 0 : index
    %get3A_4 = vector.load %arg4[%get3A_2, %get3A_3] : memref<1024x128xf32, #tpu.memory_space<vmem>>, vector<1024x128xf32>
    %add3A = arith.addf %get3A_1, %get3A_4 : vector<1024x128xf32>
    %slice3A = vector.extract_strided_slice %add3A {offsets = [0, 0], sizes = [1024, 1], strides = [1, 1]} : vector<1024x128xf32> to vector<1024x1xf32>
    %gt3A = arith.constant 0.000000e+00 : f32
    %gt3A_5 = vector.broadcast %gt3A : f32 to vector<1024x1xf32>
    %gt3A_6 = arith.cmpf ogt, %slice3A, %gt3A_5 : vector<1024x1xf32>
    %max3A = arith.constant 1.000000e+00 : f32
    %max3A_7 = vector.broadcast %max3A : f32 to vector<1024x1xf32>
    %max3A_8 = arith.maximumf %slice3A, %max3A_7 : vector<1024x1xf32>
    %rsqrt3A = math.rsqrt %max3A_8 : vector<1024x1xf32>
    %jit3A = arith.constant 0.000000e+00 : f32
    %broadcast_in_dim3A = vector.broadcast %jit3A : f32 to vector<1024x1xf32>
    %select_n3A = arith.select %gt3A_6, %rsqrt3A, %broadcast_in_dim3A : vector<1024x1xi1>, vector<1024x1xf32>
    %get3A_9 = arith.constant 0 : index
    %get3A_10 = arith.constant 0 : index
    %get3A_11 = vector.load %arg1[%get3A_9, %get3A_10] : memref<1024x128xf32, #tpu.memory_space<vmem>>, vector<1024x128xf32>
    %get3A_12 = arith.constant 0 : index
    %get3A_13 = arith.constant 0 : index
    %get3A_14 = vector.load %arg2[%get3A_12, %get3A_13] : memref<1024x128xf32, #tpu.memory_space<vmem>>, vector<1024x128xf32>
    %add3A_15 = arith.addf %get3A_11, %get3A_14 : vector<1024x128xf32>
    %mul3A = vector.broadcast %select_n3A : vector<1024x1xf32> to vector<1024x128xf32>
    %mul3A_16 = arith.mulf %add3A_15, %mul3A : vector<1024x128xf32>
    %get3A_17 = arith.constant 0 : index
    %get3A_18 = arith.constant 0 : index
    %get3A_19 = vector.load %arg7[%get3A_17, %get3A_18] : memref<128x128xf32, #tpu.memory_space<vmem>>, vector<128x128xf32>
    %dot_general3A = arith.constant dense<0.000000e+00> : vector<1024x128xf32>
    %dot_general3A_20 = tpu.matmul %mul3A_16, %get3A_19, %dot_general3A {dimension_numbers = #tpu.dot_dimension_numbers<[1], [0], [0], [1], [0, 0, 1, 1], [], []>, transpose_lhs_hint = false} : vector<1024x128xf32>, vector<128x128xf32>, vector<1024x128xf32> -> vector<1024x128xf32>
    %get3A_21 = arith.constant 0 : index
    %get3A_22 = arith.constant 0 : index
    %get3A_23 = vector.load %arg8[%get3A_21, %get3A_22] : memref<1x128xf32, #tpu.memory_space<vmem>>, vector<1x128xf32>
    %add3A_24 = vector.broadcast %get3A_23 : vector<1x128xf32> to vector<1024x128xf32>
    %add3A_25 = arith.addf %dot_general3A_20, %add3A_24 : vector<1024x128xf32>
    %swap3A = arith.constant 0 : index
    %swap3A_26 = arith.constant 0 : index
    %swap3A_27 = vector.load %arg9[%swap3A, %swap3A_26] : memref<1024x128xf32, #tpu.memory_space<vmem>>, vector<1024x128xf32>
    tpu.vector_store %arg9[%swap3A, %swap3A_26], %add3A_25 {strides = array<i32>} : memref<1024x128xf32, #tpu.memory_space<vmem>>, vector<1024x128xf32>,
    return
  }
  func.func @transform_0(%arg0: i32) -> (i32, i32) {
    %c0_i32 = arith.constant 0 : i32
    %c0_i32_0 = arith.constant 0 : i32
    return %arg0, %c0_i32 : i32, i32
  }
  func.func @transform_1(%arg0: i32) -> (i32, i32) {
    %add3A = arith.constant 10 : i32
    %add3A_0 = arith.addi %arg0, %add3A : i32
    %c0_i32 = arith.constant 0 : i32
    %c0_i32_1 = arith.constant 0 : i32
    return %add3A_0, %c0_i32 : i32, i32
  }
  func.func @transform_2(%arg0: i32) -> (i32, i32) {
    %c0_i32 = arith.constant 0 : i32
    %c0_i32_0 = arith.constant 0 : i32
    return %arg0, %c0_i32 : i32, i32
  }
  func.func @transform_3(%arg0: i32) -> (i32, i32) {
    %add3A = arith.constant 10 : i32
    %add3A_0 = arith.addi %arg0, %add3A : i32
    %c0_i32 = arith.constant 0 : i32
    %c0_i32_1 = arith.constant 0 : i32
    return %add3A_0, %c0_i32 : i32, i32
  }
  func.func @transform_4(%arg0: i32) -> (i32, i32) {
    %c0_i32 = arith.constant 0 : i32
    %c0_i32_0 = arith.constant 0 : i32
    return %arg0, %c0_i32 : i32, i32
  }
  func.func @transform_5(%arg0: i32) -> (i32, i32) {
    %add3A = arith.constant 10 : i32
    %add3A_0 = arith.addi %arg0, %add3A : i32
    %c0_i32 = arith.constant 0 : i32
    %c0_i32_1 = arith.constant 0 : i32
    return %add3A_0, %c0_i32 : i32, i32
  }
  func.func @transform_6(%arg0: i32) -> (i32, i32) {
    %c0_i32 = arith.constant 0 : i32
    %c0_i32_0 = arith.constant 0 : i32
    %c0_i32_1 = arith.constant 0 : i32
    return %c0_i32, %c0_i32_0 : i32, i32
  }
  func.func @transform_7(%arg0: i32) -> (i32, i32) {
    %c0_i32 = arith.constant 0 : i32
    %c0_i32_0 = arith.constant 0 : i32
    %c0_i32_1 = arith.constant 0 : i32
    return %c0_i32, %c0_i32_0 : i32, i32
  }
  func.func @transform_8(%arg0: i32) -> (i32, i32) {
    %c0_i32 = arith.constant 0 : i32
    %c0_i32_0 = arith.constant 0 : i32
    return %arg0, %c0_i32 : i32, i32
  }
}

</mosaic_0001>

<sc_bundles>
// kernel: kernel.12.cloned.1.call-start
scs
__scs_entry_jumppad:
0x0: {  	(pc) =	sbr.rel $0x88, $3  }
0x1: {  	(tag) =	ssettag $0x0;
	lr =	simm.s32 $0x1  }
0x2: {  	[smem:$0x3F9B] =	sst lr;
	_ =	strace $0xD0000000  }
0x3: {  	_ = 	snop  }
0x4: {  	_ = 	snop  }
0x5: {  	_ = 	snop  }
0x6: {  	_ = 	snop  }
0x7: {  	_ = 	snop  }
__scs_overlays_trampoline_lowered:
0x8: {  	[smem:$0x3FAA] =	sst s0  }
0x9: {  	[smem:$0x3FAB] =	sst s1  }
0xa: {  	[smem:$0x3FAC] =	sst s2  }
0xb: {  	[smem:$0x3FAD] =	sst s3  }
0xc: {  	[smem:$0x3FAE] =	sst s4  }
0xd: {  	[smem:$0x3FAF] =	sst s5  }
0xe: {  	[smem:$0x3FB0] =	sst s6  }
0xf: {  	[smem:$0x3FB1] =	sst s7  }
0x10: {  	[smem:$0x3FB2] =	sst s8  }
0x11: {  	[smem:$0x3FB3] =	sst s9;
	s0 =	simm.s32 @!p0 $0x0  }
0x12: {  	s1 =	sld [smem:$0x3F99];
	s0 =	simm.s32 @p0 $0x1  }
0x13: {  	[smem:$0x3FB4] =	sst s0;
	s0 =	simm.s32 @!p1 $0x0  }
0x14: {  	s2 =	sld [smem:$0x3F98];
	s0 =	simm.s32 @p1 $0x1  }
0x15: {  	[smem:$0x3FB5] =	sst s0;
	s0 =	simm.s32 @!p2 $0x0  }
0x16: {  	s3 =	sld [smem:$0x3FDB];
	s0 =	simm.s32 @p2 $0x1  }
0x17: {  	s4 =	simm.s32 $0x1BF5;
	[smem:$0x3FB7] =	sst s0  }
0x18: {  	s0 =	sld [smem:$0x3F9A];
	_ =	swait.ge [sflag:s4], $0x0  }
0x19: {  	s7 =	sld [smem:$0x3F9B]  }
0x1a: {  	s8 =	sadd.s32 $0xFFFFE003, lr  }
0x1b: {  	s9 =	sadd.s32 $0xFFFFFEF7, lr;
	s5 =	simm.s32 $0xFFFFFFFF;
	p2 =	slt.u32 s8, $0xFFFFF086  }
0x1c: {  	p1 =	slt.u32 s9, $0xF7A;
	s5 =	simm.s32 @!p2 $0x0  }
0x1d: {  	s5 =	simm.s32 @p1 $0x1;
	p0 =	seq.s32 s7, s2  }
0x1e: {  	s7 =	smul.u32 @!p0 $0xF7A, s2;
	p2 =	seq.s32 @!p0 s5, $0x0  }
0x1f: {  	s9 =	smul.u32 $0xF7A, s1;
	s8 =	simm.s32 @!p0 $0x1BF5;
	p2 =	por !p2, p0  }
0x20: {  	[sflag:s8] =	ssyncset.s32 @!p0 $0xFFFFF086;
	s6 =	sadd.s32 @!p0 s3, s7;
	s7 =	simm.s32 @!p0 $0x108  }
0x21: {  	s3 =	sadd.s32 s3, s9;
	s6 =	sadd.s32 @!p0 $0x88, s6;
	s7 =	simm.s32 @p2 $0x1082  }
0x22: {  	[simem:s7], [sflag:s8] =	dma.local @!p0 [hbm:s6], $0xF7A  }
0x23: {  	s9 =	sor.u32 $0xD0000000, s2;
	s6 =	simm.s32 $0x108;
	_ =	swait.ge @!p0 [sflag:s8], $0x0  }
0x24: {  	s3 =	sadd.s32 $0x88, s3;
	s6 =	simm.s32 @!p1 $0x1082;
	[sflag:s4] =	ssyncset.s32 $0xFFFFF086  }
0x25: {  	[simem:s6], [sflag:s4] =	dma.local [hbm:s3], $0xF7A  }
0x26: {  	[smem:$0x3F9B] =	sst s1;
	(tag) =	ssettag s2;
	_ =	strace s9  }
0x27: {  	s1 =	sld [smem:$0x3FAB]  }
0x28: {  	s2 =	sld [smem:$0x3FAC]  }
0x29: {  	s4 =	sld [smem:$0x3FAE]  }
0x2a: {  	p0 =	seq.s32 s5, $0x0;
	s5 =	sld [smem:$0x3FAF]  }
0x2b: {  	s6 =	sld [smem:$0x3FB0]  }
0x2c: {  	s7 =	sld [smem:$0x3FB1]  }
0x2d: {  	s3 =	simm.s32 $0x108;
	s8 =	sld [smem:$0x3FB2]  }
0x2e: {  	s3 =	simm.s32 @!p0 $0x1082;
	s9 =	sld [smem:$0x3FB3]  }
0x2f: {  	lr =	sadd.s32 s0, s3;
	s0 =	sld [smem:$0x3FAA]  }
0x30: {  	s3 =	sld [smem:$0x3FAD]  }
0x31: {  	[smem:$0x3FB6] =	sst s10  }
0x32: {  	s10 =	sld [smem:$0x3FB4];
	_ =	sdelay $0x3  }
0x33: {  	p0 =	seq.s32 s10, $0x1;
	s10 =	sld [smem:$0x3FB6];
	_ =	sdelay $0x3  }
0x34: {  	[smem:$0x3FB6] =	sst s10  }
0x35: {  	s10 =	sld [smem:$0x3FB5];
	_ =	sdelay $0x3  }
0x36: {  	p1 =	seq.s32 s10, $0x1;
	s10 =	sld [smem:$0x3FB6];
	_ =	sdelay $0x3  }
0x37: {  	[smem:$0x3FB6] =	sst s10  }
0x38: {  	s10 =	sld [smem:$0x3FB7]  }
0x39: {  	_ = 	snop;
	(pc) =	sbr.ind lr, $3  }
0x3a: {  	_ = 	snop  }
0x3b: {  	_ = 	snop  }
0x3c: {  	p2 =	seq.s32 s10, $0x1;
	s10 =	sld [smem:$0x3FB6]  }
0x3d: {  	_ =	shalt  }
0x3e: {  	_ =	shalt  }
0x3f: {  	_ =	shalt  }
0x40: {  	_ =	shalt  }
0x41: {  	_ =	shalt  }
0x42: {  	_ =	shalt  }
0x43: {  	_ =	shalt  }
0x44: {  	_ =	shalt  }
0x45: {  	_ =	shalt  }
0x46: {  	_ =	shalt  }
0x47: {  	_ =	shalt  }
0x48: {  	_ =	shalt  }
0x49: {  	_ =	shalt  }
0x4a: {  	_ =	shalt  }
0x4b: {  	_ =	shalt  }
0x4c: {  	_ =	shalt  }
0x4d: {  	_ =	shalt  }
0x4e: {  	_ =	shalt  }
0x4f: {  	_ =	shalt  }
0x50: {  	_ =	shalt  }
0x51: {  	_ =	shalt  }
0x52: {  	_ =	shalt  }
0x53: {  	_ =	shalt  }
0x54: {  	_ =	shalt  }
0x55: {  	_ =	shalt  }
0x56: {  	_ =	shalt  }
0x57: {  	_ =	shalt  }
0x58: {  	_ =	shalt  }
0x59: {  	_ =	shalt  }
0x5a: {  	_ =	shalt  }
0x5b: {  	_ =	shalt  }
0x5c: {  	_ =	shalt  }
0x5d: {  	_ =	shalt  }
0x5e: {  	_ =	shalt  }
0x5f: {  	_ =	shalt  }
0x60: {  	_ =	shalt  }
0x61: {  	_ =	shalt  }
0x62: {  	_ =	shalt  }
0x63: {  	_ =	shalt  }
0x64: {  	_ =	shalt  }
0x65: {  	_ =	shalt  }
0x66: {  	_ =	shalt  }
0x67: {  	_ =	shalt  }
0x68: {  	_ =	shalt  }
0x69: {  	_ =	shalt  }
0x6a: {  	_ =	shalt  }
0x6b: {  	_ =	shalt  }
0x6c: {  	_ =	shalt  }
0x6d: {  	_ =	shalt  }
0x6e: {  	_ =	shalt  }
0x6f: {  	_ =	shalt  }
0x70: {  	_ =	shalt  }
0x71: {  	_ =	shalt  }
0x72: {  	_ =	shalt  }
0x73: {  	_ =	shalt  }
0x74: {  	_ =	shalt  }
0x75: {  	_ =	shalt  }
0x76: {  	_ =	shalt  }
0x77: {  	_ =	shalt  }
0x78: {  	_ =	shalt  }
0x79: {  	_ =	shalt  }
0x7a: {  	_ =	shalt  }
0x7b: {  	_ =	shalt  }
0x7c: {  	_ =	shalt  }
0x7d: {  	_ =	shalt  }
0x7e: {  	_ =	shalt  }
0x7f: {  	_ =	shalt  }
0x80: {  	_ =	shalt  }
0x81: {  	_ =	shalt  }
0x82: {  	_ =	shalt  }
0x83: {  	_ =	shalt  }
0x84: {  	_ =	shalt  }
0x85: {  	_ =	shalt  }
0x86: {  	_ =	shalt  }
0x87: {  	_ =	shalt  }
.Lfunc_end0:
.L_simem_size_0:
called_computation.1_lowered:
.L_overlay_start_0:
0x88: {  	s2 =	sld [smem:$0x3FD9]  }
0x89: {  	s3 =	sld [smem:$0x3FFE];
	_ =	sdelay $0x1  }
0x8a: {  	s1 =	srdreg.scid  }
0x8b: {  	s0 =	sand.u32 $0x1, s1  }
0x8c: {  	s17 =	sshll.u32 s0, $0xA;
	s2 =	sadd.s32 s3, s2  }
0x8d: {  	s2 =	sadd.s32 s2, s17  }
0x8e: {  	[smem:$0x3FC2] =	sst s2  }
0x8f: {  	_ = 	snop  }
0x90: {  	(tm) =	ssettm $0x1  }
0x91: {  	s18 =	sld [smem:$0x3FFB];
	_ =	sdelay $0x3  }
0x92: {  	_ =	strace s18  }
0x93: {  	s2 =	sld [smem:$0x3FFC];
	_ =	sdelay $0x3  }
0x94: {  	_ =	strace s2  }
0x95: {  	s2 =	sld [smem:$0x3FFD];
	_ =	sdelay $0x3  }
0x96: {  	_ =	strace s2  }
0x97: {  	_ =	strace $0x8FFFFFFF  }
0x98: {  	s19 =	sld [smem:$0x3FDB];
	_ =	sdelay $0x1  }
0x99: {  	s20 =	simm.s32 $_scs_section_size  }
0x9a: {  	s4 =	simm.s32 $_size__tile_overlayer_lowered;
	s5 =	simm.s32 $_tile_overlayer_lowered  }
0x9b: {  	s6 =	simm.s32 $0x1BFF;
	s21 =	sshll.u32 s5, $0x1;
	s3 =	sadd.s32 s20, s19  }
0x9c: {  	s22 =	simm.s32 $0x0;
	s4 =	sshll.u32 s4, $0x1;
	s5 =	sadd.s32 s21, s3  }
0x9d: {  	[timem:s22], [sflag:s6] =	dma.local [hbm:s5], s4  }
0x9e: {  	_ =	swait.ge [sflag:s6], s4  }
0x9f: {  	s4 =	ssub.s32 $0x0, s4;
	[sflag:s6] =	ssyncset.done $0x0  }
0xa0: {  	[sflag:s6] =	ssyncadd.s32 s4;
	_ =	sdelay $0x1  }
0xa1: {  	s23 =	simm.s32 $0x1B8B  }
0xa2: {  	_ =	swait.ge [sflag:s23], $0x1  }
0xa3: {  	[sflag:s23] =	ssyncset.done $0x0  }
0xa4: {  	[sflag:s23] =	ssyncadd.s32 $0xFFFFFFFF  }
0xa5: {  	s4 =	sld [smem:$0x0]  }
0xa6: {  	s5 =	sand.u32 $0xFFFFFFFE, s1  }
0xa7: {  	p0 =	sne.s32 s1, s5  }
0xa8: {  	s5 =	sshll.u32 @p0 s5, $0xE  }
0xa9: {  	s5 =	sadd.s32 @p0 $0x11B8D, s5;
	s6 =	sshll.u32 @p0 s4, $0x11  }
0xaa: {  	s5 =	sor.u32 @p0 s6, s5  }
0xab: {  	[sflag:s5] =	ssyncadd.remote.s32 @p0 $0x1;
	_ =	sdelay $0x1  }
0xac: {  	s5 =	simm.s32 @p0 $0x1B8D  }
0xad: {  	_ =	swait.eq @p0 [sflag:s5], $0x1  }
0xae: {  	[sflag:s5] =	ssyncadd.s32 @p0 $0xFFFFFFFF  }
0xaf: {  	s6 =	sshll.u32 @!p0 s1, $0xE  }
0xb0: {  	s6 =	sor.u32 @!p0 $0x4000, s6;
	s5 =	simm.s32 @!p0 $0x1B8D  }
0xb1: {  	s4 =	sshll.u32 @!p0 s4, $0x11;
	s6 =	sadd.s32 @!p0 $0x11B8D, s6;
	_ =	swait.eq @!p0 [sflag:s5], $0x1  }
0xb2: {  	s4 =	sor.u32 @!p0 s4, s6;
	[sflag:s5] =	ssyncadd.s32 @!p0 $0xFFFFFFFF  }
0xb3: {  	s25 =	simm.s32 $0x1B8E;
	s24 =	sld [smem:$0x3FFE];
	[sflag:s4] =	ssyncadd.remote.s32 @!p0 $0x1  }
0xb4: {  	s26 =	simm.s32 $execute0_lowered;
	[smem:$0x3FD2] =	sst s25  }
0xb5: {  	s5 =	sshll.u32 s26, $0x1;
	_ =	strace $0x80000049;
	[dreg:$0x1] =	wrdreg $0xFFFFFFFF  }
0xb6: {  	s28 =	simm.s32 $_size_execute0_lowered;
	s3 =	sadd.s32 s3, s5;
	[dreg:$0x0] =	wrdreg $0x0  }
0xb7: {  	s5 =	sshll.u32 s28, $0x1;
	[dreg:$0x2] =	wrdreg s3  }
0xb8: {  	[dreg:$0x3] =	wrdreg s5  }
0xb9: {  	[dreg:$0x4] =	wrdreg $0xC0  }
0xba: {  	_ =	task [dreg:s22], $0x5FFFF  }
0xbb: {  	[dreg:$0x1] =	wrdreg $0xFFFFFFFF  }
0xbc: {  	[dreg:$0x0] =	wrdreg $0x60  }
0xbd: {  	[dreg:$0x2] =	wrdreg s24  }
0xbe: {  	[dreg:$0x3] =	wrdreg $0x40800  }
0xbf: {  	[dreg:$0x4] =	wrdreg $0x9  }
0xc0: {  	_ =	task.clear_ibuf [dreg:s22], $0x5FFFF;
	_ =	strace $0x90000049  }
0xc1: {  	s29 =	simm.s32 $0x9;
	_ =	strace $0x8000004B  }
0xc2: {  	_ =	swait.ge [sflag:s29], $0x1  }
0xc3: {  	[sflag:s29] =	ssyncadd.s32 $0xFFFFFFFF  }
0xc4: {  	_ =	strace $0x9000004B  }
0xc5: {  	_ =	sfence  }
0xc6: {  	s30 =	sld [smem:$0x0];
	_ =	sdelay $0x2  }
0xc7: {  	s31 =	sshll.u32 s1, $0xD;
	s1 =	sshrl.u32 s1, $0x2  }
0xc8: {  	s4 =	sand.u32 $0x4000, s31;
	s1 =	sadd.s32 s1, s30  }
0xc9: {  	s0 =	sor.u32 s4, s0;
	s1 =	sshll.u32 s1, $0x11  }
0xca: {  	s0 =	sor.u32 s1, s0  }
0xcb: {  	s0 =	sadd.s32 $0x8F2B, s0  }
0xcc: {  	[sflag:s0] =	ssyncadd.remote.s32 $0x1  }
0xcd: {  	_ =	sfence.sel $0xFFFF  }
0xce: {  	[dreg:$0x0] =	wrdreg $0xFFFFFFFF;
	(pc) =	sbr.abs _section_cstart, $3  }
0xcf: {  	[dreg:$0x1] =	wrdreg $0xFFFFFFFF  }
0xd0: {  	_ =	task.clear_ibuf [dreg:s22], $0x2FFFF;
	_ =	strace $0x9FFFFFFF  }
0xd1: {  	(tm) =	ssettm $0x7FFFFFFF  }
tec
execute0_lowered:
.L_overlay_start_1:
0x0: {  	(tag) =	ssettag $0x1  }
0x1: {  	s4 =	rddreg [dreg:$0x0]  }
0x2: {  	s0 =	stileid.u32;
	s1 =	srdreg.scid  }
0x3: {  	s2 =	rddreg [dreg:$0x1];
	s3 =	simm.s32 $0x0;
	s5 =	smul.u32 $0xA00, s0  }
0x4: {  	s6 =	sand.u32 $0x1, s1;
	s7 =	smul.u32 $0x2800, s0;
	s1 =	rddreg [dreg:$0x2]  }
0x5: {  	s16 =	simm.s32 $0x0;
	[smem:$0x7FF] =	sst s3;
	s9 =	smul.u32 $0x50000, s0  }
0x6: {  	s14 =	sshll.u32 s0, $0x6;
	s8 =	smul.u32 $0x28000, s6;
	_ =	strace $0x8000004A  }
0x7: {  	s28 =	ssub.s32 $0x2, s6;
	s31 =	smul.u32 $0x500, s6;
	s14 =	sor.u32 $0x1C01, s14  }
0x8: {  	s10 =	sadd.s32 s5, s4;
	s29 =	sshrl.u32 s9, $0x2;
	s30 =	sshrl.u32 s28, $0x1  }
0x9: {  	s26 =	sadd.s32 s7, s8;
	s12 =	ssub.s32 s28, s30;
	s13 =	sadd.s32 s31, s10  }
0xa: {  	s11 =	sadd.s32 s26, s4;
	s4 =	sadd.s32 s29, s2;
	s10 =	smax.u32 s12, $0x1  }
0xb: {  	s12 =	simm.s32 $0x80;
	s5 =	sadd.s32 $0x4000, s4;
	s6 =	sadd.s32 $0x8000, s4  }
0xc: {  	s7 =	sadd.s32 $0xC000, s4;
	s8 =	sadd.s32 $0x10000, s4;
	s9 =	sadd.s32 $0x5C200, s11  }
0xd: {  	v0 =	vimm.f32 $0.0e+00;
	v1 =	vimm.f32 $1.000000000e+00;
	s11 =	sadd.s32 $0x52200, s13;
	s13 =	simm.s32 $0x1;
	s15 =	sshrl.u32 s4, $0x3  }
.LBB2_1:
0xe: {  	s17 =	sand.u32 $0xFE00, s3  }
0xf: {  	s18 =	sand.u32 $0x70, s3;
	s19 =	sshrl.u32 s17, $0x2  }
0x10: {  	s17 =	simm.s32 $0x40;
	s19 =	sor.u32 s18, s19;
	s18 =	simm.s32 $0x0  }
.LBB2_2:
0x11: {  	p0 =	sne.s32 s17, $0xFFC0  }
0x12: {  	[tilespmem:s19+$0x80] =	vst v0;
	s18 =	sadd.s32 $0x10, s18;
	s19 =	smov.u32 s17;
	s17 =	sadd.s32 $0x40, s17  }
.Ltmp0:
0x13: {  	(pc) =	sbr.rel @p0 .LBB2_2-.Ltmp0, $4  }
0x14: {  	_ = 	snop  }
0x15: {  	s19 =	sand.u32 $0xFE00, s19  }
0x16: {  	s20 =	sand.u32 $0x70, s18;
	s19 =	sshrl.u32 s19, $0x2  }
0x17: {  	s19 =	sor.u32 s20, s19  }
0x18: {  	[tilespmem:s19+$0x80] =	vst v0  }
0x19: {  	[spmem:s4] =	stream.linear.scatter [tilespmem:s12], [sflag:$0x1], $0x4000, $0x38;
	[tilespmem:$0x18080] =	vst v63  }
0x1a: {  	_ =	swait.ge [sflag:s13], $0x4000  }
0x1b: {  	[sflag:s13] =	ssyncset.done $0x0  }
0x1c: {  	[sflag:s13] =	ssyncadd.s32 $0xFFFFC000  }
0x1d: {  	[spmem:s5] =	stream.linear.scatter [tilespmem:s12], [sflag:$0x1], $0x4000, $0x38;
	[tilespmem:$0x18080] =	vst v63  }
0x1e: {  	_ =	swait.ge [sflag:s13], $0x4000  }
0x1f: {  	[sflag:s13] =	ssyncset.done $0x0  }
0x20: {  	[sflag:s13] =	ssyncadd.s32 $0xFFFFC000  }
0x21: {  	[spmem:s6] =	stream.linear.scatter [tilespmem:s12], [sflag:$0x1], $0x4000, $0x38;
	[tilespmem:$0x18080] =	vst v63  }
0x22: {  	_ =	swait.ge [sflag:s13], $0x4000  }
0x23: {  	[sflag:s13] =	ssyncset.done $0x0  }
0x24: {  	[sflag:s13] =	ssyncadd.s32 $0xFFFFC000  }
0x25: {  	[spmem:s7] =	stream.linear.scatter [tilespmem:s12], [sflag:$0x1], $0x4000, $0x38;
	[tilespmem:$0x18080] =	vst v63  }
0x26: {  	_ =	swait.ge [sflag:s13], $0x4000  }
0x27: {  	[sflag:s13] =	ssyncset.done $0x0  }
0x28: {  	s17 =	simm.s32 $0x0;
	[sflag:s13] =	ssyncadd.s32 $0xFFFFC000  }
0x29: {  	[spmem:s8] =	stream.linear.scatter [tilespmem:s12], [sflag:$0x1], $0x4000, $0x38;
	[tilespmem:$0x18080] =	vst v63  }
0x2a: {  	s18 =	sand.u32 $0xFE00, s17;
	_ =	swait.ge [sflag:s13], $0x4000  }
0x2b: {  	s31 =	sand.u32 $0x70, s17;
	s20 =	sshrl.u32 s18, $0x2;
	[sflag:s13] =	ssyncset.done $0x0  }
0x2c: {  	s18 =	simm.s32 $0x40;
	s19 =	sor.u32 s31, s20;
	[sflag:s13] =	ssyncadd.s32 $0xFFFFC000  }
.LBB2_4:
0x2d: {  	p0 =	sne.s32 s18, $0xFFC0  }
0x2e: {  	[tilespmem:s19+$0x80] =	vst v1;
	s17 =	sadd.s32 $0x10, s17;
	s19 =	smov.u32 s18;
	s18 =	sadd.s32 $0x40, s18  }
.Ltmp1:
0x2f: {  	(pc) =	sbr.rel @p0 .LBB2_4-.Ltmp1, $4  }
0x30: {  	_ = 	snop  }
0x31: {  	s19 =	sand.u32 $0xFE00, s19  }
0x32: {  	s20 =	sand.u32 $0x70, s17;
	s19 =	sshrl.u32 s19, $0x2  }
0x33: {  	s19 =	sor.u32 s20, s19  }
0x34: {  	[tilespmem:s19+$0x80] =	vst v1  }
0x35: {  	s17 =	sadd.s32 $0x0, s11;
	[bflag:$0x0] =	sbarrier.arrive $0xFFFF  }
0x36: {  	[tilespmem:s3], [sflag:$0x1] =	stream.linear.gather [hbm4b:s17+s3], $0x80, $0x38;
	[tilespmem:$0x18080] =	vst v63  }
0x37: {  	_ =	swait.ge [sflag:s13], $0x80  }
0x38: {  	[sflag:s13] =	ssyncset.done $0x0  }
0x39: {  	[sflag:s13] =	ssyncadd.s32 $0xFFFFFF80  }
0x3a: {  	[spmem:s2] =	stream.indirect.scatter.add.f32 [tilespmem:s12], [sflag:$0x1], $0x80, s3, s12, $0xb8;
	[tilespmem:$0x18080] =	vst v63  }
0x3b: {  	_ =	swait.ge [sflag:s13], $0x4000  }
0x3c: {  	s18 =	simm.s32 $0x20;
	s17 =	simm.s32 $0x10;
	[sflag:s13] =	ssyncset.done $0x0  }
.LBB2_6:
0x3d: {  	s19 =	sadd.s32 s17, s11  }
0x3e: {  	[sflag:s13] =	ssyncadd.s32 $0xFFFFC000;
	s17 =	smov.u32 s18;
	s20 =	sadd.s32 $0x10, s18  }
0x3f: {  	[tilespmem:s3], [sflag:$0x1] =	stream.linear.gather [hbm4b:s19+s3], $0x80, $0x38;
	[tilespmem:$0x18080] =	vst v63  }
0x40: {  	p0 =	sne.s32 s18, $0x4F0;
	_ =	swait.ge [sflag:s13], $0x80  }
.Ltmp2:
0x41: {  	[sflag:s13] =	ssyncset.done $0x0;
	(pc) =	sbr.rel @p0 .LBB2_6-.Ltmp2, $4  }
0x42: {  	[sflag:s13] =	ssyncadd.s32 $0xFFFFFF80  }
0x43: {  	[spmem:s2] =	stream.indirect.scatter.add.f32 [tilespmem:s12], [sflag:$0x1], $0x80, s3, s12, $0xb8;
	[tilespmem:$0x18080] =	vst v63  }
0x44: {  	_ =	swait.ge [sflag:s13], $0x4000  }
0x45: {  	s18 =	smov.u32 s20;
	[sflag:s13] =	ssyncset.done $0x0  }
0x46: {  	s17 =	sadd.s32 s17, s11;
	[sflag:s13] =	ssyncadd.s32 $0xFFFFC000  }
0x47: {  	[tilespmem:s3], [sflag:$0x1] =	stream.linear.gather [hbm4b:s17+s3], $0x80, $0x38;
	[tilespmem:$0x18080] =	vst v63  }
0x48: {  	_ =	swait.ge [sflag:s13], $0x80  }
0x49: {  	[sflag:s13] =	ssyncset.done $0x0  }
0x4a: {  	[sflag:s13] =	ssyncadd.s32 $0xFFFFFF80  }
0x4b: {  	[spmem:s2] =	stream.indirect.scatter.add.f32 [tilespmem:s12], [sflag:$0x1], $0x80, s3, s12, $0xb8;
	[tilespmem:$0x18080] =	vst v63  }
0x4c: {  	_ =	swait.ge [sflag:s13], $0x4000  }
0x4d: {  	s16 =	sadd.s32 $0x1, s16;
	[sflag:s13] =	ssyncset.done $0x0  }
0x4e: {  	p0 =	sne.s32 s16, s10;
	[sflag:s13] =	ssyncadd.s32 $0xFFFFC000  }
.Ltmp3:
0x4f: {  	[bflag:$0x0] =	sbarrier.arrive $0xFFFF;
	(pc) =	sbr.rel @p0 .LBB2_1-.Ltmp3, $4  }
0x50: {  	[hbm:s9], [sflag:s14] =	dma.local [spmem:s15], $0x2800  }
0x51: {  	_ =	swait.ge [sflag:s13], $0x2800  }
0x52: {  	[sflag:s13] =	ssyncset.done $0x0  }
0x53: {  	[sflag:s13] =	ssyncadd.s32 $0xFFFFD800  }
0x54: {  	_ =	sfence.sel $0x180000  }
0x55: {  	[bflag:$0x0] =	sbarrier.arrive $0xFFFF  }
0x56: {  	p0 =	sne.s32 s0, $0x0;
	_ =	strace $0x9000004A  }
0x57: {  	s0 =	sadd.s32 @!p0 $0x100000, s1;
	[bflag:$0x2] =	sbarrier.arrive $0xFFFF  }
0x58: {  	[sflag:s0] =	ssyncadd.tile.s32 @!p0 $0x1;
	_ =	shalt  }
.Lfunc_end2:
_tile_overlayer_lowered:
.L_overlay_start_2:
0x59: {  	(tag) =	ssettag $0x2  }
0x5a: {  	s0 =	rddreg [dreg:$0x0];
	s2 =	stileid.u32  }
0x5b: {  	s1 =	rddreg [dreg:$0x1];
	p0 =	sne.s32 s2, $0x0  }
0x5c: {  	s3 =	rddreg [dreg:$0x2];
	[bflag:$0x3] =	sbarrier.arrive $0xFFFF;
	s2 =	simm.s32 @!p0 $0x1C01  }
0x5d: {  	[timem:s3], [sflag:s2] =	dma.local @!p0 [hbm:s0], s1  }
0x5e: {  	s0 =	simm.s32 @!p0 $0x1  }
0x5f: {  	_ =	swait.ge @!p0 [sflag:s0], s1  }
0x60: {  	s1 =	ssub.s32 @!p0 $0x0, s1;
	[sflag:s0] =	ssyncset.done @!p0 $0x0  }
0x61: {  	[sflag:s0] =	ssyncadd.s32 @!p0 s1  }
0x62: {  	[bflag:$0x3] =	sbarrier.arrive $0xFFFF  }
0x63: {  	_ =	shalt  }

// kernel: kernel.15.cloned.1.call-start
scs
__scs_entry_jumppad:
0x0: {  	(pc) =	sbr.rel $0x88, $3  }
0x1: {  	(tag) =	ssettag $0x0;
	lr =	simm.s32 $0x1  }
0x2: {  	[smem:$0x3F9B] =	sst lr;
	_ =	strace $0xD0000000  }
0x3: {  	_ = 	snop  }
0x4: {  	_ = 	snop  }
0x5: {  	_ = 	snop  }
0x6: {  	_ = 	snop  }
0x7: {  	_ = 	snop  }
__scs_overlays_trampoline_lowered:
0x8: {  	[smem:$0x3FAA] =	sst s0  }
0x9: {  	[smem:$0x3FAB] =	sst s1  }
0xa: {  	[smem:$0x3FAC] =	sst s2  }
0xb: {  	[smem:$0x3FAD] =	sst s3  }
0xc: {  	[smem:$0x3FAE] =	sst s4  }
0xd: {  	[smem:$0x3FAF] =	sst s5  }
0xe: {  	[smem:$0x3FB0] =	sst s6  }
0xf: {  	[smem:$0x3FB1] =	sst s7  }
0x10: {  	[smem:$0x3FB2] =	sst s8  }
0x11: {  	[smem:$0x3FB3] =	sst s9;
	s0 =	simm.s32 @!p0 $0x0  }
0x12: {  	s1 =	sld [smem:$0x3F99];
	s0 =	simm.s32 @p0 $0x1  }
0x13: {  	[smem:$0x3FB4] =	sst s0;
	s0 =	simm.s32 @!p1 $0x0  }
0x14: {  	s2 =	sld [smem:$0x3F98];
	s0 =	simm.s32 @p1 $0x1  }
0x15: {  	[smem:$0x3FB5] =	sst s0;
	s0 =	simm.s32 @!p2 $0x0  }
0x16: {  	s3 =	sld [smem:$0x3FDB];
	s0 =	simm.s32 @p2 $0x1  }
0x17: {  	s4 =	simm.s32 $0x1BF5;
	[smem:$0x3FB7] =	sst s0  }
0x18: {  	s0 =	sld [smem:$0x3F9A];
	_ =	swait.ge [sflag:s4], $0x0  }
0x19: {  	s7 =	sld [smem:$0x3F9B]  }
0x1a: {  	s8 =	sadd.s32 $0xFFFFE003, lr  }
0x1b: {  	s9 =	sadd.s32 $0xFFFFFEF7, lr;
	s5 =	simm.s32 $0xFFFFFFFF;
	p2 =	slt.u32 s8, $0xFFFFF086  }
0x1c: {  	p1 =	slt.u32 s9, $0xF7A;
	s5 =	simm.s32 @!p2 $0x0  }
0x1d: {  	s5 =	simm.s32 @p1 $0x1;
	p0 =	seq.s32 s7, s2  }
0x1e: {  	s7 =	smul.u32 @!p0 $0xF7A, s2;
	p2 =	seq.s32 @!p0 s5, $0x0  }
0x1f: {  	s9 =	smul.u32 $0xF7A, s1;
	s8 =	simm.s32 @!p0 $0x1BF5;
	p2 =	por !p2, p0  }
0x20: {  	[sflag:s8] =	ssyncset.s32 @!p0 $0xFFFFF086;
	s6 =	sadd.s32 @!p0 s3, s7;
	s7 =	simm.s32 @!p0 $0x108  }
0x21: {  	s3 =	sadd.s32 s3, s9;
	s6 =	sadd.s32 @!p0 $0x88, s6;
	s7 =	simm.s32 @p2 $0x1082  }
0x22: {  	[simem:s7], [sflag:s8] =	dma.local @!p0 [hbm:s6], $0xF7A  }
0x23: {  	s9 =	sor.u32 $0xD0000000, s2;
	s6 =	simm.s32 $0x108;
	_ =	swait.ge @!p0 [sflag:s8], $0x0  }
0x24: {  	s3 =	sadd.s32 $0x88, s3;
	s6 =	simm.s32 @!p1 $0x1082;
	[sflag:s4] =	ssyncset.s32 $0xFFFFF086  }
0x25: {  	[simem:s6], [sflag:s4] =	dma.local [hbm:s3], $0xF7A  }
0x26: {  	[smem:$0x3F9B] =	sst s1;
	(tag) =	ssettag s2;
	_ =	strace s9  }
0x27: {  	s1 =	sld [smem:$0x3FAB]  }
0x28: {  	s2 =	sld [smem:$0x3FAC]  }
0x29: {  	s4 =	sld [smem:$0x3FAE]  }
0x2a: {  	p0 =	seq.s32 s5, $0x0;
	s5 =	sld [smem:$0x3FAF]  }
0x2b: {  	s6 =	sld [smem:$0x3FB0]  }
0x2c: {  	s7 =	sld [smem:$0x3FB1]  }
0x2d: {  	s3 =	simm.s32 $0x108;
	s8 =	sld [smem:$0x3FB2]  }
0x2e: {  	s3 =	simm.s32 @!p0 $0x1082;
	s9 =	sld [smem:$0x3FB3]  }
0x2f: {  	lr =	sadd.s32 s0, s3;
	s0 =	sld [smem:$0x3FAA]  }
0x30: {  	s3 =	sld [smem:$0x3FAD]  }
0x31: {  	[smem:$0x3FB6] =	sst s10  }
0x32: {  	s10 =	sld [smem:$0x3FB4];
	_ =	sdelay $0x3  }
0x33: {  	p0 =	seq.s32 s10, $0x1;
	s10 =	sld [smem:$0x3FB6];
	_ =	sdelay $0x3  }
0x34: {  	[smem:$0x3FB6] =	sst s10  }
0x35: {  	s10 =	sld [smem:$0x3FB5];
	_ =	sdelay $0x3  }
0x36: {  	p1 =	seq.s32 s10, $0x1;
	s10 =	sld [smem:$0x3FB6];
	_ =	sdelay $0x3  }
0x37: {  	[smem:$0x3FB6] =	sst s10  }
0x38: {  	s10 =	sld [smem:$0x3FB7]  }
0x39: {  	_ = 	snop;
	(pc) =	sbr.ind lr, $3  }
0x3a: {  	_ = 	snop  }
0x3b: {  	_ = 	snop  }
0x3c: {  	p2 =	seq.s32 s10, $0x1;
	s10 =	sld [smem:$0x3FB6]  }
0x3d: {  	_ =	shalt  }
0x3e: {  	_ =	shalt  }
0x3f: {  	_ =	shalt  }
0x40: {  	_ =	shalt  }
0x41: {  	_ =	shalt  }
0x42: {  	_ =	shalt  }
0x43: {  	_ =	shalt  }
0x44: {  	_ =	shalt  }
0x45: {  	_ =	shalt  }
0x46: {  	_ =	shalt  }
0x47: {  	_ =	shalt  }
0x48: {  	_ =	shalt  }
0x49: {  	_ =	shalt  }
0x4a: {  	_ =	shalt  }
0x4b: {  	_ =	shalt  }
0x4c: {  	_ =	shalt  }
0x4d: {  	_ =	shalt  }
0x4e: {  	_ =	shalt  }
0x4f: {  	_ =	shalt  }
0x50: {  	_ =	shalt  }
0x51: {  	_ =	shalt  }
0x52: {  	_ =	shalt  }
0x53: {  	_ =	shalt  }
0x54: {  	_ =	shalt  }
0x55: {  	_ =	shalt  }
0x56: {  	_ =	shalt  }
0x57: {  	_ =	shalt  }
0x58: {  	_ =	shalt  }
0x59: {  	_ =	shalt  }
0x5a: {  	_ =	shalt  }
0x5b: {  	_ =	shalt  }
0x5c: {  	_ =	shalt  }
0x5d: {  	_ =	shalt  }
0x5e: {  	_ =	shalt  }
0x5f: {  	_ =	shalt  }
0x60: {  	_ =	shalt  }
0x61: {  	_ =	shalt  }
0x62: {  	_ =	shalt  }
0x63: {  	_ =	shalt  }
0x64: {  	_ =	shalt  }
0x65: {  	_ =	shalt  }
0x66: {  	_ =	shalt  }
0x67: {  	_ =	shalt  }
0x68: {  	_ =	shalt  }
0x69: {  	_ =	shalt  }
0x6a: {  	_ =	shalt  }
0x6b: {  	_ =	shalt  }
0x6c: {  	_ =	shalt  }
0x6d: {  	_ =	shalt  }
0x6e: {  	_ =	shalt  }
0x6f: {  	_ =	shalt  }
0x70: {  	_ =	shalt  }
0x71: {  	_ =	shalt  }
0x72: {  	_ =	shalt  }
0x73: {  	_ =	shalt  }
0x74: {  	_ =	shalt  }
0x75: {  	_ =	shalt  }
0x76: {  	_ =	shalt  }
0x77: {  	_ =	shalt  }
0x78: {  	_ =	shalt  }
0x79: {  	_ =	shalt  }
0x7a: {  	_ =	shalt  }
0x7b: {  	_ =	shalt  }
0x7c: {  	_ =	shalt  }
0x7d: {  	_ =	shalt  }
0x7e: {  	_ =	shalt  }
0x7f: {  	_ =	shalt  }
0x80: {  	_ =	shalt  }
0x81: {  	_ =	shalt  }
0x82: {  	_ =	shalt  }
0x83: {  	_ =	shalt  }
0x84: {  	_ =	shalt  }
0x85: {  	_ =	shalt  }
0x86: {  	_ =	shalt  }
0x87: {  	_ =	shalt  }
.Lfunc_end0:
.L_simem_size_0:
called_computation.2_lowered:
.L_overlay_start_0:
0x88: {  	s2 =	sld [smem:$0x3FD9]  }
0x89: {  	s3 =	sld [smem:$0x3FFE];
	_ =	sdelay $0x1  }
0x8a: {  	s1 =	srdreg.scid  }
0x8b: {  	s0 =	sand.u32 $0x1, s1  }
0x8c: {  	s17 =	sshll.u32 s0, $0xA;
	s2 =	sadd.s32 s3, s2  }
0x8d: {  	s2 =	sadd.s32 s2, s17  }
0x8e: {  	[smem:$0x3FC2] =	sst s2  }
0x8f: {  	_ = 	snop  }
0x90: {  	s18 =	sld [smem:$0x3FD0];
	(tm) =	ssettm $0x1  }
0x91: {  	s19 =	sld [smem:$0x3FFB];
	_ =	sdelay $0x3  }
0x92: {  	_ =	strace s19  }
0x93: {  	s2 =	sld [smem:$0x3FFC];
	_ =	sdelay $0x3  }
0x94: {  	_ =	strace s2  }
0x95: {  	s2 =	sld [smem:$0x3FFD];
	_ =	sdelay $0x3  }
0x96: {  	_ =	strace s2  }
0x97: {  	_ =	strace $0x8FFFFFFF  }
0x98: {  	s20 =	sld [smem:$0x3FDB];
	_ =	sdelay $0x1  }
0x99: {  	s4 =	simm.s32 $_scs_section_size  }
0x9a: {  	s5 =	simm.s32 $_size__tile_overlayer_lowered;
	s6 =	simm.s32 $_tile_overlayer_lowered  }
0x9b: {  	s7 =	simm.s32 $0x1BFF;
	s21 =	sshll.u32 s6, $0x1;
	s4 =	sadd.s32 s4, s20  }
0x9c: {  	s22 =	simm.s32 $0x0;
	s5 =	sshll.u32 s5, $0x1;
	s6 =	sadd.s32 s21, s4  }
0x9d: {  	[timem:s22], [sflag:s7] =	dma.local [hbm:s6], s5  }
0x9e: {  	_ =	swait.ge [sflag:s7], s5  }
0x9f: {  	s5 =	ssub.s32 $0x0, s5;
	[sflag:s7] =	ssyncset.done $0x0  }
0xa0: {  	[sflag:s7] =	ssyncadd.s32 s5;
	_ =	sdelay $0x1  }
0xa1: {  	s23 =	simm.s32 $0x1B8B  }
0xa2: {  	_ =	swait.ge [sflag:s23], $0x1  }
0xa3: {  	[sflag:s23] =	ssyncset.done $0x0  }
0xa4: {  	[sflag:s23] =	ssyncadd.s32 $0xFFFFFFFF  }
0xa5: {  	s5 =	sld [smem:$0x0]  }
0xa6: {  	s6 =	sand.u32 $0xFFFFFFFE, s1  }
0xa7: {  	p0 =	sne.s32 s1, s6  }
0xa8: {  	s6 =	sshll.u32 @p0 s6, $0xE  }
0xa9: {  	s6 =	sadd.s32 @p0 $0x11B8D, s6;
	s7 =	sshll.u32 @p0 s5, $0x11  }
0xaa: {  	s6 =	sor.u32 @p0 s7, s6  }
0xab: {  	[sflag:s6] =	ssyncadd.remote.s32 @p0 $0x1;
	_ =	sdelay $0x1  }
0xac: {  	s6 =	simm.s32 @p0 $0x1B8D  }
0xad: {  	_ =	swait.eq @p0 [sflag:s6], $0x1  }
0xae: {  	[sflag:s6] =	ssyncadd.s32 @p0 $0xFFFFFFFF  }
0xaf: {  	s7 =	sshll.u32 @!p0 s1, $0xE  }
0xb0: {  	s7 =	sor.u32 @!p0 $0x4000, s7;
	s6 =	simm.s32 @!p0 $0x1B8D  }
0xb1: {  	s5 =	sshll.u32 @!p0 s5, $0x11;
	s7 =	sadd.s32 @!p0 $0x11B8D, s7;
	_ =	swait.eq @!p0 [sflag:s6], $0x1  }
0xb2: {  	s5 =	sor.u32 @!p0 s5, s7;
	[sflag:s6] =	ssyncadd.s32 @!p0 $0xFFFFFFFF  }
0xb3: {  	s25 =	simm.s32 $0x1B8E;
	s24 =	sld [smem:$0x3FFE];
	[sflag:s5] =	ssyncadd.remote.s32 @!p0 $0x1  }
0xb4: {  	s26 =	simm.s32 $execute0_lowered;
	[smem:$0x3FD2] =	sst s25  }
0xb5: {  	s6 =	sshll.u32 s26, $0x1;
	_ =	strace $0x8000004C;
	[dreg:$0x1] =	wrdreg $0xFFFFFFFF  }
0xb6: {  	s28 =	simm.s32 $_size_execute0_lowered;
	s4 =	sadd.s32 s4, s6;
	[dreg:$0x0] =	wrdreg $0x0  }
0xb7: {  	s6 =	sshll.u32 s28, $0x1;
	[dreg:$0x2] =	wrdreg s4  }
0xb8: {  	[dreg:$0x3] =	wrdreg s6  }
0xb9: {  	[dreg:$0x4] =	wrdreg $0xC0  }
0xba: {  	_ =	task [dreg:s22], $0x5FFFF  }
0xbb: {  	[dreg:$0x1] =	wrdreg $0xFFFFFFFF  }
0xbc: {  	[dreg:$0x0] =	wrdreg $0x60  }
0xbd: {  	[dreg:$0x2] =	wrdreg s24  }
0xbe: {  	[dreg:$0x3] =	wrdreg s18  }
0xbf: {  	[dreg:$0x4] =	wrdreg $0x81800  }
0xc0: {  	[dreg:$0x5] =	wrdreg $0xA  }
0xc1: {  	_ =	task.clear_ibuf [dreg:s22], $0x6FFFF;
	_ =	strace $0x9000004C  }
0xc2: {  	s29 =	simm.s32 $0xA;
	_ =	strace $0x8000004E  }
0xc3: {  	_ =	swait.ge [sflag:s29], $0x1  }
0xc4: {  	[sflag:s29] =	ssyncadd.s32 $0xFFFFFFFF  }
0xc5: {  	_ =	strace $0x9000004E  }
0xc6: {  	_ =	sfence  }
0xc7: {  	s30 =	sld [smem:$0x0];
	_ =	sdelay $0x2  }
0xc8: {  	s31 =	sshll.u32 s1, $0xD;
	s1 =	sshrl.u32 s1, $0x2  }
0xc9: {  	s4 =	sand.u32 $0x4000, s31;
	s1 =	sadd.s32 s1, s30  }
0xca: {  	s0 =	sor.u32 s4, s0;
	s1 =	sshll.u32 s1, $0x11  }
0xcb: {  	s0 =	sor.u32 s1, s0  }
0xcc: {  	s0 =	sadd.s32 $0x8F2B, s0  }
0xcd: {  	[sflag:s0] =	ssyncadd.remote.s32 $0x1  }
0xce: {  	_ =	sfence.sel $0xFFFF  }
0xcf: {  	[dreg:$0x0] =	wrdreg $0xFFFFFFFF;
	(pc) =	sbr.abs _section_cstart, $3  }
0xd0: {  	[dreg:$0x1] =	wrdreg $0xFFFFFFFF  }
0xd1: {  	_ =	task.clear_ibuf [dreg:s22], $0x2FFFF;
	_ =	strace $0x9FFFFFFF  }
0xd2: {  	(tm) =	ssettm $0x7FFFFFFF  }
0xd3: {  	_ =	shalt  }
tec
execute0_lowered:
.L_overlay_start_1:
0x0: {  	(tag) =	ssettag $0x1  }
0x1: {  	s7 =	rddreg [dreg:$0x0]  }
0x2: {  	s2 =	rddreg [dreg:$0x1]  }
0x3: {  	s3 =	rddreg [dreg:$0x2]  }
0x4: {  	s0 =	rddreg [dreg:$0x3]  }
0x5: {  	s5 =	srdreg.scid;
	s1 =	stileid.u32;
	s4 =	simm.s32 $0x0  }
0x6: {  	s18 =	simm.s32 $0x180;
	s19 =	simm.s32 $0x3;
	s20 =	simm.s32 $0x80  }
0x7: {  	s21 =	simm.s32 $0x100;
	s22 =	simm.s32 $0x0;
	s9 =	smul.u32 $0x2800, s1  }
0x8: {  	s8 =	sand.u32 $0x1, s5;
	[smem:$0x7FF] =	sst s4;
	s28 =	smul.u32 $0x50000, s1  }
0x9: {  	s5 =	sadd.s32 $0xAC200, s7;
	s6 =	sadd.s32 $0x52200, s7;
	s29 =	smul.u32 $0xA0, s1  }
0xa: {  	s10 =	smul.u32 $0x28000, s8;
	_ =	strace $0x8000004D;
	s25 =	ssub.s32 $0x2, s8  }
0xb: {  	s11 =	ssub.s32 $0x0, s8;
	p0 =	seq.s32 s8, $0x0;
	s26 =	sshrl.u32 s25, $0x1  }
0xc: {  	s30 =	sshrl.u32 s28, $0x2;
	s31 =	sand.u32 $0x72, s11;
	s9 =	sadd.s32 s9, s10  }
0xd: {  	s16 =	ssub.s32 s25, s26;
	s8 =	sadd.s32 s30, s3;
	s15 =	sadd.s32 s9, s7  }
0xe: {  	s7 =	simm.s32 $0x72;
	s9 =	sadd.s32 s29, s31;
	s10 =	sadd.s32 $0x4000, s8  }
0xf: {  	s11 =	sadd.s32 $0x8000, s8;
	s12 =	sadd.s32 $0xC000, s8;
	s13 =	sadd.s32 $0x10000, s8  }
0x10: {  	s16 =	smax.u32 s16, $0x1;
	s7 =	simm.s32 @!p0 $0x2E;
	s14 =	sshll.u32 s9, $0x4  }
0x11: {  	v0 =	vimm.f32 $0.0e+00;
	s15 =	sadd.s32 $0xD4200, s15;
	s14 =	sadd.s32 s2, s14;
	s17 =	sadd.s32 $0xFFFFFFFE, s7  }
.LBB2_1:
0x12: {  	s23 =	sand.u32 $0xFE00, s4  }
0x13: {  	s24 =	sand.u32 $0x70, s4;
	s25 =	sshrl.u32 s23, $0x2  }
0x14: {  	s23 =	simm.s32 $0x40;
	s25 =	sor.u32 s24, s25;
	s24 =	simm.s32 $0x0  }
.LBB2_2:
0x15: {  	p0 =	sne.s32 s23, $0xFFC0  }
0x16: {  	[tilespmem:s25+$0x180] =	vst v0;
	s24 =	sadd.s32 $0x10, s24;
	s25 =	smov.u32 s23;
	s23 =	sadd.s32 $0x40, s23  }
.Ltmp0:
0x17: {  	(pc) =	sbr.rel @p0 .LBB2_2-.Ltmp0, $4  }
0x18: {  	_ = 	snop  }
0x19: {  	s25 =	sand.u32 $0xFE00, s25  }
0x1a: {  	s26 =	sand.u32 $0x70, s24;
	s25 =	sshrl.u32 s25, $0x2  }
0x1b: {  	s25 =	sor.u32 s26, s25  }
0x1c: {  	[tilespmem:s25+$0x180] =	vst v0  }
0x1d: {  	[spmem:s8] =	stream.linear.scatter [tilespmem:s18], [sflag:$0x3], $0x4000, $0x38;
	[tilespmem:$0x1C180] =	vst v63  }
0x1e: {  	_ =	swait.ge [sflag:s19], $0x4000  }
0x1f: {  	[sflag:s19] =	ssyncset.done $0x0  }
0x20: {  	[sflag:s19] =	ssyncadd.s32 $0xFFFFC000  }
0x21: {  	[spmem:s10] =	stream.linear.scatter [tilespmem:s18], [sflag:$0x3], $0x4000, $0x38;
	[tilespmem:$0x1C180] =	vst v63  }
0x22: {  	_ =	swait.ge [sflag:s19], $0x4000  }
0x23: {  	[sflag:s19] =	ssyncset.done $0x0  }
0x24: {  	[sflag:s19] =	ssyncadd.s32 $0xFFFFC000  }
0x25: {  	[spmem:s11] =	stream.linear.scatter [tilespmem:s18], [sflag:$0x3], $0x4000, $0x38;
	[tilespmem:$0x1C180] =	vst v63  }
0x26: {  	_ =	swait.ge [sflag:s19], $0x4000  }
0x27: {  	[sflag:s19] =	ssyncset.done $0x0  }
0x28: {  	[sflag:s19] =	ssyncadd.s32 $0xFFFFC000  }
0x29: {  	[spmem:s12] =	stream.linear.scatter [tilespmem:s18], [sflag:$0x3], $0x4000, $0x38;
	[tilespmem:$0x1C180] =	vst v63  }
0x2a: {  	_ =	swait.ge [sflag:s19], $0x4000  }
0x2b: {  	[sflag:s19] =	ssyncset.done $0x0  }
0x2c: {  	[sflag:s19] =	ssyncadd.s32 $0xFFFFC000  }
0x2d: {  	[spmem:s13] =	stream.linear.scatter [tilespmem:s18], [sflag:$0x3], $0x4000, $0x38;
	[tilespmem:$0x1C180] =	vst v63  }
0x2e: {  	_ =	swait.ge [sflag:s19], $0x4000  }
0x2f: {  	[sflag:s19] =	ssyncset.done $0x0  }
0x30: {  	[sflag:s19] =	ssyncadd.s32 $0xFFFFC000  }
0x31: {  	s25 =	simm.s32 $0x0;
	[bflag:$0x0] =	sbarrier.arrive $0xFFFF  }
0x32: {  	[tilespmem:s25], [sflag:$0x3] =	stream.linear.gather [hbm4b:s14+s25], $0x80, $0x38;
	[tilespmem:$0x1C180] =	vst v63  }
0x33: {  	s23 =	sadd.s32 $0x1, s9;
	_ =	swait.ge [sflag:s19], $0x80  }
0x34: {  	s24 =	sshll.u32 s23, $0x4;
	[sflag:s19] =	ssyncset.done $0x0  }
0x35: {  	s26 =	simm.s32 $0x80;
	s28 =	sand.u32 $0x1FFFFFF0, s24;
	[sflag:s19] =	ssyncadd.s32 $0xFFFFFF80  }
0x36: {  	[tilespmem:s18], [sflag:$0x1] =	stream.indirect.gather [hbm4b:s5+s20], $0x80, s25, s20, $0xb8;
	[tilespmem:$0x1C180] =	vst v63  }
0x37: {  	s23 =	simm.s32 $0x1;
	s26 =	sand.u32 $0x80, s26;
	s28 =	sadd.s32 s2, s28  }
0x38: {  	[tilespmem:s26], [sflag:$0x3] =	stream.linear.gather [hbm4b:s28+s4], $0x80, $0x38;
	[tilespmem:$0x1C180] =	vst v63  }
0x39: {  	s30 =	sand.u32 $0x1, s23;
	_ =	swait.ge [sflag:s19], $0x80  }
0x3a: {  	p0 =	seq.s32 s30, $0x1;
	[sflag:s19] =	ssyncset.done $0x0  }
0x3b: {  	s29 =	simm.s32 @p0 $0x4180;
	s28 =	simm.s32 @p0 $0x80;
	[sflag:s19] =	ssyncadd.s32 $0xFFFFFF80  }
0x3c: {  	[tilespmem:s29], [sflag:$0x2] =	stream.indirect.gather @p0 [hbm4b:s5+s28], $0x80, s26, s28, $0xb8;
	[tilespmem:$0x1C180] =	vst v63  }
0x3d: {  	s31 =	sand.u32 $0x1, s25;
	s30 =	simm.s32 @!p0 $0x180;
	s29 =	simm.s32 @!p0 $0x80  }
0x3e: {  	[tilespmem:s30], [sflag:$0x1] =	stream.indirect.gather @!p0 [hbm4b:s5+s29], $0x80, s26, s29, $0xb8;
	[tilespmem:$0x1C180] =	vst v63  }
0x3f: {  	p1 =	seq.s32 s31, $0x1;
	s26 =	simm.s32 $0x2  }
0x40: {  	p2 =	sne.s32 s17, $0x0;
	s26 =	simm.s32 @!p1 $0x1  }
.Ltmp1:
0x41: {  	s30 =	sadd.s32 $0x0, s9;
	_ =	swait.ge [sflag:s26], $0x4000;
	(pc) =	sbr.rel @!p2 .LBB2_5-.Ltmp1, $4  }
0x42: {  	s28 =	sshll.u32 s30, $0x4;
	[sflag:s26] =	ssyncset.done $0x0  }
0x43: {  	s31 =	sadd.s32 s6, s28;
	[sflag:s26] =	ssyncadd.s32 $0xFFFFC000  }
0x44: {  	[tilespmem:s21], [sflag:$0x3] =	stream.linear.gather [hbm4b:s31+s4], $0x80, $0x38;
	[tilespmem:$0x1C180] =	vst v63  }
0x45: {  	s26 =	simm.s32 $0x0;
	_ =	swait.ge [sflag:s19], $0x80  }
.LBB2_4:
0x46: {  	s28 =	smov.u32 s23;
	s25 =	smov.u32 s23;
	s24 =	sand.u32 $0x4000, s26  }
0x47: {  	s26 =	smov.u32 s23;
	s23 =	sadd.s32 $0x1, s23;
	[sflag:s19] =	ssyncset.done $0x0  }
0x48: {  	s29 =	sadd.s32 s9, s23;
	s24 =	sor.u32 $0x180, s24;
	[sflag:s19] =	ssyncadd.s32 $0xFFFFFF80  }
0x49: {  	[spmem:s3] =	stream.indirect.scatter.add.f32 [tilespmem:s24], [sflag:$0x3], $0x80, s21, s20, $0xb8;
	[tilespmem:$0x1C180] =	vst v63  }
0x4a: {  	s24 =	sshll.u32 s29, $0x4;
	s29 =	sand.u32 $0x1, s23;
	_ =	swait.ge [sflag:s19], $0x4000  }
0x4b: {  	s30 =	sshll.u32 s23, $0x7;
	s31 =	sand.u32 $0x1FFFFFF0, s24;
	[sflag:s19] =	ssyncset.done $0x0  }
0x4c: {  	s30 =	sand.u32 $0x80, s30;
	s31 =	sadd.s32 s2, s31;
	[sflag:s19] =	ssyncadd.s32 $0xFFFFC000  }
0x4d: {  	[tilespmem:s30], [sflag:$0x3] =	stream.linear.gather [hbm4b:s31+s4], $0x80, $0x38;
	[tilespmem:$0x1C180] =	vst v63  }
0x4e: {  	p2 =	sne.s32 s28, s17;
	s28 =	sand.u32 $0x1, s26;
	_ =	swait.ge [sflag:s19], $0x80  }
0x4f: {  	p1 =	seq.s32 s28, $0x1;
	p0 =	seq.s32 s29, $0x1;
	[sflag:s19] =	ssyncset.done $0x0  }
0x50: {  	s29 =	simm.s32 @p0 $0x80;
	s31 =	simm.s32 @p0 $0x4180;
	[sflag:s19] =	ssyncadd.s32 $0xFFFFFF80  }
0x51: {  	[tilespmem:s31], [sflag:$0x2] =	stream.indirect.gather @p0 [hbm4b:s5+s29], $0x80, s30, s29, $0xb8;
	[tilespmem:$0x1C180] =	vst v63  }
0x52: {  	s28 =	simm.s32 $0x2;
	s29 =	simm.s32 @!p0 $0x80;
	s31 =	simm.s32 @!p0 $0x180  }
0x53: {  	[tilespmem:s31], [sflag:$0x1] =	stream.indirect.gather @!p0 [hbm4b:s5+s29], $0x80, s30, s29, $0xb8;
	[tilespmem:$0x1C180] =	vst v63  }
0x54: {  	s28 =	simm.s32 @!p1 $0x1  }
.Ltmp2:
0x55: {  	s29 =	sadd.s32 s9, s26;
	_ =	swait.ge [sflag:s28], $0x4000;
	(pc) =	sbr.rel @p2 .LBB2_4-.Ltmp2, $4  }
0x56: {  	s29 =	sshll.u32 s29, $0x4;
	[sflag:s28] =	ssyncset.done $0x0  }
0x57: {  	[sflag:s28] =	ssyncadd.s32 $0xFFFFC000;
	s28 =	sadd.s32 s6, s29  }
0x58: {  	[tilespmem:s21], [sflag:$0x3] =	stream.linear.gather [hbm4b:s28+s4], $0x80, $0x38;
	[tilespmem:$0x1C180] =	vst v63  }
0x59: {  	s26 =	sshll.u32 s26, $0xE;
	_ =	swait.ge [sflag:s19], $0x80  }
.LBB2_5:
0x5a: {  	[sflag:s19] =	ssyncset.done $0x0;
	s26 =	sand.u32 $0x4000, s26;
	s25 =	sadd.s32 $0x2, s25  }
0x5b: {  	[sflag:s19] =	ssyncadd.s32 $0xFFFFFF80;
	s26 =	sor.u32 $0x180, s26;
	p2 =	sge.u32 s25, s7  }
0x5c: {  	[spmem:s3] =	stream.indirect.scatter.add.f32 [tilespmem:s26], [sflag:$0x3], $0x80, s21, s20, $0xb8;
	[tilespmem:$0x1C180] =	vst v63  }
0x5d: {  	s26 =	sadd.s32 @!p2 s9, s25  }
0x5e: {  	s25 =	sshll.u32 @!p2 s25, $0x7;
	_ =	swait.ge [sflag:s19], $0x4000;
	s26 =	sshll.u32 @!p2 s26, $0x4  }
0x5f: {  	s28 =	simm.s32 @!p2 $0x0;
	[sflag:s19] =	ssyncset.done $0x0;
	s26 =	sand.u32 @!p2 $0x1FFFFFF0, s26  }
0x60: {  	s25 =	sand.u32 @!p2 $0x80, s25;
	[sflag:s19] =	ssyncadd.s32 $0xFFFFC000;
	s26 =	sadd.s32 @!p2 s2, s26  }
0x61: {  	[tilespmem:s25], [sflag:$0x3] =	stream.linear.gather @!p2 [hbm4b:s26+s28], $0x80, $0x38;
	[tilespmem:$0x1C180] =	vst v63  }
0x62: {  	s26 =	simm.s32 @!p2 $0x3  }
0x63: {  	_ =	swait.ge @!p2 [sflag:s26], $0x80  }
0x64: {  	p3 =	por !p1, p2;
	p1 =	por p1, p2;
	[sflag:s26] =	ssyncset.done @!p2 $0x0  }
0x65: {  	s28 =	simm.s32 @!p3 $0x4180;
	[sflag:s26] =	ssyncadd.s32 @!p2 $0xFFFFFF80;
	s26 =	simm.s32 @!p3 $0x80  }
0x66: {  	[tilespmem:s28], [sflag:$0x2] =	stream.indirect.gather @!p3 [hbm4b:s5+s26], $0x80, s25, s26, $0xb8;
	[tilespmem:$0x1C180] =	vst v63  }
0x67: {  	s26 =	simm.s32 @!p1 $0x80;
	s28 =	simm.s32 @!p1 $0x180  }
0x68: {  	[tilespmem:s28], [sflag:$0x1] =	stream.indirect.gather @!p1 [hbm4b:s5+s26], $0x80, s25, s26, $0xb8;
	[tilespmem:$0x1C180] =	vst v63  }
0x69: {  	s25 =	simm.s32 $0x2  }
0x6a: {  	s25 =	simm.s32 @!p0 $0x1  }
0x6b: {  	_ =	swait.ge [sflag:s25], $0x4000  }
0x6c: {  	[sflag:s25] =	ssyncset.done $0x0  }
0x6d: {  	s24 =	sadd.s32 s6, s24;
	[sflag:s25] =	ssyncadd.s32 $0xFFFFC000  }
0x6e: {  	[tilespmem:s21], [sflag:$0x3] =	stream.linear.gather [hbm4b:s24+s4], $0x80, $0x38;
	[tilespmem:$0x1C180] =	vst v63  }
0x6f: {  	s23 =	sshll.u32 s23, $0xE;
	_ =	swait.ge [sflag:s19], $0x80  }
0x70: {  	s23 =	sand.u32 $0x4000, s23;
	[sflag:s19] =	ssyncset.done $0x0  }
0x71: {  	s23 =	sor.u32 $0x180, s23;
	[sflag:s19] =	ssyncadd.s32 $0xFFFFFF80  }
0x72: {  	[spmem:s3] =	stream.indirect.scatter.add.f32 [tilespmem:s23], [sflag:$0x3], $0x80, s21, s20, $0xb8;
	[tilespmem:$0x1C180] =	vst v63  }
0x73: {  	_ =	swait.ge [sflag:s19], $0x4000  }
0x74: {  	s30 =	sshll.u32 s1, $0x6;
	s22 =	sadd.s32 $0x1, s22;
	[sflag:s19] =	ssyncset.done $0x0  }
0x75: {  	s31 =	sshrl.u32 s8, $0x3;
	p0 =	sne.s32 s22, s16;
	[sflag:s19] =	ssyncadd.s32 $0xFFFFC000  }
.Ltmp3:
0x76: {  	s23 =	sor.u32 $0x1C03, s30;
	[bflag:$0x0] =	sbarrier.arrive $0xFFFF;
	(pc) =	sbr.rel @p0 .LBB2_1-.Ltmp3, $4  }
0x77: {  	[hbm:s15], [sflag:s23] =	dma.local [spmem:s31], $0x2800  }
0x78: {  	_ =	swait.ge [sflag:s19], $0x2800  }
0x79: {  	[sflag:s19] =	ssyncset.done $0x0  }
0x7a: {  	[sflag:s19] =	ssyncadd.s32 $0xFFFFD800  }
0x7b: {  	_ =	sfence.sel $0x180000  }
0x7c: {  	[bflag:$0x0] =	sbarrier.arrive $0xFFFF  }
0x7d: {  	p0 =	sne.s32 s1, $0x0;
	_ =	strace $0x9000004D  }
0x7e: {  	s0 =	sadd.s32 @!p0 $0x100000, s0;
	[bflag:$0x2] =	sbarrier.arrive $0xFFFF  }
0x7f: {  	[sflag:s0] =	ssyncadd.tile.s32 @!p0 $0x1;
	_ =	shalt  }
.Lfunc_end2:
_tile_overlayer_lowered:
.L_overlay_start_2:
0x80: {  	(tag) =	ssettag $0x2  }
0x81: {  	s0 =	rddreg [dreg:$0x0];
	s2 =	stileid.u32  }
0x82: {  	s1 =	rddreg [dreg:$0x1];
	p0 =	sne.s32 s2, $0x0  }
0x83: {  	s3 =	rddreg [dreg:$0x2];
	[bflag:$0x3] =	sbarrier.arrive $0xFFFF;
	s2 =	simm.s32 @!p0 $0x1C03  }
0x84: {  	[timem:s3], [sflag:s2] =	dma.local @!p0 [hbm:s0], s1  }
0x85: {  	s0 =	simm.s32 @!p0 $0x3  }
0x86: {  	_ =	swait.ge @!p0 [sflag:s0], s1  }
0x87: {  	s1 =	ssub.s32 @!p0 $0x0, s1;
	[sflag:s0] =	ssyncset.done @!p0 $0x0  }
0x88: {  	[sflag:s0] =	ssyncadd.s32 @!p0 s1  }
0x89: {  	[bflag:$0x3] =	sbarrier.arrive $0xFFFF  }
0x8a: {  	_ =	shalt  }

// kernel: kernel.18.cloned.1.call-start
scs
__scs_entry_jumppad:
0x0: {  	(pc) =	sbr.rel $0x88, $3  }
0x1: {  	(tag) =	ssettag $0x0;
	lr =	simm.s32 $0x1  }
0x2: {  	[smem:$0x3F9B] =	sst lr;
	_ =	strace $0xD0000000  }
0x3: {  	_ = 	snop  }
0x4: {  	_ = 	snop  }
0x5: {  	_ = 	snop  }
0x6: {  	_ = 	snop  }
0x7: {  	_ = 	snop  }
__scs_overlays_trampoline_lowered:
0x8: {  	[smem:$0x3FAA] =	sst s0  }
0x9: {  	[smem:$0x3FAB] =	sst s1  }
0xa: {  	[smem:$0x3FAC] =	sst s2  }
0xb: {  	[smem:$0x3FAD] =	sst s3  }
0xc: {  	[smem:$0x3FAE] =	sst s4  }
0xd: {  	[smem:$0x3FAF] =	sst s5  }
0xe: {  	[smem:$0x3FB0] =	sst s6  }
0xf: {  	[smem:$0x3FB1] =	sst s7  }
0x10: {  	[smem:$0x3FB2] =	sst s8  }
0x11: {  	[smem:$0x3FB3] =	sst s9;
	s0 =	simm.s32 @!p0 $0x0  }
0x12: {  	s1 =	sld [smem:$0x3F99];
	s0 =	simm.s32 @p0 $0x1  }
0x13: {  	[smem:$0x3FB4] =	sst s0;
	s0 =	simm.s32 @!p1 $0x0  }
0x14: {  	s2 =	sld [smem:$0x3F98];
	s0 =	simm.s32 @p1 $0x1  }
0x15: {  	[smem:$0x3FB5] =	sst s0;
	s0 =	simm.s32 @!p2 $0x0  }
0x16: {  	s3 =	sld [smem:$0x3FDB];
	s0 =	simm.s32 @p2 $0x1  }
0x17: {  	s4 =	simm.s32 $0x1BF5;
	[smem:$0x3FB7] =	sst s0  }
0x18: {  	s0 =	sld [smem:$0x3F9A];
	_ =	swait.ge [sflag:s4], $0x0  }
0x19: {  	s7 =	sld [smem:$0x3F9B]  }
0x1a: {  	s8 =	sadd.s32 $0xFFFFE003, lr  }
0x1b: {  	s9 =	sadd.s32 $0xFFFFFEF7, lr;
	s5 =	simm.s32 $0xFFFFFFFF;
	p2 =	slt.u32 s8, $0xFFFFF086  }
0x1c: {  	p1 =	slt.u32 s9, $0xF7A;
	s5 =	simm.s32 @!p2 $0x0  }
0x1d: {  	s5 =	simm.s32 @p1 $0x1;
	p0 =	seq.s32 s7, s2  }
0x1e: {  	s7 =	smul.u32 @!p0 $0xF7A, s2;
	p2 =	seq.s32 @!p0 s5, $0x0  }
0x1f: {  	s9 =	smul.u32 $0xF7A, s1;
	s8 =	simm.s32 @!p0 $0x1BF5;
	p2 =	por !p2, p0  }
0x20: {  	[sflag:s8] =	ssyncset.s32 @!p0 $0xFFFFF086;
	s6 =	sadd.s32 @!p0 s3, s7;
	s7 =	simm.s32 @!p0 $0x108  }
0x21: {  	s3 =	sadd.s32 s3, s9;
	s6 =	sadd.s32 @!p0 $0x88, s6;
	s7 =	simm.s32 @p2 $0x1082  }
0x22: {  	[simem:s7], [sflag:s8] =	dma.local @!p0 [hbm:s6], $0xF7A  }
0x23: {  	s9 =	sor.u32 $0xD0000000, s2;
	s6 =	simm.s32 $0x108;
	_ =	swait.ge @!p0 [sflag:s8], $0x0  }
0x24: {  	s3 =	sadd.s32 $0x88, s3;
	s6 =	simm.s32 @!p1 $0x1082;
	[sflag:s4] =	ssyncset.s32 $0xFFFFF086  }
0x25: {  	[simem:s6], [sflag:s4] =	dma.local [hbm:s3], $0xF7A  }
0x26: {  	[smem:$0x3F9B] =	sst s1;
	(tag) =	ssettag s2;
	_ =	strace s9  }
0x27: {  	s1 =	sld [smem:$0x3FAB]  }
0x28: {  	s2 =	sld [smem:$0x3FAC]  }
0x29: {  	s4 =	sld [smem:$0x3FAE]  }
0x2a: {  	p0 =	seq.s32 s5, $0x0;
	s5 =	sld [smem:$0x3FAF]  }
0x2b: {  	s6 =	sld [smem:$0x3FB0]  }
0x2c: {  	s7 =	sld [smem:$0x3FB1]  }
0x2d: {  	s3 =	simm.s32 $0x108;
	s8 =	sld [smem:$0x3FB2]  }
0x2e: {  	s3 =	simm.s32 @!p0 $0x1082;
	s9 =	sld [smem:$0x3FB3]  }
0x2f: {  	lr =	sadd.s32 s0, s3;
	s0 =	sld [smem:$0x3FAA]  }
0x30: {  	s3 =	sld [smem:$0x3FAD]  }
0x31: {  	[smem:$0x3FB6] =	sst s10  }
0x32: {  	s10 =	sld [smem:$0x3FB4];
	_ =	sdelay $0x3  }
0x33: {  	p0 =	seq.s32 s10, $0x1;
	s10 =	sld [smem:$0x3FB6];
	_ =	sdelay $0x3  }
0x34: {  	[smem:$0x3FB6] =	sst s10  }
0x35: {  	s10 =	sld [smem:$0x3FB5];
	_ =	sdelay $0x3  }
0x36: {  	p1 =	seq.s32 s10, $0x1;
	s10 =	sld [smem:$0x3FB6];
	_ =	sdelay $0x3  }
0x37: {  	[smem:$0x3FB6] =	sst s10  }
0x38: {  	s10 =	sld [smem:$0x3FB7]  }
0x39: {  	_ = 	snop;
	(pc) =	sbr.ind lr, $3  }
0x3a: {  	_ = 	snop  }
0x3b: {  	_ = 	snop  }
0x3c: {  	p2 =	seq.s32 s10, $0x1;
	s10 =	sld [smem:$0x3FB6]  }
0x3d: {  	_ =	shalt  }
0x3e: {  	_ =	shalt  }
0x3f: {  	_ =	shalt  }
0x40: {  	_ =	shalt  }
0x41: {  	_ =	shalt  }
0x42: {  	_ =	shalt  }
0x43: {  	_ =	shalt  }
0x44: {  	_ =	shalt  }
0x45: {  	_ =	shalt  }
0x46: {  	_ =	shalt  }
0x47: {  	_ =	shalt  }
0x48: {  	_ =	shalt  }
0x49: {  	_ =	shalt  }
0x4a: {  	_ =	shalt  }
0x4b: {  	_ =	shalt  }
0x4c: {  	_ =	shalt  }
0x4d: {  	_ =	shalt  }
0x4e: {  	_ =	shalt  }
0x4f: {  	_ =	shalt  }
0x50: {  	_ =	shalt  }
0x51: {  	_ =	shalt  }
0x52: {  	_ =	shalt  }
0x53: {  	_ =	shalt  }
0x54: {  	_ =	shalt  }
0x55: {  	_ =	shalt  }
0x56: {  	_ =	shalt  }
0x57: {  	_ =	shalt  }
0x58: {  	_ =	shalt  }
0x59: {  	_ =	shalt  }
0x5a: {  	_ =	shalt  }
0x5b: {  	_ =	shalt  }
0x5c: {  	_ =	shalt  }
0x5d: {  	_ =	shalt  }
0x5e: {  	_ =	shalt  }
0x5f: {  	_ =	shalt  }
0x60: {  	_ =	shalt  }
0x61: {  	_ =	shalt  }
0x62: {  	_ =	shalt  }
0x63: {  	_ =	shalt  }
0x64: {  	_ =	shalt  }
0x65: {  	_ =	shalt  }
0x66: {  	_ =	shalt  }
0x67: {  	_ =	shalt  }
0x68: {  	_ =	shalt  }
0x69: {  	_ =	shalt  }
0x6a: {  	_ =	shalt  }
0x6b: {  	_ =	shalt  }
0x6c: {  	_ =	shalt  }
0x6d: {  	_ =	shalt  }
0x6e: {  	_ =	shalt  }
0x6f: {  	_ =	shalt  }
0x70: {  	_ =	shalt  }
0x71: {  	_ =	shalt  }
0x72: {  	_ =	shalt  }
0x73: {  	_ =	shalt  }
0x74: {  	_ =	shalt  }
0x75: {  	_ =	shalt  }
0x76: {  	_ =	shalt  }
0x77: {  	_ =	shalt  }
0x78: {  	_ =	shalt  }
0x79: {  	_ =	shalt  }
0x7a: {  	_ =	shalt  }
0x7b: {  	_ =	shalt  }
0x7c: {  	_ =	shalt  }
0x7d: {  	_ =	shalt  }
0x7e: {  	_ =	shalt  }
0x7f: {  	_ =	shalt  }
0x80: {  	_ =	shalt  }
0x81: {  	_ =	shalt  }
0x82: {  	_ =	shalt  }
0x83: {  	_ =	shalt  }
0x84: {  	_ =	shalt  }
0x85: {  	_ =	shalt  }
0x86: {  	_ =	shalt  }
0x87: {  	_ =	shalt  }
.Lfunc_end0:
.L_simem_size_0:
called_computation.3_lowered:
.L_overlay_start_0:
0x88: {  	s2 =	sld [smem:$0x3FD9]  }
0x89: {  	s3 =	sld [smem:$0x3FFE];
	_ =	sdelay $0x1  }
0x8a: {  	s1 =	srdreg.scid  }
0x8b: {  	s0 =	sand.u32 $0x1, s1  }
0x8c: {  	s17 =	sshll.u32 s0, $0xA;
	s2 =	sadd.s32 s3, s2  }
0x8d: {  	s2 =	sadd.s32 s2, s17  }
0x8e: {  	[smem:$0x3FC2] =	sst s2  }
0x8f: {  	_ = 	snop  }
0x90: {  	s2 =	sld [smem:$0x3FD0];
	(tm) =	ssettm $0x1  }
0x91: {  	s18 =	sld [smem:$0x3FFB];
	_ =	sdelay $0x3  }
0x92: {  	_ =	strace s18  }
0x93: {  	s3 =	sld [smem:$0x3FFC];
	_ =	sdelay $0x3  }
0x94: {  	_ =	strace s3  }
0x95: {  	s3 =	sld [smem:$0x3FFD];
	_ =	sdelay $0x3  }
0x96: {  	_ =	strace s3  }
0x97: {  	_ =	strace $0x8FFFFFFF  }
0x98: {  	s19 =	sld [smem:$0x3FDB];
	_ =	sdelay $0x1  }
0x99: {  	s4 =	simm.s32 $_scs_section_size  }
0x9a: {  	s5 =	simm.s32 $_size__tile_overlayer_lowered;
	s6 =	simm.s32 $_tile_overlayer_lowered  }
0x9b: {  	s22 =	simm.s32 $0x1BFF;
	s21 =	sshll.u32 s6, $0x1;
	s3 =	sadd.s32 s4, s19  }
0x9c: {  	s7 =	simm.s32 $0x0;
	s20 =	sshll.u32 s5, $0x1;
	s5 =	sadd.s32 s21, s3  }
0x9d: {  	[timem:s7], [sflag:s22] =	dma.local [hbm:s5], s20  }
0x9e: {  	_ =	swait.ge [sflag:s22], s20  }
0x9f: {  	s4 =	ssub.s32 $0x0, s20;
	[sflag:s22] =	ssyncset.done $0x0  }
0xa0: {  	[sflag:s22] =	ssyncadd.s32 s4;
	_ =	sdelay $0x1  }
0xa1: {  	s23 =	simm.s32 $0x1B8B  }
0xa2: {  	_ =	swait.ge [sflag:s23], $0x1  }
0xa3: {  	[sflag:s23] =	ssyncset.done $0x0  }
0xa4: {  	s25 =	simm.s32 $0x1B8E;
	s24 =	sld [smem:$0x3FFE];
	[sflag:s23] =	ssyncadd.s32 $0xFFFFFFFF  }
0xa5: {  	s26 =	simm.s32 $execute0_lowered;
	[smem:$0x3FD2] =	sst s25  }
0xa6: {  	s5 =	sshll.u32 s26, $0x1;
	_ =	strace $0x8000004F;
	[dreg:$0x1] =	wrdreg $0xFFFFFFFF  }
0xa7: {  	s28 =	simm.s32 $_size_execute0_lowered;
	s3 =	sadd.s32 s3, s5;
	[dreg:$0x0] =	wrdreg $0x0  }
0xa8: {  	s5 =	sshll.u32 s28, $0x1;
	[dreg:$0x2] =	wrdreg s3  }
0xa9: {  	[dreg:$0x3] =	wrdreg s5  }
0xaa: {  	[dreg:$0x4] =	wrdreg $0xC0  }
0xab: {  	_ =	task [dreg:s7], $0x5FFFF  }
0xac: {  	[dreg:$0x1] =	wrdreg $0xFFFFFFFF  }
0xad: {  	[dreg:$0x0] =	wrdreg $0x60  }
0xae: {  	[dreg:$0x2] =	wrdreg s24  }
0xaf: {  	[dreg:$0x3] =	wrdreg s2  }
0xb0: {  	[dreg:$0x4] =	wrdreg $0x81800  }
0xb1: {  	[dreg:$0x5] =	wrdreg $0x9  }
0xb2: {  	_ =	task.clear_ibuf [dreg:s7], $0x6FFFF;
	_ =	strace $0x9000004F  }
0xb3: {  	s29 =	simm.s32 $0x9;
	_ =	strace $0x80000051  }
0xb4: {  	_ =	swait.ge [sflag:s29], $0x1  }
0xb5: {  	[sflag:s29] =	ssyncadd.s32 $0xFFFFFFFF  }
0xb6: {  	_ =	strace $0x90000051  }
0xb7: {  	_ =	sfence  }
0xb8: {  	s30 =	sld [smem:$0x0];
	_ =	sdelay $0x2  }
0xb9: {  	s31 =	sshll.u32 s1, $0xD;
	s1 =	sshrl.u32 s1, $0x2  }
0xba: {  	s3 =	sand.u32 $0x4000, s31;
	s1 =	sadd.s32 s1, s30  }
0xbb: {  	s0 =	sor.u32 s3, s0;
	s1 =	sshll.u32 s1, $0x11  }
0xbc: {  	s0 =	sor.u32 s1, s0  }
0xbd: {  	s0 =	sadd.s32 $0x8F2B, s0  }
0xbe: {  	[sflag:s0] =	ssyncadd.remote.s32 $0x1  }
0xbf: {  	_ =	sfence.sel $0xFFFF  }
0xc0: {  	[dreg:$0x0] =	wrdreg $0xFFFFFFFF;
	(pc) =	sbr.abs _section_cstart, $3  }
0xc1: {  	[dreg:$0x1] =	wrdreg $0xFFFFFFFF  }
0xc2: {  	_ =	task.clear_ibuf [dreg:s7], $0x2FFFF;
	_ =	strace $0x9FFFFFFF  }
0xc3: {  	(tm) =	ssettm $0x7FFFFFFF  }
tec
execute0_lowered:
.L_overlay_start_1:
0x0: {  	(tag) =	ssettag $0x1  }
0x1: {  	s7 =	rddreg [dreg:$0x0]  }
0x2: {  	s2 =	rddreg [dreg:$0x1]  }
0x3: {  	s3 =	rddreg [dreg:$0x2]  }
0x4: {  	s0 =	rddreg [dreg:$0x3]  }
0x5: {  	s5 =	srdreg.scid;
	s1 =	stileid.u32;
	s4 =	simm.s32 $0x0  }
0x6: {  	s18 =	simm.s32 $0x180;
	s19 =	simm.s32 $0x3;
	s20 =	simm.s32 $0x80  }
0x7: {  	s21 =	simm.s32 $0x100;
	s22 =	simm.s32 $0x0;
	s9 =	smul.u32 $0x2800, s1  }
0x8: {  	s8 =	sand.u32 $0x1, s5;
	[smem:$0x7FF] =	sst s4;
	s28 =	smul.u32 $0x50000, s1  }
0x9: {  	s5 =	sadd.s32 $0xAC200, s7;
	s6 =	sadd.s32 $0x52200, s7;
	s29 =	smul.u32 $0xA0, s1  }
0xa: {  	s10 =	smul.u32 $0x28000, s8;
	_ =	strace $0x80000050;
	s25 =	ssub.s32 $0x2, s8  }
0xb: {  	s11 =	ssub.s32 $0x0, s8;
	p0 =	seq.s32 s8, $0x0;
	s26 =	sshrl.u32 s25, $0x1  }
0xc: {  	s30 =	sshrl.u32 s28, $0x2;
	s31 =	sand.u32 $0x72, s11;
	s9 =	sadd.s32 s9, s10  }
0xd: {  	s16 =	ssub.s32 s25, s26;
	s8 =	sadd.s32 s30, s3;
	s15 =	sadd.s32 s9, s7  }
0xe: {  	s7 =	simm.s32 $0x72;
	s9 =	sadd.s32 s29, s31;
	s10 =	sadd.s32 $0x4000, s8  }
0xf: {  	s11 =	sadd.s32 $0x8000, s8;
	s12 =	sadd.s32 $0xC000, s8;
	s13 =	sadd.s32 $0x10000, s8  }
0x10: {  	s16 =	smax.u32 s16, $0x1;
	s7 =	simm.s32 @!p0 $0x2E;
	s14 =	sshll.u32 s9, $0x4  }
0x11: {  	v0 =	vimm.f32 $0.0e+00;
	s15 =	sadd.s32 $0xD4200, s15;
	s14 =	sadd.s32 s2, s14;
	s17 =	sadd.s32 $0xFFFFFFFE, s7  }
.LBB2_1:
0x12: {  	s23 =	sand.u32 $0xFE00, s4  }
0x13: {  	s24 =	sand.u32 $0x70, s4;
	s25 =	sshrl.u32 s23, $0x2  }
0x14: {  	s23 =	simm.s32 $0x40;
	s25 =	sor.u32 s24, s25;
	s24 =	simm.s32 $0x0  }
.LBB2_2:
0x15: {  	p0 =	sne.s32 s23, $0xFFC0  }
0x16: {  	[tilespmem:s25+$0x180] =	vst v0;
	s24 =	sadd.s32 $0x10, s24;
	s25 =	smov.u32 s23;
	s23 =	sadd.s32 $0x40, s23  }
.Ltmp0:
0x17: {  	(pc) =	sbr.rel @p0 .LBB2_2-.Ltmp0, $4  }
0x18: {  	_ = 	snop  }
0x19: {  	s25 =	sand.u32 $0xFE00, s25  }
0x1a: {  	s26 =	sand.u32 $0x70, s24;
	s25 =	sshrl.u32 s25, $0x2  }
0x1b: {  	s25 =	sor.u32 s26, s25  }
0x1c: {  	[tilespmem:s25+$0x180] =	vst v0  }
0x1d: {  	[spmem:s8] =	stream.linear.scatter [tilespmem:s18], [sflag:$0x3], $0x4000, $0x38;
	[tilespmem:$0x1C180] =	vst v63  }
0x1e: {  	_ =	swait.ge [sflag:s19], $0x4000  }
0x1f: {  	[sflag:s19] =	ssyncset.done $0x0  }
0x20: {  	[sflag:s19] =	ssyncadd.s32 $0xFFFFC000  }
0x21: {  	[spmem:s10] =	stream.linear.scatter [tilespmem:s18], [sflag:$0x3], $0x4000, $0x38;
	[tilespmem:$0x1C180] =	vst v63  }
0x22: {  	_ =	swait.ge [sflag:s19], $0x4000  }
0x23: {  	[sflag:s19] =	ssyncset.done $0x0  }
0x24: {  	[sflag:s19] =	ssyncadd.s32 $0xFFFFC000  }
0x25: {  	[spmem:s11] =	stream.linear.scatter [tilespmem:s18], [sflag:$0x3], $0x4000, $0x38;
	[tilespmem:$0x1C180] =	vst v63  }
0x26: {  	_ =	swait.ge [sflag:s19], $0x4000  }
0x27: {  	[sflag:s19] =	ssyncset.done $0x0  }
0x28: {  	[sflag:s19] =	ssyncadd.s32 $0xFFFFC000  }
0x29: {  	[spmem:s12] =	stream.linear.scatter [tilespmem:s18], [sflag:$0x3], $0x4000, $0x38;
	[tilespmem:$0x1C180] =	vst v63  }
0x2a: {  	_ =	swait.ge [sflag:s19], $0x4000  }
0x2b: {  	[sflag:s19] =	ssyncset.done $0x0  }
0x2c: {  	[sflag:s19] =	ssyncadd.s32 $0xFFFFC000  }
0x2d: {  	[spmem:s13] =	stream.linear.scatter [tilespmem:s18], [sflag:$0x3], $0x4000, $0x38;
	[tilespmem:$0x1C180] =	vst v63  }
0x2e: {  	_ =	swait.ge [sflag:s19], $0x4000  }
0x2f: {  	[sflag:s19] =	ssyncset.done $0x0  }
0x30: {  	[sflag:s19] =	ssyncadd.s32 $0xFFFFC000  }
0x31: {  	s25 =	simm.s32 $0x0;
	[bflag:$0x0] =	sbarrier.arrive $0xFFFF  }
0x32: {  	[tilespmem:s25], [sflag:$0x3] =	stream.linear.gather [hbm4b:s14+s25], $0x80, $0x38;
	[tilespmem:$0x1C180] =	vst v63  }
0x33: {  	s23 =	sadd.s32 $0x1, s9;
	_ =	swait.ge [sflag:s19], $0x80  }
0x34: {  	s24 =	sshll.u32 s23, $0x4;
	[sflag:s19] =	ssyncset.done $0x0  }
0x35: {  	s26 =	simm.s32 $0x80;
	s28 =	sand.u32 $0x1FFFFFF0, s24;
	[sflag:s19] =	ssyncadd.s32 $0xFFFFFF80  }
0x36: {  	[tilespmem:s18], [sflag:$0x1] =	stream.indirect.gather [hbm4b:s5+s20], $0x80, s25, s20, $0xb8;
	[tilespmem:$0x1C180] =	vst v63  }
0x37: {  	s23 =	simm.s32 $0x1;
	s26 =	sand.u32 $0x80, s26;
	s28 =	sadd.s32 s2, s28  }
0x38: {  	[tilespmem:s26], [sflag:$0x3] =	stream.linear.gather [hbm4b:s28+s4], $0x80, $0x38;
	[tilespmem:$0x1C180] =	vst v63  }
0x39: {  	s30 =	sand.u32 $0x1, s23;
	_ =	swait.ge [sflag:s19], $0x80  }
0x3a: {  	p0 =	seq.s32 s30, $0x1;
	[sflag:s19] =	ssyncset.done $0x0  }
0x3b: {  	s29 =	simm.s32 @p0 $0x4180;
	s28 =	simm.s32 @p0 $0x80;
	[sflag:s19] =	ssyncadd.s32 $0xFFFFFF80  }
0x3c: {  	[tilespmem:s29], [sflag:$0x2] =	stream.indirect.gather @p0 [hbm4b:s5+s28], $0x80, s26, s28, $0xb8;
	[tilespmem:$0x1C180] =	vst v63  }
0x3d: {  	s31 =	sand.u32 $0x1, s25;
	s30 =	simm.s32 @!p0 $0x180;
	s29 =	simm.s32 @!p0 $0x80  }
0x3e: {  	[tilespmem:s30], [sflag:$0x1] =	stream.indirect.gather @!p0 [hbm4b:s5+s29], $0x80, s26, s29, $0xb8;
	[tilespmem:$0x1C180] =	vst v63  }
0x3f: {  	p1 =	seq.s32 s31, $0x1;
	s26 =	simm.s32 $0x2  }
0x40: {  	p2 =	sne.s32 s17, $0x0;
	s26 =	simm.s32 @!p1 $0x1  }
.Ltmp1:
0x41: {  	s30 =	sadd.s32 $0x0, s9;
	_ =	swait.ge [sflag:s26], $0x4000;
	(pc) =	sbr.rel @!p2 .LBB2_5-.Ltmp1, $4  }
0x42: {  	s28 =	sshll.u32 s30, $0x4;
	[sflag:s26] =	ssyncset.done $0x0  }
0x43: {  	s31 =	sadd.s32 s6, s28;
	[sflag:s26] =	ssyncadd.s32 $0xFFFFC000  }
0x44: {  	[tilespmem:s21], [sflag:$0x3] =	stream.linear.gather [hbm4b:s31+s4], $0x80, $0x38;
	[tilespmem:$0x1C180] =	vst v63  }
0x45: {  	s26 =	simm.s32 $0x0;
	_ =	swait.ge [sflag:s19], $0x80  }
.LBB2_4:
0x46: {  	s28 =	smov.u32 s23;
	s25 =	smov.u32 s23;
	s24 =	sand.u32 $0x4000, s26  }
0x47: {  	s26 =	smov.u32 s23;
	s23 =	sadd.s32 $0x1, s23;
	[sflag:s19] =	ssyncset.done $0x0  }
0x48: {  	s29 =	sadd.s32 s9, s23;
	s24 =	sor.u32 $0x180, s24;
	[sflag:s19] =	ssyncadd.s32 $0xFFFFFF80  }
0x49: {  	[spmem:s3] =	stream.indirect.scatter.add.f32 [tilespmem:s24], [sflag:$0x3], $0x80, s21, s20, $0xb8;
	[tilespmem:$0x1C180] =	vst v63  }
0x4a: {  	s24 =	sshll.u32 s29, $0x4;
	s29 =	sand.u32 $0x1, s23;
	_ =	swait.ge [sflag:s19], $0x4000  }
0x4b: {  	s30 =	sshll.u32 s23, $0x7;
	s31 =	sand.u32 $0x1FFFFFF0, s24;
	[sflag:s19] =	ssyncset.done $0x0  }
0x4c: {  	s30 =	sand.u32 $0x80, s30;
	s31 =	sadd.s32 s2, s31;
	[sflag:s19] =	ssyncadd.s32 $0xFFFFC000  }
0x4d: {  	[tilespmem:s30], [sflag:$0x3] =	stream.linear.gather [hbm4b:s31+s4], $0x80, $0x38;
	[tilespmem:$0x1C180] =	vst v63  }
0x4e: {  	p2 =	sne.s32 s28, s17;
	s28 =	sand.u32 $0x1, s26;
	_ =	swait.ge [sflag:s19], $0x80  }
0x4f: {  	p1 =	seq.s32 s28, $0x1;
	p0 =	seq.s32 s29, $0x1;
	[sflag:s19] =	ssyncset.done $0x0  }
0x50: {  	s29 =	simm.s32 @p0 $0x80;
	s31 =	simm.s32 @p0 $0x4180;
	[sflag:s19] =	ssyncadd.s32 $0xFFFFFF80  }
0x51: {  	[tilespmem:s31], [sflag:$0x2] =	stream.indirect.gather @p0 [hbm4b:s5+s29], $0x80, s30, s29, $0xb8;
	[tilespmem:$0x1C180] =	vst v63  }
0x52: {  	s28 =	simm.s32 $0x2;
	s29 =	simm.s32 @!p0 $0x80;
	s31 =	simm.s32 @!p0 $0x180  }
0x53: {  	[tilespmem:s31], [sflag:$0x1] =	stream.indirect.gather @!p0 [hbm4b:s5+s29], $0x80, s30, s29, $0xb8;
	[tilespmem:$0x1C180] =	vst v63  }
0x54: {  	s28 =	simm.s32 @!p1 $0x1  }
.Ltmp2:
0x55: {  	s29 =	sadd.s32 s9, s26;
	_ =	swait.ge [sflag:s28], $0x4000;
	(pc) =	sbr.rel @p2 .LBB2_4-.Ltmp2, $4  }
0x56: {  	s29 =	sshll.u32 s29, $0x4;
	[sflag:s28] =	ssyncset.done $0x0  }
0x57: {  	[sflag:s28] =	ssyncadd.s32 $0xFFFFC000;
	s28 =	sadd.s32 s6, s29  }
0x58: {  	[tilespmem:s21], [sflag:$0x3] =	stream.linear.gather [hbm4b:s28+s4], $0x80, $0x38;
	[tilespmem:$0x1C180] =	vst v63  }
0x59: {  	s26 =	sshll.u32 s26, $0xE;
	_ =	swait.ge [sflag:s19], $0x80  }
.LBB2_5:
0x5a: {  	[sflag:s19] =	ssyncset.done $0x0;
	s26 =	sand.u32 $0x4000, s26;
	s25 =	sadd.s32 $0x2, s25  }
0x5b: {  	[sflag:s19] =	ssyncadd.s32 $0xFFFFFF80;
	s26 =	sor.u32 $0x180, s26;
	p2 =	sge.u32 s25, s7  }
0x5c: {  	[spmem:s3] =	stream.indirect.scatter.add.f32 [tilespmem:s26], [sflag:$0x3], $0x80, s21, s20, $0xb8;
	[tilespmem:$0x1C180] =	vst v63  }
0x5d: {  	s26 =	sadd.s32 @!p2 s9, s25  }
0x5e: {  	s25 =	sshll.u32 @!p2 s25, $0x7;
	_ =	swait.ge [sflag:s19], $0x4000;
	s26 =	sshll.u32 @!p2 s26, $0x4  }
0x5f: {  	s28 =	simm.s32 @!p2 $0x0;
	[sflag:s19] =	ssyncset.done $0x0;
	s26 =	sand.u32 @!p2 $0x1FFFFFF0, s26  }
0x60: {  	s25 =	sand.u32 @!p2 $0x80, s25;
	[sflag:s19] =	ssyncadd.s32 $0xFFFFC000;
	s26 =	sadd.s32 @!p2 s2, s26  }
0x61: {  	[tilespmem:s25], [sflag:$0x3] =	stream.linear.gather @!p2 [hbm4b:s26+s28], $0x80, $0x38;
	[tilespmem:$0x1C180] =	vst v63  }
0x62: {  	s26 =	simm.s32 @!p2 $0x3  }
0x63: {  	_ =	swait.ge @!p2 [sflag:s26], $0x80  }
0x64: {  	p3 =	por !p1, p2;
	p1 =	por p1, p2;
	[sflag:s26] =	ssyncset.done @!p2 $0x0  }
0x65: {  	s28 =	simm.s32 @!p3 $0x4180;
	[sflag:s26] =	ssyncadd.s32 @!p2 $0xFFFFFF80;
	s26 =	simm.s32 @!p3 $0x80  }
0x66: {  	[tilespmem:s28], [sflag:$0x2] =	stream.indirect.gather @!p3 [hbm4b:s5+s26], $0x80, s25, s26, $0xb8;
	[tilespmem:$0x1C180] =	vst v63  }
0x67: {  	s26 =	simm.s32 @!p1 $0x80;
	s28 =	simm.s32 @!p1 $0x180  }
0x68: {  	[tilespmem:s28], [sflag:$0x1] =	stream.indirect.gather @!p1 [hbm4b:s5+s26], $0x80, s25, s26, $0xb8;
	[tilespmem:$0x1C180] =	vst v63  }
0x69: {  	s25 =	simm.s32 $0x2  }
0x6a: {  	s25 =	simm.s32 @!p0 $0x1  }
0x6b: {  	_ =	swait.ge [sflag:s25], $0x4000  }
0x6c: {  	[sflag:s25] =	ssyncset.done $0x0  }
0x6d: {  	s24 =	sadd.s32 s6, s24;
	[sflag:s25] =	ssyncadd.s32 $0xFFFFC000  }
0x6e: {  	[tilespmem:s21], [sflag:$0x3] =	stream.linear.gather [hbm4b:s24+s4], $0x80, $0x38;
	[tilespmem:$0x1C180] =	vst v63  }
0x6f: {  	s23 =	sshll.u32 s23, $0xE;
	_ =	swait.ge [sflag:s19], $0x80  }
0x70: {  	s23 =	sand.u32 $0x4000, s23;
	[sflag:s19] =	ssyncset.done $0x0  }
0x71: {  	s23 =	sor.u32 $0x180, s23;
	[sflag:s19] =	ssyncadd.s32 $0xFFFFFF80  }
0x72: {  	[spmem:s3] =	stream.indirect.scatter.add.f32 [tilespmem:s23], [sflag:$0x3], $0x80, s21, s20, $0xb8;
	[tilespmem:$0x1C180] =	vst v63  }
0x73: {  	_ =	swait.ge [sflag:s19], $0x4000  }
0x74: {  	s30 =	sshll.u32 s1, $0x6;
	s22 =	sadd.s32 $0x1, s22;
	[sflag:s19] =	ssyncset.done $0x0  }
0x75: {  	s31 =	sshrl.u32 s8, $0x3;
	p0 =	sne.s32 s22, s16;
	[sflag:s19] =	ssyncadd.s32 $0xFFFFC000  }
.Ltmp3:
0x76: {  	s23 =	sor.u32 $0x1C03, s30;
	[bflag:$0x0] =	sbarrier.arrive $0xFFFF;
	(pc) =	sbr.rel @p0 .LBB2_1-.Ltmp3, $4  }
0x77: {  	[hbm:s15], [sflag:s23] =	dma.local [spmem:s31], $0x2800  }
0x78: {  	_ =	swait.ge [sflag:s19], $0x2800  }
0x79: {  	[sflag:s19] =	ssyncset.done $0x0  }
0x7a: {  	[sflag:s19] =	ssyncadd.s32 $0xFFFFD800  }
0x7b: {  	_ =	sfence.sel $0x180000  }
0x7c: {  	[bflag:$0x0] =	sbarrier.arrive $0xFFFF  }
0x7d: {  	p0 =	sne.s32 s1, $0x0;
	_ =	strace $0x90000050  }
0x7e: {  	s0 =	sadd.s32 @!p0 $0x100000, s0;
	[bflag:$0x2] =	sbarrier.arrive $0xFFFF  }
0x7f: {  	[sflag:s0] =	ssyncadd.tile.s32 @!p0 $0x1;
	_ =	shalt  }
.Lfunc_end2:
_tile_overlayer_lowered:
.L_overlay_start_2:
0x80: {  	(tag) =	ssettag $0x2  }
0x81: {  	s0 =	rddreg [dreg:$0x0];
	s2 =	stileid.u32  }
0x82: {  	s1 =	rddreg [dreg:$0x1];
	p0 =	sne.s32 s2, $0x0  }
0x83: {  	s3 =	rddreg [dreg:$0x2];
	[bflag:$0x3] =	sbarrier.arrive $0xFFFF;
	s2 =	simm.s32 @!p0 $0x1C03  }
0x84: {  	[timem:s3], [sflag:s2] =	dma.local @!p0 [hbm:s0], s1  }
0x85: {  	s0 =	simm.s32 @!p0 $0x3  }
0x86: {  	_ =	swait.ge @!p0 [sflag:s0], s1  }
0x87: {  	s1 =	ssub.s32 @!p0 $0x0, s1;
	[sflag:s0] =	ssyncset.done @!p0 $0x0  }
0x88: {  	[sflag:s0] =	ssyncadd.s32 @!p0 s1  }
0x89: {  	[bflag:$0x3] =	sbarrier.arrive $0xFFFF  }
0x8a: {  	_ =	shalt  }

// kernel: kernel.9.cloned.1.call-start
scs
__scs_entry_jumppad:
0x0: {  	(pc) =	sbr.rel $0x88, $3  }
0x1: {  	(tag) =	ssettag $0x0;
	lr =	simm.s32 $0x1  }
0x2: {  	[smem:$0x3F9B] =	sst lr;
	_ =	strace $0xD0000000  }
0x3: {  	_ = 	snop  }
0x4: {  	_ = 	snop  }
0x5: {  	_ = 	snop  }
0x6: {  	_ = 	snop  }
0x7: {  	_ = 	snop  }
__scs_overlays_trampoline_lowered:
0x8: {  	[smem:$0x3FAA] =	sst s0  }
0x9: {  	[smem:$0x3FAB] =	sst s1  }
0xa: {  	[smem:$0x3FAC] =	sst s2  }
0xb: {  	[smem:$0x3FAD] =	sst s3  }
0xc: {  	[smem:$0x3FAE] =	sst s4  }
0xd: {  	[smem:$0x3FAF] =	sst s5  }
0xe: {  	[smem:$0x3FB0] =	sst s6  }
0xf: {  	[smem:$0x3FB1] =	sst s7  }
0x10: {  	[smem:$0x3FB2] =	sst s8  }
0x11: {  	[smem:$0x3FB3] =	sst s9;
	s0 =	simm.s32 @!p0 $0x0  }
0x12: {  	s1 =	sld [smem:$0x3F99];
	s0 =	simm.s32 @p0 $0x1  }
0x13: {  	[smem:$0x3FB4] =	sst s0;
	s0 =	simm.s32 @!p1 $0x0  }
0x14: {  	s2 =	sld [smem:$0x3F98];
	s0 =	simm.s32 @p1 $0x1  }
0x15: {  	[smem:$0x3FB5] =	sst s0;
	s0 =	simm.s32 @!p2 $0x0  }
0x16: {  	s3 =	sld [smem:$0x3FDB];
	s0 =	simm.s32 @p2 $0x1  }
0x17: {  	s4 =	simm.s32 $0x1BF5;
	[smem:$0x3FB7] =	sst s0  }
0x18: {  	s0 =	sld [smem:$0x3F9A];
	_ =	swait.ge [sflag:s4], $0x0  }
0x19: {  	s7 =	sld [smem:$0x3F9B]  }
0x1a: {  	s8 =	sadd.s32 $0xFFFFE003, lr  }
0x1b: {  	s9 =	sadd.s32 $0xFFFFFEF7, lr;
	s5 =	simm.s32 $0xFFFFFFFF;
	p2 =	slt.u32 s8, $0xFFFFF086  }
0x1c: {  	p1 =	slt.u32 s9, $0xF7A;
	s5 =	simm.s32 @!p2 $0x0  }
0x1d: {  	s5 =	simm.s32 @p1 $0x1;
	p0 =	seq.s32 s7, s2  }
0x1e: {  	s7 =	smul.u32 @!p0 $0xF7A, s2;
	p2 =	seq.s32 @!p0 s5, $0x0  }
0x1f: {  	s9 =	smul.u32 $0xF7A, s1;
	s8 =	simm.s32 @!p0 $0x1BF5;
	p2 =	por !p2, p0  }
0x20: {  	[sflag:s8] =	ssyncset.s32 @!p0 $0xFFFFF086;
	s6 =	sadd.s32 @!p0 s3, s7;
	s7 =	simm.s32 @!p0 $0x108  }
0x21: {  	s3 =	sadd.s32 s3, s9;
	s6 =	sadd.s32 @!p0 $0x88, s6;
	s7 =	simm.s32 @p2 $0x1082  }
0x22: {  	[simem:s7], [sflag:s8] =	dma.local @!p0 [hbm:s6], $0xF7A  }
0x23: {  	s9 =	sor.u32 $0xD0000000, s2;
	s6 =	simm.s32 $0x108;
	_ =	swait.ge @!p0 [sflag:s8], $0x0  }
0x24: {  	s3 =	sadd.s32 $0x88, s3;
	s6 =	simm.s32 @!p1 $0x1082;
	[sflag:s4] =	ssyncset.s32 $0xFFFFF086  }
0x25: {  	[simem:s6], [sflag:s4] =	dma.local [hbm:s3], $0xF7A  }
0x26: {  	[smem:$0x3F9B] =	sst s1;
	(tag) =	ssettag s2;
	_ =	strace s9  }
0x27: {  	s1 =	sld [smem:$0x3FAB]  }
0x28: {  	s2 =	sld [smem:$0x3FAC]  }
0x29: {  	s4 =	sld [smem:$0x3FAE]  }
0x2a: {  	p0 =	seq.s32 s5, $0x0;
	s5 =	sld [smem:$0x3FAF]  }
0x2b: {  	s6 =	sld [smem:$0x3FB0]  }
0x2c: {  	s7 =	sld [smem:$0x3FB1]  }
0x2d: {  	s3 =	simm.s32 $0x108;
	s8 =	sld [smem:$0x3FB2]  }
0x2e: {  	s3 =	simm.s32 @!p0 $0x1082;
	s9 =	sld [smem:$0x3FB3]  }
0x2f: {  	lr =	sadd.s32 s0, s3;
	s0 =	sld [smem:$0x3FAA]  }
0x30: {  	s3 =	sld [smem:$0x3FAD]  }
0x31: {  	[smem:$0x3FB6] =	sst s10  }
0x32: {  	s10 =	sld [smem:$0x3FB4];
	_ =	sdelay $0x3  }
0x33: {  	p0 =	seq.s32 s10, $0x1;
	s10 =	sld [smem:$0x3FB6];
	_ =	sdelay $0x3  }
0x34: {  	[smem:$0x3FB6] =	sst s10  }
0x35: {  	s10 =	sld [smem:$0x3FB5];
	_ =	sdelay $0x3  }
0x36: {  	p1 =	seq.s32 s10, $0x1;
	s10 =	sld [smem:$0x3FB6];
	_ =	sdelay $0x3  }
0x37: {  	[smem:$0x3FB6] =	sst s10  }
0x38: {  	s10 =	sld [smem:$0x3FB7]  }
0x39: {  	_ = 	snop;
	(pc) =	sbr.ind lr, $3  }
0x3a: {  	_ = 	snop  }
0x3b: {  	_ = 	snop  }
0x3c: {  	p2 =	seq.s32 s10, $0x1;
	s10 =	sld [smem:$0x3FB6]  }
0x3d: {  	_ =	shalt  }
0x3e: {  	_ =	shalt  }
0x3f: {  	_ =	shalt  }
0x40: {  	_ =	shalt  }
0x41: {  	_ =	shalt  }
0x42: {  	_ =	shalt  }
0x43: {  	_ =	shalt  }
0x44: {  	_ =	shalt  }
0x45: {  	_ =	shalt  }
0x46: {  	_ =	shalt  }
0x47: {  	_ =	shalt  }
0x48: {  	_ =	shalt  }
0x49: {  	_ =	shalt  }
0x4a: {  	_ =	shalt  }
0x4b: {  	_ =	shalt  }
0x4c: {  	_ =	shalt  }
0x4d: {  	_ =	shalt  }
0x4e: {  	_ =	shalt  }
0x4f: {  	_ =	shalt  }
0x50: {  	_ =	shalt  }
0x51: {  	_ =	shalt  }
0x52: {  	_ =	shalt  }
0x53: {  	_ =	shalt  }
0x54: {  	_ =	shalt  }
0x55: {  	_ =	shalt  }
0x56: {  	_ =	shalt  }
0x57: {  	_ =	shalt  }
0x58: {  	_ =	shalt  }
0x59: {  	_ =	shalt  }
0x5a: {  	_ =	shalt  }
0x5b: {  	_ =	shalt  }
0x5c: {  	_ =	shalt  }
0x5d: {  	_ =	shalt  }
0x5e: {  	_ =	shalt  }
0x5f: {  	_ =	shalt  }
0x60: {  	_ =	shalt  }
0x61: {  	_ =	shalt  }
0x62: {  	_ =	shalt  }
0x63: {  	_ =	shalt  }
0x64: {  	_ =	shalt  }
0x65: {  	_ =	shalt  }
0x66: {  	_ =	shalt  }
0x67: {  	_ =	shalt  }
0x68: {  	_ =	shalt  }
0x69: {  	_ =	shalt  }
0x6a: {  	_ =	shalt  }
0x6b: {  	_ =	shalt  }
0x6c: {  	_ =	shalt  }
0x6d: {  	_ =	shalt  }
0x6e: {  	_ =	shalt  }
0x6f: {  	_ =	shalt  }
0x70: {  	_ =	shalt  }
0x71: {  	_ =	shalt  }
0x72: {  	_ =	shalt  }
0x73: {  	_ =	shalt  }
0x74: {  	_ =	shalt  }
0x75: {  	_ =	shalt  }
0x76: {  	_ =	shalt  }
0x77: {  	_ =	shalt  }
0x78: {  	_ =	shalt  }
0x79: {  	_ =	shalt  }
0x7a: {  	_ =	shalt  }
0x7b: {  	_ =	shalt  }
0x7c: {  	_ =	shalt  }
0x7d: {  	_ =	shalt  }
0x7e: {  	_ =	shalt  }
0x7f: {  	_ =	shalt  }
0x80: {  	_ =	shalt  }
0x81: {  	_ =	shalt  }
0x82: {  	_ =	shalt  }
0x83: {  	_ =	shalt  }
0x84: {  	_ =	shalt  }
0x85: {  	_ =	shalt  }
0x86: {  	_ =	shalt  }
0x87: {  	_ =	shalt  }
.Lfunc_end0:
.L_simem_size_0:
called_computation_lowered:
.L_overlay_start_0:
0x88: {  	s2 =	sld [smem:$0x3FD9]  }
0x89: {  	s3 =	sld [smem:$0x3FFE];
	_ =	sdelay $0x1  }
0x8a: {  	s1 =	srdreg.scid  }
0x8b: {  	s0 =	sand.u32 $0x1, s1  }
0x8c: {  	s17 =	sshll.u32 s0, $0xA;
	s2 =	sadd.s32 s3, s2  }
0x8d: {  	s2 =	sadd.s32 s2, s17  }
0x8e: {  	[smem:$0x3FC2] =	sst s2  }
0x8f: {  	_ = 	snop  }
0x90: {  	s2 =	sld [smem:$0x3FD0];
	(tm) =	ssettm $0x1  }
0x91: {  	s18 =	sld [smem:$0x3FFB];
	_ =	sdelay $0x3  }
0x92: {  	_ =	strace s18  }
0x93: {  	s3 =	sld [smem:$0x3FFC];
	_ =	sdelay $0x3  }
0x94: {  	_ =	strace s3  }
0x95: {  	s3 =	sld [smem:$0x3FFD];
	_ =	sdelay $0x3  }
0x96: {  	_ =	strace s3  }
0x97: {  	_ =	strace $0x8FFFFFFF  }
0x98: {  	s19 =	sld [smem:$0x3FDB];
	_ =	sdelay $0x1  }
0x99: {  	s4 =	simm.s32 $_scs_section_size  }
0x9a: {  	s5 =	simm.s32 $_size__tile_overlayer_lowered;
	s6 =	simm.s32 $_tile_overlayer_lowered  }
0x9b: {  	s22 =	simm.s32 $0x1BFF;
	s21 =	sshll.u32 s6, $0x1;
	s3 =	sadd.s32 s4, s19  }
0x9c: {  	s7 =	simm.s32 $0x0;
	s20 =	sshll.u32 s5, $0x1;
	s5 =	sadd.s32 s21, s3  }
0x9d: {  	[timem:s7], [sflag:s22] =	dma.local [hbm:s5], s20  }
0x9e: {  	_ =	swait.ge [sflag:s22], s20  }
0x9f: {  	s4 =	ssub.s32 $0x0, s20;
	[sflag:s22] =	ssyncset.done $0x0  }
0xa0: {  	[sflag:s22] =	ssyncadd.s32 s4;
	_ =	sdelay $0x1  }
0xa1: {  	s23 =	simm.s32 $0x1B8B  }
0xa2: {  	_ =	swait.ge [sflag:s23], $0x1  }
0xa3: {  	[sflag:s23] =	ssyncset.done $0x0  }
0xa4: {  	s25 =	simm.s32 $0x1B8E;
	s24 =	sld [smem:$0x3FFE];
	[sflag:s23] =	ssyncadd.s32 $0xFFFFFFFF  }
0xa5: {  	s26 =	simm.s32 $execute0_lowered;
	[smem:$0x3FD2] =	sst s25  }
0xa6: {  	s5 =	sshll.u32 s26, $0x1;
	_ =	strace $0x80000046;
	[dreg:$0x1] =	wrdreg $0xFFFFFFFF  }
0xa7: {  	s28 =	simm.s32 $_size_execute0_lowered;
	s3 =	sadd.s32 s3, s5;
	[dreg:$0x0] =	wrdreg $0x0  }
0xa8: {  	s5 =	sshll.u32 s28, $0x1;
	[dreg:$0x2] =	wrdreg s3  }
0xa9: {  	[dreg:$0x3] =	wrdreg s5  }
0xaa: {  	[dreg:$0x4] =	wrdreg $0xC0  }
0xab: {  	_ =	task [dreg:s7], $0x5FFFF  }
0xac: {  	[dreg:$0x1] =	wrdreg $0xFFFFFFFF  }
0xad: {  	[dreg:$0x0] =	wrdreg $0x60  }
0xae: {  	[dreg:$0x2] =	wrdreg s2  }
0xaf: {  	[dreg:$0x3] =	wrdreg s24  }
0xb0: {  	[dreg:$0x4] =	wrdreg $0x40800  }
0xb1: {  	[dreg:$0x5] =	wrdreg $0xA  }
0xb2: {  	_ =	task.clear_ibuf [dreg:s7], $0x6FFFF;
	_ =	strace $0x90000046  }
0xb3: {  	s29 =	simm.s32 $0xA;
	_ =	strace $0x80000048  }
0xb4: {  	_ =	swait.ge [sflag:s29], $0x1  }
0xb5: {  	[sflag:s29] =	ssyncadd.s32 $0xFFFFFFFF  }
0xb6: {  	_ =	strace $0x90000048  }
0xb7: {  	_ =	sfence  }
0xb8: {  	s30 =	sld [smem:$0x0];
	_ =	sdelay $0x2  }
0xb9: {  	s31 =	sshll.u32 s1, $0xD;
	s1 =	sshrl.u32 s1, $0x2  }
0xba: {  	s3 =	sand.u32 $0x4000, s31;
	s1 =	sadd.s32 s1, s30  }
0xbb: {  	s0 =	sor.u32 s3, s0;
	s1 =	sshll.u32 s1, $0x11  }
0xbc: {  	s0 =	sor.u32 s1, s0  }
0xbd: {  	s0 =	sadd.s32 $0x8F2B, s0  }
0xbe: {  	[sflag:s0] =	ssyncadd.remote.s32 $0x1  }
0xbf: {  	_ =	sfence.sel $0xFFFF  }
0xc0: {  	[dreg:$0x0] =	wrdreg $0xFFFFFFFF;
	(pc) =	sbr.abs _section_cstart, $3  }
0xc1: {  	[dreg:$0x1] =	wrdreg $0xFFFFFFFF  }
0xc2: {  	_ =	task.clear_ibuf [dreg:s7], $0x2FFFF;
	_ =	strace $0x9FFFFFFF  }
0xc3: {  	(tm) =	ssettm $0x7FFFFFFF  }
tec
execute0_lowered:
.L_overlay_start_1:
0x0: {  	(tag) =	ssettag $0x1  }
0x1: {  	s9 =	rddreg [dreg:$0x0]  }
0x2: {  	s4 =	rddreg [dreg:$0x1]  }
0x3: {  	s1 =	srdreg.scid;
	s0 =	stileid.u32  }
0x4: {  	s2 =	rddreg [dreg:$0x2];
	s5 =	smul.u32 $0x2800, s0  }
0x5: {  	s3 =	simm.s32 $0x0;
	s16 =	simm.s32 $0x0;
	s8 =	smul.u32 $0x50000, s0  }
0x6: {  	s7 =	sand.u32 $0x1, s1;
	s1 =	rddreg [dreg:$0x3];
	s12 =	smul.u32 $0xA00, s0  }
0x7: {  	[smem:$0x7FF] =	sst s3;
	s14 =	sshll.u32 s0, $0x6;
	s6 =	smul.u32 $0x28000, s7  }
0x8: {  	_ =	strace $0x80000047;
	s29 =	ssub.s32 $0x2, s7;
	s13 =	smul.u32 $0x500, s7  }
0x9: {  	s14 =	sor.u32 $0x1C01, s14;
	s31 =	sshrl.u32 s8, $0x2;
	s5 =	sadd.s32 s5, s6  }
0xa: {  	s30 =	sshrl.u32 s29, $0x1;
	s10 =	sadd.s32 s5, s4;
	s4 =	sadd.s32 s31, s2  }
0xb: {  	s12 =	sadd.s32 s12, s9;
	s11 =	ssub.s32 s29, s30;
	s5 =	sadd.s32 $0x4000, s4  }
0xc: {  	s6 =	sadd.s32 $0x8000, s4;
	s7 =	sadd.s32 $0xC000, s4;
	s8 =	sadd.s32 $0x10000, s4  }
0xd: {  	s9 =	sadd.s32 $0x2200, s10;
	s10 =	smax.u32 s11, $0x1;
	s11 =	sadd.s32 s13, s12  }
0xe: {  	v0 =	vimm.f32 $0.0e+00;
	v1 =	vimm.f32 $1.000000000e+00;
	s12 =	simm.s32 $0x80;
	s13 =	simm.s32 $0x1;
	s15 =	sshrl.u32 s4, $0x3  }
.LBB2_1:
0xf: {  	s17 =	sand.u32 $0xFE00, s3  }
0x10: {  	s18 =	sand.u32 $0x70, s3;
	s19 =	sshrl.u32 s17, $0x2  }
0x11: {  	s17 =	simm.s32 $0x40;
	s19 =	sor.u32 s18, s19;
	s18 =	simm.s32 $0x0  }
.LBB2_2:
0x12: {  	p0 =	sne.s32 s17, $0xFFC0  }
0x13: {  	[tilespmem:s19+$0x80] =	vst v0;
	s18 =	sadd.s32 $0x10, s18;
	s19 =	smov.u32 s17;
	s17 =	sadd.s32 $0x40, s17  }
.Ltmp0:
0x14: {  	(pc) =	sbr.rel @p0 .LBB2_2-.Ltmp0, $4  }
0x15: {  	_ = 	snop  }
0x16: {  	s19 =	sand.u32 $0xFE00, s19  }
0x17: {  	s20 =	sand.u32 $0x70, s18;
	s19 =	sshrl.u32 s19, $0x2  }
0x18: {  	s19 =	sor.u32 s20, s19  }
0x19: {  	[tilespmem:s19+$0x80] =	vst v0  }
0x1a: {  	[spmem:s4] =	stream.linear.scatter [tilespmem:s12], [sflag:$0x1], $0x4000, $0x38;
	[tilespmem:$0x18080] =	vst v63  }
0x1b: {  	_ =	swait.ge [sflag:s13], $0x4000  }
0x1c: {  	[sflag:s13] =	ssyncset.done $0x0  }
0x1d: {  	[sflag:s13] =	ssyncadd.s32 $0xFFFFC000  }
0x1e: {  	[spmem:s5] =	stream.linear.scatter [tilespmem:s12], [sflag:$0x1], $0x4000, $0x38;
	[tilespmem:$0x18080] =	vst v63  }
0x1f: {  	_ =	swait.ge [sflag:s13], $0x4000  }
0x20: {  	[sflag:s13] =	ssyncset.done $0x0  }
0x21: {  	[sflag:s13] =	ssyncadd.s32 $0xFFFFC000  }
0x22: {  	[spmem:s6] =	stream.linear.scatter [tilespmem:s12], [sflag:$0x1], $0x4000, $0x38;
	[tilespmem:$0x18080] =	vst v63  }
0x23: {  	_ =	swait.ge [sflag:s13], $0x4000  }
0x24: {  	[sflag:s13] =	ssyncset.done $0x0  }
0x25: {  	[sflag:s13] =	ssyncadd.s32 $0xFFFFC000  }
0x26: {  	[spmem:s7] =	stream.linear.scatter [tilespmem:s12], [sflag:$0x1], $0x4000, $0x38;
	[tilespmem:$0x18080] =	vst v63  }
0x27: {  	_ =	swait.ge [sflag:s13], $0x4000  }
0x28: {  	[sflag:s13] =	ssyncset.done $0x0  }
0x29: {  	s17 =	simm.s32 $0x0;
	[sflag:s13] =	ssyncadd.s32 $0xFFFFC000  }
0x2a: {  	[spmem:s8] =	stream.linear.scatter [tilespmem:s12], [sflag:$0x1], $0x4000, $0x38;
	[tilespmem:$0x18080] =	vst v63  }
0x2b: {  	s18 =	sand.u32 $0xFE00, s17;
	_ =	swait.ge [sflag:s13], $0x4000  }
0x2c: {  	s31 =	sand.u32 $0x70, s17;
	s20 =	sshrl.u32 s18, $0x2;
	[sflag:s13] =	ssyncset.done $0x0  }
0x2d: {  	s18 =	simm.s32 $0x40;
	s19 =	sor.u32 s31, s20;
	[sflag:s13] =	ssyncadd.s32 $0xFFFFC000  }
.LBB2_4:
0x2e: {  	p0 =	sne.s32 s18, $0xFFC0  }
0x2f: {  	[tilespmem:s19+$0x80] =	vst v1;
	s17 =	sadd.s32 $0x10, s17;
	s19 =	smov.u32 s18;
	s18 =	sadd.s32 $0x40, s18  }
.Ltmp1:
0x30: {  	(pc) =	sbr.rel @p0 .LBB2_4-.Ltmp1, $4  }
0x31: {  	_ = 	snop  }
0x32: {  	s19 =	sand.u32 $0xFE00, s19  }
0x33: {  	s20 =	sand.u32 $0x70, s17;
	s19 =	sshrl.u32 s19, $0x2  }
0x34: {  	s19 =	sor.u32 s20, s19  }
0x35: {  	[tilespmem:s19+$0x80] =	vst v1  }
0x36: {  	s17 =	sadd.s32 $0x0, s11;
	[bflag:$0x0] =	sbarrier.arrive $0xFFFF  }
0x37: {  	[tilespmem:s3], [sflag:$0x1] =	stream.linear.gather [hbm4b:s17+s3], $0x80, $0x38;
	[tilespmem:$0x18080] =	vst v63  }
0x38: {  	_ =	swait.ge [sflag:s13], $0x80  }
0x39: {  	[sflag:s13] =	ssyncset.done $0x0  }
0x3a: {  	[sflag:s13] =	ssyncadd.s32 $0xFFFFFF80  }
0x3b: {  	[spmem:s2] =	stream.indirect.scatter.add.f32 [tilespmem:s12], [sflag:$0x1], $0x80, s3, s12, $0xb8;
	[tilespmem:$0x18080] =	vst v63  }
0x3c: {  	_ =	swait.ge [sflag:s13], $0x4000  }
0x3d: {  	s18 =	simm.s32 $0x20;
	s17 =	simm.s32 $0x10;
	[sflag:s13] =	ssyncset.done $0x0  }
.LBB2_6:
0x3e: {  	s19 =	sadd.s32 s17, s11  }
0x3f: {  	[sflag:s13] =	ssyncadd.s32 $0xFFFFC000;
	s17 =	smov.u32 s18;
	s20 =	sadd.s32 $0x10, s18  }
0x40: {  	[tilespmem:s3], [sflag:$0x1] =	stream.linear.gather [hbm4b:s19+s3], $0x80, $0x38;
	[tilespmem:$0x18080] =	vst v63  }
0x41: {  	p0 =	sne.s32 s18, $0x4F0;
	_ =	swait.ge [sflag:s13], $0x80  }
.Ltmp2:
0x42: {  	[sflag:s13] =	ssyncset.done $0x0;
	(pc) =	sbr.rel @p0 .LBB2_6-.Ltmp2, $4  }
0x43: {  	[sflag:s13] =	ssyncadd.s32 $0xFFFFFF80  }
0x44: {  	[spmem:s2] =	stream.indirect.scatter.add.f32 [tilespmem:s12], [sflag:$0x1], $0x80, s3, s12, $0xb8;
	[tilespmem:$0x18080] =	vst v63  }
0x45: {  	_ =	swait.ge [sflag:s13], $0x4000  }
0x46: {  	s18 =	smov.u32 s20;
	[sflag:s13] =	ssyncset.done $0x0  }
0x47: {  	s17 =	sadd.s32 s17, s11;
	[sflag:s13] =	ssyncadd.s32 $0xFFFFC000  }
0x48: {  	[tilespmem:s3], [sflag:$0x1] =	stream.linear.gather [hbm4b:s17+s3], $0x80, $0x38;
	[tilespmem:$0x18080] =	vst v63  }
0x49: {  	_ =	swait.ge [sflag:s13], $0x80  }
0x4a: {  	[sflag:s13] =	ssyncset.done $0x0  }
0x4b: {  	[sflag:s13] =	ssyncadd.s32 $0xFFFFFF80  }
0x4c: {  	[spmem:s2] =	stream.indirect.scatter.add.f32 [tilespmem:s12], [sflag:$0x1], $0x80, s3, s12, $0xb8;
	[tilespmem:$0x18080] =	vst v63  }
0x4d: {  	_ =	swait.ge [sflag:s13], $0x4000  }
0x4e: {  	s16 =	sadd.s32 $0x1, s16;
	[sflag:s13] =	ssyncset.done $0x0  }
0x4f: {  	p0 =	sne.s32 s16, s10;
	[sflag:s13] =	ssyncadd.s32 $0xFFFFC000  }
.Ltmp3:
0x50: {  	[bflag:$0x0] =	sbarrier.arrive $0xFFFF;
	(pc) =	sbr.rel @p0 .LBB2_1-.Ltmp3, $4  }
0x51: {  	[hbm:s9], [sflag:s14] =	dma.local [spmem:s15], $0x2800  }
0x52: {  	_ =	swait.ge [sflag:s13], $0x2800  }
0x53: {  	[sflag:s13] =	ssyncset.done $0x0  }
0x54: {  	[sflag:s13] =	ssyncadd.s32 $0xFFFFD800  }
0x55: {  	_ =	sfence.sel $0x180000  }
0x56: {  	[bflag:$0x0] =	sbarrier.arrive $0xFFFF  }
0x57: {  	p0 =	sne.s32 s0, $0x0;
	_ =	strace $0x90000047  }
0x58: {  	s0 =	sadd.s32 @!p0 $0x100000, s1;
	[bflag:$0x2] =	sbarrier.arrive $0xFFFF  }
0x59: {  	[sflag:s0] =	ssyncadd.tile.s32 @!p0 $0x1;
	_ =	shalt  }
.Lfunc_end2:
_tile_overlayer_lowered:
.L_overlay_start_2:
0x5a: {  	(tag) =	ssettag $0x2  }
0x5b: {  	s0 =	rddreg [dreg:$0x0];
	s2 =	stileid.u32  }
0x5c: {  	s1 =	rddreg [dreg:$0x1];
	p0 =	sne.s32 s2, $0x0  }
0x5d: {  	s3 =	rddreg [dreg:$0x2];
	[bflag:$0x3] =	sbarrier.arrive $0xFFFF;
	s2 =	simm.s32 @!p0 $0x1C01  }
0x5e: {  	[timem:s3], [sflag:s2] =	dma.local @!p0 [hbm:s0], s1  }
0x5f: {  	s0 =	simm.s32 @!p0 $0x1  }
0x60: {  	_ =	swait.ge @!p0 [sflag:s0], s1  }
0x61: {  	s1 =	ssub.s32 @!p0 $0x0, s1;
	[sflag:s0] =	ssyncset.done @!p0 $0x0  }
0x62: {  	[sflag:s0] =	ssyncadd.s32 @!p0 s1  }
0x63: {  	[bflag:$0x3] =	sbarrier.arrive $0xFFFF  }
0x64: {  	_ =	shalt  }

</sc_bundles>
